<compile_context>
chip_gen: v7x
topology: tpu7x:2x2x1
jax: 0.10.2.dev20260603
libtpu: 0.0.44.dev20260713+nightly
codegen_flags: <defaults>
</compile_context>

<pallas_src>
import functools

import jax
import jax.numpy as jnp
from jax import lax
from jax.experimental import pallas as pl
from jax.experimental.pallas import tpu as pltpu
from jax.experimental.pallas import tpu_sc as plsc

_S = 64.0
_MS = 0.35 * 64.0

_ROWS = 1024
_COLS = 100000
_CR = 16
_G = _COLS // _CR
_L = 16
_NBUF = 3
_NLAB = _ROWS // _L


def _make_sc_kernel():
    info = plsc.get_sparse_core_info()
    nw = info.num_cores * info.num_subcores
    max_cnt = _G // nw + 1
    flag_words = ((max_cnt + _L - 1) // _L + 1) * _L
    mesh = plsc.VectorSubcoreMesh(core_axis_name="c", subcore_axis_name="s")

    @functools.partial(
        pl.kernel,
        out_type=jax.ShapeDtypeStruct((_COLS, _ROWS), jnp.float32),
        mesh=mesh,
        compiler_params=pltpu.CompilerParams(needs_layout_passes=False),
        scratch_types=(
            [pltpu.VMEM((_ROWS,), jnp.int32),
             pltpu.VMEM((flag_words,), jnp.int32)]
            + [pltpu.VMEM((_CR, _ROWS), jnp.float32) for _ in range(2 * _NBUF)]
            + [pltpu.SemaphoreType.DMA for _ in range(2 * _NBUF)]
        ),
    )
    def sc_kernel(x_hbm, lab_hbm, out_hbm,
                  lab_v, flag_v, ib0, ib1, ib2, ob0, ob1, ob2,
                  is0, is1, is2, os0, os1, os2):
        ibufs, obufs = [ib0, ib1, ib2], [ob0, ob1, ob2]
        isems, osems = [is0, is1, is2], [os0, os1, os2]
        cid = lax.axis_index("c")
        sid = lax.axis_index("s")
        wid = sid * info.num_cores + cid
        g0 = wid * _G // nw
        g1 = (wid + 1) * _G // nw
        cnt = g1 - g0
        pltpu.sync_copy(lab_hbm, lab_v)

        def zero(i, c):
            flag_v[pl.ds(i * _L, _L)] = jnp.zeros((_L,), jnp.int32)
            return c

        lax.fori_loop(0, flag_words // _L, zero, 0)
        ones = jnp.ones((_L,), jnp.int32)

        def mark(j, c):
            labs = lab_v[pl.ds(j * _L, _L)]
            q = lax.div(labs, _CR) - g0
            m = (labs >= g0 * _CR) & (labs < g1 * _CR)
            plsc.store_scatter(flag_v, [jnp.where(m, q, 0)], ones, mask=m)
            return c

        lax.fori_loop(0, _NLAB, mark, 0)

        lanes = lax.iota(jnp.int32, _L)

        def in_copy(q, b):
            return pltpu.make_async_copy(
                x_hbm.at[pl.ds((g0 + q) * _CR, _CR)], ibufs[b], isems[b])

        def out_copy(q, b):
            return pltpu.make_async_copy(
                obufs[b], out_hbm.at[pl.ds((g0 + q) * _CR, _CR)], osems[b])

        def compute(q, b):
            ib, ob = ibufs[b], obufs[b]

            def body(i, c):
                for rr in range(_CR):
                    ob[rr, pl.ds(i * _L, _L)] = ib[rr, pl.ds(i * _L, _L)] * _S
                return c

            lax.fori_loop(0, _ROWS // _L, body, 0)

            fbase = (q // _L) * _L
            fl = flag_v[pl.ds(fbase, _L)]
            flag = jnp.max(jnp.where(lanes == q - fbase, fl, 0))

            @pl.when(flag > 0)
            def _():
                c0 = (g0 + q) * _CR

                def fix(j, c):
                    labs = lab_v[pl.ds(j * _L, _L)]
                    m = (labs >= c0) & (labs < c0 + _CR)
                    hit = jnp.max(jnp.where(m, 1, 0))

                    @pl.when(hit > 0)
                    def _():
                        for rr in range(_CR):
                            m_rr = m & (labs == c0 + rr)
                            v = ob[rr, pl.ds(j * _L, _L)]
                            ob[rr, pl.ds(j * _L, _L)] = \
                                jnp.where(m_rr, v - _MS, v)

                    return c

                lax.fori_loop(0, _NLAB, fix, 0)

        for b in range(_NBUF):
            @pl.when(b < cnt)
            def _(b=b):
                in_copy(b, b).start()

        def outer(tt, carry):
            for b in range(_NBUF):
                q = tt * _NBUF + b

                @pl.when(q < cnt)
                def _():
                    @pl.when(q >= _NBUF)
                    def _():
                        out_copy(q - _NBUF, b).wait()

                    in_copy(q, b).wait()
                    compute(q, b)
                    out_copy(q, b).start()

                    @pl.when(q + _NBUF < cnt)
                    def _():
                        in_copy(q + _NBUF, b).start()

            return carry

        lax.fori_loop(0, (max_cnt + _NBUF - 1) // _NBUF, outer, 0)

        for b in range(_NBUF):
            @pl.when(jnp.maximum(cnt - _NBUF, 0) + b < cnt)
            def _(b=b):
                out_copy(0, b).wait()

    return sc_kernel


_sc_kernel = _make_sc_kernel()


@jax.jit
def kernel(logits, labels):
    out_t = _sc_kernel(logits.T, labels.astype(jnp.int32))
    return out_t.T

# --- scband reference (transcript-rebuilt; emitter-appended) ---
"""Pipeline reference for scband-cos-face-69295002354039 (READ-ONLY COPY).

The authoritative reference and input builder live on the scoring server;
editing this copy changes nothing except your own understanding.
"""

import jax, jax.numpy as jnp
import numpy as np

S = 64.0
M = 0.35

def setup_inputs(seed: int = 0) -> dict:
    key = jax.random.key(seed)
    k1, k2 = jax.random.split(key)
    logits = jax.random.normal(k1, (1024, 100000), dtype=jnp.float32)
    labels = jax.random.randint(k2, (1024,), 0, 100000)
    return {"logits": logits, "labels": labels}

def reference(logits, labels):
    # index = torch.where(labels != -1)[0]
    mask = labels != -1
    row_idx = jnp.arange(labels.shape[0])
    safe_lab = jnp.where(mask, labels, 0)
    # target_logit = logits[index, labels[index]]
    target_logit = logits[row_idx, safe_lab]
    final_target_logit = jnp.where(mask, target_logit - M, target_logit)
    # in-place scatter overwrite of the target-class logits
    logits = logits.at[row_idx, safe_lab].set(final_target_logit)
    logits = logits * S
    return logits

if __name__ == "__main__":
    import jax
    _d = setup_inputs()
    print(jax.jit(kernel)(*tuple(_d.values())))

</pallas_src>

<mosaic_0001>
#map = affine_map<(d0, d1) -> (0, 0)>
#map1 = affine_map<(d0, d1) -> (0)>
module attributes {stable_mosaic.version = 14 : i64} {
  func.func @sc_kernel(%arg0: i32, %arg1: i32, %arg2: memref<100000x1024xf32, #tpu.memory_space<hbm>>, %arg3: memref<1024xi32, #tpu.memory_space<hbm>>, %arg4: memref<100000x1024xf32, #tpu.memory_space<hbm>>, %arg5: memref<1024xi32, #tpu.memory_space<vmem>>, %arg6: memref<224xi32, #tpu.memory_space<vmem>>, %arg7: memref<16x1024xf32, #tpu.memory_space<vmem>>, %arg8: memref<16x1024xf32, #tpu.memory_space<vmem>>, %arg9: memref<16x1024xf32, #tpu.memory_space<vmem>>, %arg10: memref<16x1024xf32, #tpu.memory_space<vmem>>, %arg11: memref<16x1024xf32, #tpu.memory_space<vmem>>, %arg12: memref<16x1024xf32, #tpu.memory_space<vmem>>, %arg13: memref<!tpu.dma_semaphore, #tpu.memory_space<semaphore_mem>>, %arg14: memref<!tpu.dma_semaphore, #tpu.memory_space<semaphore_mem>>, %arg15: memref<!tpu.dma_semaphore, #tpu.memory_space<semaphore_mem>>, %arg16: memref<!tpu.dma_semaphore, #tpu.memory_space<semaphore_mem>>, %arg17: memref<!tpu.dma_semaphore, #tpu.memory_space<semaphore_mem>>, %arg18: memref<!tpu.dma_semaphore, #tpu.memory_space<semaphore_mem>>) attributes {dimension_semantics = [#tpu.dimension_semantics<core_parallel>, #tpu.dimension_semantics<subcore_parallel>], iteration_bounds = array<i64: 2, 16>, scalar_prefetch = 0 : i64, scratch_operands = 14 : i64, tpu.core_type = #tpu.core_type<sc_vector_subcore>, window_params = [{transform_indices = #map}, {transform_indices = #map1}, {transform_indices = #map}]} {
    %mul3A = arith.constant 2 : i32
    %mul3A_0 = arith.muli %arg1, %mul3A : i32
    %add3A = arith.addi %mul3A_0, %arg0 : i32
    %mul3A_1 = arith.constant 6250 : i32
    %mul3A_2 = arith.muli %add3A, %mul3A_1 : i32
    %jit3A = arith.constant 32 : i32
    %div3A = arith.divsi %mul3A_2, %jit3A : i32
    %sign3A = arith.constant 0 : i32
    %sign3A_3 = arith.cmpi sgt, %mul3A_2, %sign3A : i32
    %sign3A_4 = arith.extui %sign3A_3 : i1 to i32
    %sign3A_5 = arith.constant 0 : i32
    %sign3A_6 = arith.cmpi slt, %mul3A_2, %sign3A_5 : i32
    %sign3A_7 = arith.extui %sign3A_6 : i1 to i32
    %sign3A_8 = arith.subi %sign3A_4, %sign3A_7 : i32
    %sign3A_9 = arith.constant 0 : i32
    %sign3A_10 = arith.cmpi sgt, %jit3A, %sign3A_9 : i32
    %sign3A_11 = arith.extui %sign3A_10 : i1 to i32
    %sign3A_12 = arith.constant 0 : i32
    %sign3A_13 = arith.cmpi slt, %jit3A, %sign3A_12 : i32
    %sign3A_14 = arith.extui %sign3A_13 : i1 to i32
    %sign3A_15 = arith.subi %sign3A_11, %sign3A_14 : i32
    %ne3A = arith.cmpi ne, %sign3A_8, %sign3A_15 : i32
    %rem3A = arith.remsi %mul3A_2, %jit3A : i32
    %ne3A_16 = arith.constant 0 : i32
    %ne3A_17 = arith.cmpi ne, %rem3A, %ne3A_16 : i32
    %and3A = arith.andi %ne3A, %ne3A_17 : i1
    %sub3A = arith.constant 1 : i32
    %sub3A_18 = arith.subi %div3A, %sub3A : i32
    %select_n3A = arith.select %and3A, %sub3A_18, %div3A : i32
    %add3A_19 = arith.constant 1 : i32
    %add3A_20 = arith.addi %add3A, %add3A_19 : i32
    %mul3A_21 = arith.constant 6250 : i32
    %mul3A_22 = arith.muli %add3A_20, %mul3A_21 : i32
    %jit3A_23 = arith.constant 32 : i32
    %div3A_24 = arith.divsi %mul3A_22, %jit3A_23 : i32
    %sign3A_25 = arith.constant 0 : i32
    %sign3A_26 = arith.cmpi sgt, %mul3A_22, %sign3A_25 : i32
    %sign3A_27 = arith.extui %sign3A_26 : i1 to i32
    %sign3A_28 = arith.constant 0 : i32
    %sign3A_29 = arith.cmpi slt, %mul3A_22, %sign3A_28 : i32
    %sign3A_30 = arith.extui %sign3A_29 : i1 to i32
    %sign3A_31 = arith.subi %sign3A_27, %sign3A_30 : i32
    %sign3A_32 = arith.constant 0 : i32
    %sign3A_33 = arith.cmpi sgt, %jit3A_23, %sign3A_32 : i32
    %sign3A_34 = arith.extui %sign3A_33 : i1 to i32
    %sign3A_35 = arith.constant 0 : i32
    %sign3A_36 = arith.cmpi slt, %jit3A_23, %sign3A_35 : i32
    %sign3A_37 = arith.extui %sign3A_36 : i1 to i32
    %sign3A_38 = arith.subi %sign3A_34, %sign3A_37 : i32
    %ne3A_39 = arith.cmpi ne, %sign3A_31, %sign3A_38 : i32
    %rem3A_40 = arith.remsi %mul3A_22, %jit3A_23 : i32
    %ne3A_41 = arith.constant 0 : i32
    %ne3A_42 = arith.cmpi ne, %rem3A_40, %ne3A_41 : i32
    %and3A_43 = arith.andi %ne3A_39, %ne3A_42 : i1
    %sub3A_44 = arith.constant 1 : i32
    %sub3A_45 = arith.subi %div3A_24, %sub3A_44 : i32
    %select_n3A_46 = arith.select %and3A_43, %sub3A_45, %div3A_24 : i32
    %sub3A_47 = arith.subi %select_n3A_46, %select_n3A : i32
    "tpu.region"() ({
      %run_scoped3A = tpu.sem_alloc : memref<!tpu.dma_semaphore, #tpu.memory_space<semaphore_mem>>
      tpu.enqueue_dma source(%arg3 : memref<1024xi32, #tpu.memory_space<hbm>>) target(%arg5 : memref<1024xi32, #tpu.memory_space<vmem>>) target_semaphore(%run_scoped3A : memref<!tpu.dma_semaphore, #tpu.memory_space<semaphore_mem>>)
      tpu.wait_dma2 semaphore(%run_scoped3A : memref<!tpu.dma_semaphore, #tpu.memory_space<semaphore_mem>>) src(%arg3 : memref<1024xi32, #tpu.memory_space<hbm>>) dst(%arg5 : memref<1024xi32, #tpu.memory_space<vmem>>)
      tpu.yield
    }) : () -> ()
    %scan3A = arith.constant 0 : i32
    %scan3A_48 = arith.constant 0 : i32
    %scan3A_49 = arith.constant 14 : i32
    %scan3A_50 = arith.addi %scan3A_48, %scan3A_49 : i32
    %scan3A_51 = arith.constant 1 : i32
    scf.for %scan3A_106 = %scan3A_48 to %scan3A_50 step %scan3A_51  : i32 {
      %broadcast_in_dim3A_107 = arith.constant 0 : i32
      %broadcast_in_dim3A_108 = vector.broadcast %broadcast_in_dim3A_107 : i32 to vector<16xi32>
      %mul3A_109 = arith.constant 16 : i32
      %mul3A_110 = arith.muli %scan3A_106, %mul3A_109 : i32
      %swap3A = arith.index_cast %mul3A_110 : i32 to index
      %swap3A_111 = tpu.vector_load %arg6[%swap3A] {strides = array<i32>} : memref<224xi32, #tpu.memory_space<vmem>>, vector<16xi32>,
      tpu.vector_store %arg6[%swap3A], %broadcast_in_dim3A_108 {strides = array<i32>} : memref<224xi32, #tpu.memory_space<vmem>>, vector<16xi32>,
    }
    %scan3A_52 = arith.constant 14 : i32
    %broadcast_in_dim3A = arith.constant 1 : i32
    %broadcast_in_dim3A_53 = vector.broadcast %broadcast_in_dim3A : i32 to vector<16xi32>
    %scan3A_54 = arith.constant 0 : i32
    %scan3A_55 = arith.constant 0 : i32
    %scan3A_56 = arith.constant 64 : i32
    %scan3A_57 = arith.addi %scan3A_55, %scan3A_56 : i32
    %scan3A_58 = arith.constant 1 : i32
    scf.for %scan3A_106 = %scan3A_55 to %scan3A_57 step %scan3A_58  : i32 {
      %mul3A_107 = arith.constant 16 : i32
      %mul3A_108 = arith.muli %scan3A_106, %mul3A_107 : i32
      %get3A = arith.index_cast %mul3A_108 : i32 to index
      %get3A_109 = tpu.vector_load %arg5[%get3A] {strides = array<i32>} : memref<1024xi32, #tpu.memory_space<vmem>>, vector<16xi32>,
      %div3A_110 = arith.constant 16 : i32
      %div3A_111 = vector.broadcast %div3A_110 : i32 to vector<16xi32>
      %div3A_112 = arith.divsi %get3A_109, %div3A_111 : vector<16xi32>
      %sub3A_113 = vector.broadcast %select_n3A : i32 to vector<16xi32>
      %sub3A_114 = arith.subi %div3A_112, %sub3A_113 : vector<16xi32>
      %mul3A_115 = arith.constant 16 : i32
      %mul3A_116 = arith.muli %select_n3A, %mul3A_115 : i32
      %ge3A = vector.broadcast %mul3A_116 : i32 to vector<16xi32>
      %ge3A_117 = arith.cmpi sge, %get3A_109, %ge3A : vector<16xi32>
      %mul3A_118 = arith.constant 16 : i32
      %mul3A_119 = arith.muli %select_n3A_46, %mul3A_118 : i32
      %lt3A_120 = vector.broadcast %mul3A_119 : i32 to vector<16xi32>
      %lt3A_121 = arith.cmpi slt, %get3A_109, %lt3A_120 : vector<16xi32>
      %and3A_122 = arith.andi %ge3A_117, %lt3A_121 : vector<16xi1>
      %jit3A_123 = arith.constant 0 : i32
      %broadcast_in_dim3A_124 = vector.broadcast %jit3A_123 : i32 to vector<16xi32>
      %select_n3A_125 = arith.select %and3A_122, %sub3A_114, %broadcast_in_dim3A_124 : vector<16xi1>, vector<16xi32>
      tpu.vector_store_idx %arg6[%select_n3A_125], %broadcast_in_dim3A_53 masked %and3A_122 : memref<224xi32, #tpu.memory_space<vmem>>[vector<16xi32>], vector<16xi32>, vector<16xi1>
    }
    %scan3A_59 = arith.constant 64 : i32
    %iota3A = tpu.iota {dimensions = array<i32: 0>} : vector<16xi32>
    %gt3A = arith.constant 0 : i32
    %gt3A_60 = arith.cmpi sgt, %sub3A_47, %gt3A : i32
    %convert_element_type3A = arith.extui %gt3A_60 : i1 to i32
    %cond3A = arith.constant 0 : i32
    %cond3A_61 = arith.cmpi ne, %convert_element_type3A, %cond3A : i32
    scf.if %cond3A_61 {
      %add3A_106 = arith.constant 0 : i32
      %add3A_107 = arith.addi %select_n3A, %add3A_106 : i32
      %mul3A_108 = arith.constant 16 : i32
      %mul3A_109 = arith.muli %add3A_107, %mul3A_108 : i32
      %dma_start3A = arith.constant 0 : i32
      %dma_start3A_110 = tpu.memref_slice %arg2[%mul3A_109, %dma_start3A] : memref<100000x1024xf32, #tpu.memory_space<hbm>> -> memref<16x1024xf32, #tpu.memory_space<hbm>>
      %dma_start3A_111 = arith.constant 0 : i32
      %dma_start3A_112 = tpu.memref_slice %arg2[%mul3A_109, %dma_start3A_111] : memref<100000x1024xf32, #tpu.memory_space<hbm>> -> memref<16x1024xf32, #tpu.memory_space<hbm>>
      tpu.enqueue_dma source(%dma_start3A_112 : memref<16x1024xf32, #tpu.memory_space<hbm>>) target(%arg7 : memref<16x1024xf32, #tpu.memory_space<vmem>>) target_semaphore(%arg13 : memref<!tpu.dma_semaphore, #tpu.memory_space<semaphore_mem>>)
    } else {
    }
    %gt3A_62 = arith.constant 1 : i32
    %gt3A_63 = arith.cmpi sgt, %sub3A_47, %gt3A_62 : i32
    %convert_element_type3A_64 = arith.extui %gt3A_63 : i1 to i32
    %cond3A_65 = arith.constant 0 : i32
    %cond3A_66 = arith.cmpi ne, %convert_element_type3A_64, %cond3A_65 : i32
    scf.if %cond3A_66 {
      %add3A_106 = arith.constant 1 : i32
      %add3A_107 = arith.addi %select_n3A, %add3A_106 : i32
      %mul3A_108 = arith.constant 16 : i32
      %mul3A_109 = arith.muli %add3A_107, %mul3A_108 : i32
      %dma_start3A = arith.constant 0 : i32
      %dma_start3A_110 = tpu.memref_slice %arg2[%mul3A_109, %dma_start3A] : memref<100000x1024xf32, #tpu.memory_space<hbm>> -> memref<16x1024xf32, #tpu.memory_space<hbm>>
      %dma_start3A_111 = arith.constant 0 : i32
      %dma_start3A_112 = tpu.memref_slice %arg2[%mul3A_109, %dma_start3A_111] : memref<100000x1024xf32, #tpu.memory_space<hbm>> -> memref<16x1024xf32, #tpu.memory_space<hbm>>
      tpu.enqueue_dma source(%dma_start3A_112 : memref<16x1024xf32, #tpu.memory_space<hbm>>) target(%arg8 : memref<16x1024xf32, #tpu.memory_space<vmem>>) target_semaphore(%arg14 : memref<!tpu.dma_semaphore, #tpu.memory_space<semaphore_mem>>)
    } else {
    }
    %gt3A_67 = arith.constant 2 : i32
    %gt3A_68 = arith.cmpi sgt, %sub3A_47, %gt3A_67 : i32
    %convert_element_type3A_69 = arith.extui %gt3A_68 : i1 to i32
    %cond3A_70 = arith.constant 0 : i32
    %cond3A_71 = arith.cmpi ne, %convert_element_type3A_69, %cond3A_70 : i32
    scf.if %cond3A_71 {
      %add3A_106 = arith.constant 2 : i32
      %add3A_107 = arith.addi %select_n3A, %add3A_106 : i32
      %mul3A_108 = arith.constant 16 : i32
      %mul3A_109 = arith.muli %add3A_107, %mul3A_108 : i32
      %dma_start3A = arith.constant 0 : i32
      %dma_start3A_110 = tpu.memref_slice %arg2[%mul3A_109, %dma_start3A] : memref<100000x1024xf32, #tpu.memory_space<hbm>> -> memref<16x1024xf32, #tpu.memory_space<hbm>>
      %dma_start3A_111 = arith.constant 0 : i32
      %dma_start3A_112 = tpu.memref_slice %arg2[%mul3A_109, %dma_start3A_111] : memref<100000x1024xf32, #tpu.memory_space<hbm>> -> memref<16x1024xf32, #tpu.memory_space<hbm>>
      tpu.enqueue_dma source(%dma_start3A_112 : memref<16x1024xf32, #tpu.memory_space<hbm>>) target(%arg9 : memref<16x1024xf32, #tpu.memory_space<vmem>>) target_semaphore(%arg15 : memref<!tpu.dma_semaphore, #tpu.memory_space<semaphore_mem>>)
    } else {
    }
    %scan3A_72 = arith.constant 0 : i32
    %scan3A_73 = arith.constant 0 : i32
    %scan3A_74 = arith.constant 66 : i32
    %scan3A_75 = arith.addi %scan3A_73, %scan3A_74 : i32
    %scan3A_76 = arith.constant 1 : i32
    scf.for %scan3A_106 = %scan3A_73 to %scan3A_75 step %scan3A_76  : i32 {
      %mul3A_107 = arith.constant 3 : i32
      %mul3A_108 = arith.muli %scan3A_106, %mul3A_107 : i32
      %add3A_109 = arith.constant 0 : i32
      %add3A_110 = arith.addi %mul3A_108, %add3A_109 : i32
      %lt3A_111 = arith.cmpi slt, %add3A_110, %sub3A_47 : i32
      %convert_element_type3A_112 = arith.extui %lt3A_111 : i1 to i32
      %cond3A_113 = arith.constant 0 : i32
      %cond3A_114 = arith.cmpi ne, %convert_element_type3A_112, %cond3A_113 : i32
      scf.if %cond3A_114 {
        %ge3A = arith.constant 3 : i32
        %ge3A_131 = arith.cmpi sge, %add3A_110, %ge3A : i32
        %convert_element_type3A_132 = arith.extui %ge3A_131 : i1 to i32
        %cond3A_133 = arith.constant 0 : i32
        %cond3A_134 = arith.cmpi ne, %convert_element_type3A_132, %cond3A_133 : i32
        scf.if %cond3A_134 {
          %sub3A_203 = arith.constant 3 : i32
          %sub3A_204 = arith.subi %add3A_110, %sub3A_203 : i32
          %add3A_205 = arith.addi %select_n3A, %sub3A_204 : i32
          %mul3A_206 = arith.constant 16 : i32
          %mul3A_207 = arith.muli %add3A_205, %mul3A_206 : i32
          %dma_wait3A_208 = arith.constant 0 : i32
          %dma_wait3A_209 = tpu.memref_slice %arg4[%mul3A_207, %dma_wait3A_208] : memref<100000x1024xf32, #tpu.memory_space<hbm>> -> memref<16x1024xf32, #tpu.memory_space<hbm>>
          %dma_wait3A_210 = arith.constant 0 : i32
          %dma_wait3A_211 = tpu.memref_slice %arg4[%mul3A_207, %dma_wait3A_210] : memref<100000x1024xf32, #tpu.memory_space<hbm>> -> memref<16x1024xf32, #tpu.memory_space<hbm>>
          tpu.wait_dma2 semaphore(%arg16 : memref<!tpu.dma_semaphore, #tpu.memory_space<semaphore_mem>>) src(%arg10 : memref<16x1024xf32, #tpu.memory_space<vmem>>) dst(%dma_wait3A_211 : memref<16x1024xf32, #tpu.memory_space<hbm>>)
        } else {
        }
        %add3A_135 = arith.addi %select_n3A, %add3A_110 : i32
        %mul3A_136 = arith.constant 16 : i32
        %mul3A_137 = arith.muli %add3A_135, %mul3A_136 : i32
        %dma_wait3A = arith.constant 0 : i32
        %dma_wait3A_138 = tpu.memref_slice %arg2[%mul3A_137, %dma_wait3A] : memref<100000x1024xf32, #tpu.memory_space<hbm>> -> memref<16x1024xf32, #tpu.memory_space<hbm>>
        %dma_wait3A_139 = arith.constant 0 : i32
        %dma_wait3A_140 = tpu.memref_slice %arg2[%mul3A_137, %dma_wait3A_139] : memref<100000x1024xf32, #tpu.memory_space<hbm>> -> memref<16x1024xf32, #tpu.memory_space<hbm>>
        tpu.wait_dma2 semaphore(%arg13 : memref<!tpu.dma_semaphore, #tpu.memory_space<semaphore_mem>>) src(%dma_wait3A_140 : memref<16x1024xf32, #tpu.memory_space<hbm>>) dst(%arg7 : memref<16x1024xf32, #tpu.memory_space<vmem>>)
        %scan3A_141 = arith.constant 0 : i32
        %scan3A_142 = arith.constant 0 : i32
        %scan3A_143 = arith.constant 64 : i32
        %scan3A_144 = arith.addi %scan3A_142, %scan3A_143 : i32
        %scan3A_145 = arith.constant 1 : i32
        scf.for %scan3A_203 = %scan3A_142 to %scan3A_144 step %scan3A_145  : i32 {
          %mul3A_204 = arith.constant 16 : i32
          %mul3A_205 = arith.muli %scan3A_203, %mul3A_204 : i32
          %get3A_206 = arith.constant 0 : i32
          %get3A_207 = arith.index_cast %get3A_206 : i32 to index
          %get3A_208 = arith.index_cast %mul3A_205 : i32 to index
          %get3A_209 = tpu.vector_load %arg7[%get3A_207, %get3A_208] {strides = array<i32>} : memref<16x1024xf32, #tpu.memory_space<vmem>>, vector<16xf32>,
          %mul3A_210 = arith.constant 6.400000e+01 : f32
          %mul3A_211 = vector.broadcast %mul3A_210 : f32 to vector<16xf32>
          %mul3A_212 = arith.mulf %get3A_209, %mul3A_211 : vector<16xf32>
          %mul3A_213 = arith.constant 16 : i32
          %mul3A_214 = arith.muli %scan3A_203, %mul3A_213 : i32
          %swap3A = arith.constant 0 : i32
          %swap3A_215 = arith.index_cast %swap3A : i32 to index
          %swap3A_216 = arith.index_cast %mul3A_214 : i32 to index
          %swap3A_217 = tpu.vector_load %arg10[%swap3A_215, %swap3A_216] {strides = array<i32>} : memref<16x1024xf32, #tpu.memory_space<vmem>>, vector<16xf32>,
          tpu.vector_store %arg10[%swap3A_215, %swap3A_216], %mul3A_212 {strides = array<i32>} : memref<16x1024xf32, #tpu.memory_space<vmem>>, vector<16xf32>,
          %mul3A_218 = arith.constant 16 : i32
          %mul3A_219 = arith.muli %scan3A_203, %mul3A_218 : i32
          %get3A_220 = arith.constant 1 : i32
          %get3A_221 = arith.index_cast %get3A_220 : i32 to index
          %get3A_222 = arith.index_cast %mul3A_219 : i32 to index
          %get3A_223 = tpu.vector_load %arg7[%get3A_221, %get3A_222] {strides = array<i32>} : memref<16x1024xf32, #tpu.memory_space<vmem>>, vector<16xf32>,
          %mul3A_224 = arith.constant 6.400000e+01 : f32
          %mul3A_225 = vector.broadcast %mul3A_224 : f32 to vector<16xf32>
          %mul3A_226 = arith.mulf %get3A_223, %mul3A_225 : vector<16xf32>
          %mul3A_227 = arith.constant 16 : i32
          %mul3A_228 = arith.muli %scan3A_203, %mul3A_227 : i32
          %swap3A_229 = arith.constant 1 : i32
          %swap3A_230 = arith.index_cast %swap3A_229 : i32 to index
          %swap3A_231 = arith.index_cast %mul3A_228 : i32 to index
          %swap3A_232 = tpu.vector_load %arg10[%swap3A_230, %swap3A_231] {strides = array<i32>} : memref<16x1024xf32, #tpu.memory_space<vmem>>, vector<16xf32>,
          tpu.vector_store %arg10[%swap3A_230, %swap3A_231], %mul3A_226 {strides = array<i32>} : memref<16x1024xf32, #tpu.memory_space<vmem>>, vector<16xf32>,
          %mul3A_233 = arith.constant 16 : i32
          %mul3A_234 = arith.muli %scan3A_203, %mul3A_233 : i32
          %get3A_235 = arith.constant 2 : i32
          %get3A_236 = arith.index_cast %get3A_235 : i32 to index
          %get3A_237 = arith.index_cast %mul3A_234 : i32 to index
          %get3A_238 = tpu.vector_load %arg7[%get3A_236, %get3A_237] {strides = array<i32>} : memref<16x1024xf32, #tpu.memory_space<vmem>>, vector<16xf32>,
          %mul3A_239 = arith.constant 6.400000e+01 : f32
          %mul3A_240 = vector.broadcast %mul3A_239 : f32 to vector<16xf32>
          %mul3A_241 = arith.mulf %get3A_238, %mul3A_240 : vector<16xf32>
          %mul3A_242 = arith.constant 16 : i32
          %mul3A_243 = arith.muli %scan3A_203, %mul3A_242 : i32
          %swap3A_244 = arith.constant 2 : i32
          %swap3A_245 = arith.index_cast %swap3A_244 : i32 to index
          %swap3A_246 = arith.index_cast %mul3A_243 : i32 to index
          %swap3A_247 = tpu.vector_load %arg10[%swap3A_245, %swap3A_246] {strides = array<i32>} : memref<16x1024xf32, #tpu.memory_space<vmem>>, vector<16xf32>,
          tpu.vector_store %arg10[%swap3A_245, %swap3A_246], %mul3A_241 {strides = array<i32>} : memref<16x1024xf32, #tpu.memory_space<vmem>>, vector<16xf32>,
          %mul3A_248 = arith.constant 16 : i32
          %mul3A_249 = arith.muli %scan3A_203, %mul3A_248 : i32
          %get3A_250 = arith.constant 3 : i32
          %get3A_251 = arith.index_cast %get3A_250 : i32 to index
          %get3A_252 = arith.index_cast %mul3A_249 : i32 to index
          %get3A_253 = tpu.vector_load %arg7[%get3A_251, %get3A_252] {strides = array<i32>} : memref<16x1024xf32, #tpu.memory_space<vmem>>, vector<16xf32>,
          %mul3A_254 = arith.constant 6.400000e+01 : f32
          %mul3A_255 = vector.broadcast %mul3A_254 : f32 to vector<16xf32>
          %mul3A_256 = arith.mulf %get3A_253, %mul3A_255 : vector<16xf32>
          %mul3A_257 = arith.constant 16 : i32
          %mul3A_258 = arith.muli %scan3A_203, %mul3A_257 : i32
          %swap3A_259 = arith.constant 3 : i32
          %swap3A_260 = arith.index_cast %swap3A_259 : i32 to index
          %swap3A_261 = arith.index_cast %mul3A_258 : i32 to index
          %swap3A_262 = tpu.vector_load %arg10[%swap3A_260, %swap3A_261] {strides = array<i32>} : memref<16x1024xf32, #tpu.memory_space<vmem>>, vector<16xf32>,
          tpu.vector_store %arg10[%swap3A_260, %swap3A_261], %mul3A_256 {strides = array<i32>} : memref<16x1024xf32, #tpu.memory_space<vmem>>, vector<16xf32>,
          %mul3A_263 = arith.constant 16 : i32
          %mul3A_264 = arith.muli %scan3A_203, %mul3A_263 : i32
          %get3A_265 = arith.constant 4 : i32
          %get3A_266 = arith.index_cast %get3A_265 : i32 to index
          %get3A_267 = arith.index_cast %mul3A_264 : i32 to index
          %get3A_268 = tpu.vector_load %arg7[%get3A_266, %get3A_267] {strides = array<i32>} : memref<16x1024xf32, #tpu.memory_space<vmem>>, vector<16xf32>,
          %mul3A_269 = arith.constant 6.400000e+01 : f32
          %mul3A_270 = vector.broadcast %mul3A_269 : f32 to vector<16xf32>
          %mul3A_271 = arith.mulf %get3A_268, %mul3A_270 : vector<16xf32>
          %mul3A_272 = arith.constant 16 : i32
          %mul3A_273 = arith.muli %scan3A_203, %mul3A_272 : i32
          %swap3A_274 = arith.constant 4 : i32
          %swap3A_275 = arith.index_cast %swap3A_274 : i32 to index
          %swap3A_276 = arith.index_cast %mul3A_273 : i32 to index
          %swap3A_277 = tpu.vector_load %arg10[%swap3A_275, %swap3A_276] {strides = array<i32>} : memref<16x1024xf32, #tpu.memory_space<vmem>>, vector<16xf32>,
          tpu.vector_store %arg10[%swap3A_275, %swap3A_276], %mul3A_271 {strides = array<i32>} : memref<16x1024xf32, #tpu.memory_space<vmem>>, vector<16xf32>,
          %mul3A_278 = arith.constant 16 : i32
          %mul3A_279 = arith.muli %scan3A_203, %mul3A_278 : i32
          %get3A_280 = arith.constant 5 : i32
          %get3A_281 = arith.index_cast %get3A_280 : i32 to index
          %get3A_282 = arith.index_cast %mul3A_279 : i32 to index
          %get3A_283 = tpu.vector_load %arg7[%get3A_281, %get3A_282] {strides = array<i32>} : memref<16x1024xf32, #tpu.memory_space<vmem>>, vector<16xf32>,
          %mul3A_284 = arith.constant 6.400000e+01 : f32
          %mul3A_285 = vector.broadcast %mul3A_284 : f32 to vector<16xf32>
          %mul3A_286 = arith.mulf %get3A_283, %mul3A_285 : vector<16xf32>
          %mul3A_287 = arith.constant 16 : i32
          %mul3A_288 = arith.muli %scan3A_203, %mul3A_287 : i32
          %swap3A_289 = arith.constant 5 : i32
          %swap3A_290 = arith.index_cast %swap3A_289 : i32 to index
          %swap3A_291 = arith.index_cast %mul3A_288 : i32 to index
          %swap3A_292 = tpu.vector_load %arg10[%swap3A_290, %swap3A_291] {strides = array<i32>} : memref<16x1024xf32, #tpu.memory_space<vmem>>, vector<16xf32>,
          tpu.vector_store %arg10[%swap3A_290, %swap3A_291], %mul3A_286 {strides = array<i32>} : memref<16x1024xf32, #tpu.memory_space<vmem>>, vector<16xf32>,
          %mul3A_293 = arith.constant 16 : i32
          %mul3A_294 = arith.muli %scan3A_203, %mul3A_293 : i32
          %get3A_295 = arith.constant 6 : i32
          %get3A_296 = arith.index_cast %get3A_295 : i32 to index
          %get3A_297 = arith.index_cast %mul3A_294 : i32 to index
          %get3A_298 = tpu.vector_load %arg7[%get3A_296, %get3A_297] {strides = array<i32>} : memref<16x1024xf32, #tpu.memory_space<vmem>>, vector<16xf32>,
          %mul3A_299 = arith.constant 6.400000e+01 : f32
          %mul3A_300 = vector.broadcast %mul3A_299 : f32 to vector<16xf32>
          %mul3A_301 = arith.mulf %get3A_298, %mul3A_300 : vector<16xf32>
          %mul3A_302 = arith.constant 16 : i32
          %mul3A_303 = arith.muli %scan3A_203, %mul3A_302 : i32
          %swap3A_304 = arith.constant 6 : i32
          %swap3A_305 = arith.index_cast %swap3A_304 : i32 to index
          %swap3A_306 = arith.index_cast %mul3A_303 : i32 to index
          %swap3A_307 = tpu.vector_load %arg10[%swap3A_305, %swap3A_306] {strides = array<i32>} : memref<16x1024xf32, #tpu.memory_space<vmem>>, vector<16xf32>,
          tpu.vector_store %arg10[%swap3A_305, %swap3A_306], %mul3A_301 {strides = array<i32>} : memref<16x1024xf32, #tpu.memory_space<vmem>>, vector<16xf32>,
          %mul3A_308 = arith.constant 16 : i32
          %mul3A_309 = arith.muli %scan3A_203, %mul3A_308 : i32
          %get3A_310 = arith.constant 7 : i32
          %get3A_311 = arith.index_cast %get3A_310 : i32 to index
          %get3A_312 = arith.index_cast %mul3A_309 : i32 to index
          %get3A_313 = tpu.vector_load %arg7[%get3A_311, %get3A_312] {strides = array<i32>} : memref<16x1024xf32, #tpu.memory_space<vmem>>, vector<16xf32>,
          %mul3A_314 = arith.constant 6.400000e+01 : f32
          %mul3A_315 = vector.broadcast %mul3A_314 : f32 to vector<16xf32>
          %mul3A_316 = arith.mulf %get3A_313, %mul3A_315 : vector<16xf32>
          %mul3A_317 = arith.constant 16 : i32
          %mul3A_318 = arith.muli %scan3A_203, %mul3A_317 : i32
          %swap3A_319 = arith.constant 7 : i32
          %swap3A_320 = arith.index_cast %swap3A_319 : i32 to index
          %swap3A_321 = arith.index_cast %mul3A_318 : i32 to index
          %swap3A_322 = tpu.vector_load %arg10[%swap3A_320, %swap3A_321] {strides = array<i32>} : memref<16x1024xf32, #tpu.memory_space<vmem>>, vector<16xf32>,
          tpu.vector_store %arg10[%swap3A_320, %swap3A_321], %mul3A_316 {strides = array<i32>} : memref<16x1024xf32, #tpu.memory_space<vmem>>, vector<16xf32>,
          %mul3A_323 = arith.constant 16 : i32
          %mul3A_324 = arith.muli %scan3A_203, %mul3A_323 : i32
          %get3A_325 = arith.constant 8 : i32
          %get3A_326 = arith.index_cast %get3A_325 : i32 to index
          %get3A_327 = arith.index_cast %mul3A_324 : i32 to index
          %get3A_328 = tpu.vector_load %arg7[%get3A_326, %get3A_327] {strides = array<i32>} : memref<16x1024xf32, #tpu.memory_space<vmem>>, vector<16xf32>,
          %mul3A_329 = arith.constant 6.400000e+01 : f32
          %mul3A_330 = vector.broadcast %mul3A_329 : f32 to vector<16xf32>
          %mul3A_331 = arith.mulf %get3A_328, %mul3A_330 : vector<16xf32>
          %mul3A_332 = arith.constant 16 : i32
          %mul3A_333 = arith.muli %scan3A_203, %mul3A_332 : i32
          %swap3A_334 = arith.constant 8 : i32
          %swap3A_335 = arith.index_cast %swap3A_334 : i32 to index
          %swap3A_336 = arith.index_cast %mul3A_333 : i32 to index
          %swap3A_337 = tpu.vector_load %arg10[%swap3A_335, %swap3A_336] {strides = array<i32>} : memref<16x1024xf32, #tpu.memory_space<vmem>>, vector<16xf32>,
          tpu.vector_store %arg10[%swap3A_335, %swap3A_336], %mul3A_331 {strides = array<i32>} : memref<16x1024xf32, #tpu.memory_space<vmem>>, vector<16xf32>,
          %mul3A_338 = arith.constant 16 : i32
          %mul3A_339 = arith.muli %scan3A_203, %mul3A_338 : i32
          %get3A_340 = arith.constant 9 : i32
          %get3A_341 = arith.index_cast %get3A_340 : i32 to index
          %get3A_342 = arith.index_cast %mul3A_339 : i32 to index
          %get3A_343 = tpu.vector_load %arg7[%get3A_341, %get3A_342] {strides = array<i32>} : memref<16x1024xf32, #tpu.memory_space<vmem>>, vector<16xf32>,
          %mul3A_344 = arith.constant 6.400000e+01 : f32
          %mul3A_345 = vector.broadcast %mul3A_344 : f32 to vector<16xf32>
          %mul3A_346 = arith.mulf %get3A_343, %mul3A_345 : vector<16xf32>
          %mul3A_347 = arith.constant 16 : i32
          %mul3A_348 = arith.muli %scan3A_203, %mul3A_347 : i32
          %swap3A_349 = arith.constant 9 : i32
          %swap3A_350 = arith.index_cast %swap3A_349 : i32 to index
          %swap3A_351 = arith.index_cast %mul3A_348 : i32 to index
          %swap3A_352 = tpu.vector_load %arg10[%swap3A_350, %swap3A_351] {strides = array<i32>} : memref<16x1024xf32, #tpu.memory_space<vmem>>, vector<16xf32>,
          tpu.vector_store %arg10[%swap3A_350, %swap3A_351], %mul3A_346 {strides = array<i32>} : memref<16x1024xf32, #tpu.memory_space<vmem>>, vector<16xf32>,
          %mul3A_353 = arith.constant 16 : i32
          %mul3A_354 = arith.muli %scan3A_203, %mul3A_353 : i32
          %get3A_355 = arith.constant 10 : i32
          %get3A_356 = arith.index_cast %get3A_355 : i32 to index
          %get3A_357 = arith.index_cast %mul3A_354 : i32 to index
          %get3A_358 = tpu.vector_load %arg7[%get3A_356, %get3A_357] {strides = array<i32>} : memref<16x1024xf32, #tpu.memory_space<vmem>>, vector<16xf32>,
          %mul3A_359 = arith.constant 6.400000e+01 : f32
          %mul3A_360 = vector.broadcast %mul3A_359 : f32 to vector<16xf32>
          %mul3A_361 = arith.mulf %get3A_358, %mul3A_360 : vector<16xf32>
          %mul3A_362 = arith.constant 16 : i32
          %mul3A_363 = arith.muli %scan3A_203, %mul3A_362 : i32
          %swap3A_364 = arith.constant 10 : i32
          %swap3A_365 = arith.index_cast %swap3A_364 : i32 to index
          %swap3A_366 = arith.index_cast %mul3A_363 : i32 to index
          %swap3A_367 = tpu.vector_load %arg10[%swap3A_365, %swap3A_366] {strides = array<i32>} : memref<16x1024xf32, #tpu.memory_space<vmem>>, vector<16xf32>,
          tpu.vector_store %arg10[%swap3A_365, %swap3A_366], %mul3A_361 {strides = array<i32>} : memref<16x1024xf32, #tpu.memory_space<vmem>>, vector<16xf32>,
          %mul3A_368 = arith.constant 16 : i32
          %mul3A_369 = arith.muli %scan3A_203, %mul3A_368 : i32
          %get3A_370 = arith.constant 11 : i32
          %get3A_371 = arith.index_cast %get3A_370 : i32 to index
          %get3A_372 = arith.index_cast %mul3A_369 : i32 to index
          %get3A_373 = tpu.vector_load %arg7[%get3A_371, %get3A_372] {strides = array<i32>} : memref<16x1024xf32, #tpu.memory_space<vmem>>, vector<16xf32>,
          %mul3A_374 = arith.constant 6.400000e+01 : f32
          %mul3A_375 = vector.broadcast %mul3A_374 : f32 to vector<16xf32>
          %mul3A_376 = arith.mulf %get3A_373, %mul3A_375 : vector<16xf32>
          %mul3A_377 = arith.constant 16 : i32
          %mul3A_378 = arith.muli %scan3A_203, %mul3A_377 : i32
          %swap3A_379 = arith.constant 11 : i32
          %swap3A_380 = arith.index_cast %swap3A_379 : i32 to index
          %swap3A_381 = arith.index_cast %mul3A_378 : i32 to index
          %swap3A_382 = tpu.vector_load %arg10[%swap3A_380, %swap3A_381] {strides = array<i32>} : memref<16x1024xf32, #tpu.memory_space<vmem>>, vector<16xf32>,
          tpu.vector_store %arg10[%swap3A_380, %swap3A_381], %mul3A_376 {strides = array<i32>} : memref<16x1024xf32, #tpu.memory_space<vmem>>, vector<16xf32>,
          %mul3A_383 = arith.constant 16 : i32
          %mul3A_384 = arith.muli %scan3A_203, %mul3A_383 : i32
          %get3A_385 = arith.constant 12 : i32
          %get3A_386 = arith.index_cast %get3A_385 : i32 to index
          %get3A_387 = arith.index_cast %mul3A_384 : i32 to index
          %get3A_388 = tpu.vector_load %arg7[%get3A_386, %get3A_387] {strides = array<i32>} : memref<16x1024xf32, #tpu.memory_space<vmem>>, vector<16xf32>,
          %mul3A_389 = arith.constant 6.400000e+01 : f32
          %mul3A_390 = vector.broadcast %mul3A_389 : f32 to vector<16xf32>
          %mul3A_391 = arith.mulf %get3A_388, %mul3A_390 : vector<16xf32>
          %mul3A_392 = arith.constant 16 : i32
          %mul3A_393 = arith.muli %scan3A_203, %mul3A_392 : i32
          %swap3A_394 = arith.constant 12 : i32
          %swap3A_395 = arith.index_cast %swap3A_394 : i32 to index
          %swap3A_396 = arith.index_cast %mul3A_393 : i32 to index
          %swap3A_397 = tpu.vector_load %arg10[%swap3A_395, %swap3A_396] {strides = array<i32>} : memref<16x1024xf32, #tpu.memory_space<vmem>>, vector<16xf32>,
          tpu.vector_store %arg10[%swap3A_395, %swap3A_396], %mul3A_391 {strides = array<i32>} : memref<16x1024xf32, #tpu.memory_space<vmem>>, vector<16xf32>,
          %mul3A_398 = arith.constant 16 : i32
          %mul3A_399 = arith.muli %scan3A_203, %mul3A_398 : i32
          %get3A_400 = arith.constant 13 : i32
          %get3A_401 = arith.index_cast %get3A_400 : i32 to index
          %get3A_402 = arith.index_cast %mul3A_399 : i32 to index
          %get3A_403 = tpu.vector_load %arg7[%get3A_401, %get3A_402] {strides = array<i32>} : memref<16x1024xf32, #tpu.memory_space<vmem>>, vector<16xf32>,
          %mul3A_404 = arith.constant 6.400000e+01 : f32
          %mul3A_405 = vector.broadcast %mul3A_404 : f32 to vector<16xf32>
          %mul3A_406 = arith.mulf %get3A_403, %mul3A_405 : vector<16xf32>
          %mul3A_407 = arith.constant 16 : i32
          %mul3A_408 = arith.muli %scan3A_203, %mul3A_407 : i32
          %swap3A_409 = arith.constant 13 : i32
          %swap3A_410 = arith.index_cast %swap3A_409 : i32 to index
          %swap3A_411 = arith.index_cast %mul3A_408 : i32 to index
          %swap3A_412 = tpu.vector_load %arg10[%swap3A_410, %swap3A_411] {strides = array<i32>} : memref<16x1024xf32, #tpu.memory_space<vmem>>, vector<16xf32>,
          tpu.vector_store %arg10[%swap3A_410, %swap3A_411], %mul3A_406 {strides = array<i32>} : memref<16x1024xf32, #tpu.memory_space<vmem>>, vector<16xf32>,
          %mul3A_413 = arith.constant 16 : i32
          %mul3A_414 = arith.muli %scan3A_203, %mul3A_413 : i32
          %get3A_415 = arith.constant 14 : i32
          %get3A_416 = arith.index_cast %get3A_415 : i32 to index
          %get3A_417 = arith.index_cast %mul3A_414 : i32 to index
          %get3A_418 = tpu.vector_load %arg7[%get3A_416, %get3A_417] {strides = array<i32>} : memref<16x1024xf32, #tpu.memory_space<vmem>>, vector<16xf32>,
          %mul3A_419 = arith.constant 6.400000e+01 : f32
          %mul3A_420 = vector.broadcast %mul3A_419 : f32 to vector<16xf32>
          %mul3A_421 = arith.mulf %get3A_418, %mul3A_420 : vector<16xf32>
          %mul3A_422 = arith.constant 16 : i32
          %mul3A_423 = arith.muli %scan3A_203, %mul3A_422 : i32
          %swap3A_424 = arith.constant 14 : i32
          %swap3A_425 = arith.index_cast %swap3A_424 : i32 to index
          %swap3A_426 = arith.index_cast %mul3A_423 : i32 to index
          %swap3A_427 = tpu.vector_load %arg10[%swap3A_425, %swap3A_426] {strides = array<i32>} : memref<16x1024xf32, #tpu.memory_space<vmem>>, vector<16xf32>,
          tpu.vector_store %arg10[%swap3A_425, %swap3A_426], %mul3A_421 {strides = array<i32>} : memref<16x1024xf32, #tpu.memory_space<vmem>>, vector<16xf32>,
          %mul3A_428 = arith.constant 16 : i32
          %mul3A_429 = arith.muli %scan3A_203, %mul3A_428 : i32
          %get3A_430 = arith.constant 15 : i32
          %get3A_431 = arith.index_cast %get3A_430 : i32 to index
          %get3A_432 = arith.index_cast %mul3A_429 : i32 to index
          %get3A_433 = tpu.vector_load %arg7[%get3A_431, %get3A_432] {strides = array<i32>} : memref<16x1024xf32, #tpu.memory_space<vmem>>, vector<16xf32>,
          %mul3A_434 = arith.constant 6.400000e+01 : f32
          %mul3A_435 = vector.broadcast %mul3A_434 : f32 to vector<16xf32>
          %mul3A_436 = arith.mulf %get3A_433, %mul3A_435 : vector<16xf32>
          %mul3A_437 = arith.constant 16 : i32
          %mul3A_438 = arith.muli %scan3A_203, %mul3A_437 : i32
          %swap3A_439 = arith.constant 15 : i32
          %swap3A_440 = arith.index_cast %swap3A_439 : i32 to index
          %swap3A_441 = arith.index_cast %mul3A_438 : i32 to index
          %swap3A_442 = tpu.vector_load %arg10[%swap3A_440, %swap3A_441] {strides = array<i32>} : memref<16x1024xf32, #tpu.memory_space<vmem>>, vector<16xf32>,
          tpu.vector_store %arg10[%swap3A_440, %swap3A_441], %mul3A_436 {strides = array<i32>} : memref<16x1024xf32, #tpu.memory_space<vmem>>, vector<16xf32>,
        }
        %scan3A_146 = arith.constant 64 : i32
        %jit3A_147 = arith.constant 16 : i32
        %div3A_148 = arith.divsi %add3A_110, %jit3A_147 : i32
        %sign3A_149 = arith.constant 0 : i32
        %sign3A_150 = arith.cmpi sgt, %add3A_110, %sign3A_149 : i32
        %sign3A_151 = arith.extui %sign3A_150 : i1 to i32
        %sign3A_152 = arith.constant 0 : i32
        %sign3A_153 = arith.cmpi slt, %add3A_110, %sign3A_152 : i32
        %sign3A_154 = arith.extui %sign3A_153 : i1 to i32
        %sign3A_155 = arith.subi %sign3A_151, %sign3A_154 : i32
        %sign3A_156 = arith.constant 0 : i32
        %sign3A_157 = arith.cmpi sgt, %jit3A_147, %sign3A_156 : i32
        %sign3A_158 = arith.extui %sign3A_157 : i1 to i32
        %sign3A_159 = arith.constant 0 : i32
        %sign3A_160 = arith.cmpi slt, %jit3A_147, %sign3A_159 : i32
        %sign3A_161 = arith.extui %sign3A_160 : i1 to i32
        %sign3A_162 = arith.subi %sign3A_158, %sign3A_161 : i32
        %ne3A_163 = arith.cmpi ne, %sign3A_155, %sign3A_162 : i32
        %rem3A_164 = arith.remsi %add3A_110, %jit3A_147 : i32
        %ne3A_165 = arith.constant 0 : i32
        %ne3A_166 = arith.cmpi ne, %rem3A_164, %ne3A_165 : i32
        %and3A_167 = arith.andi %ne3A_163, %ne3A_166 : i1
        %sub3A_168 = arith.constant 1 : i32
        %sub3A_169 = arith.subi %div3A_148, %sub3A_168 : i32
        %select_n3A_170 = arith.select %and3A_167, %sub3A_169, %div3A_148 : i32
        %mul3A_171 = arith.constant 16 : i32
        %mul3A_172 = arith.muli %select_n3A_170, %mul3A_171 : i32
        %get3A = arith.index_cast %mul3A_172 : i32 to index
        %get3A_173 = tpu.vector_load %arg6[%get3A] {strides = array<i32>} : memref<224xi32, #tpu.memory_space<vmem>>, vector<16xi32>,
        %sub3A_174 = arith.subi %add3A_110, %mul3A_172 : i32
        %eq3A = vector.broadcast %sub3A_174 : i32 to vector<16xi32>
        %eq3A_175 = arith.cmpi eq, %iota3A, %eq3A : vector<16xi32>
        %jit3A_176 = arith.constant 0 : i32
        %broadcast_in_dim3A_177 = vector.broadcast %jit3A_176 : i32 to vector<16xi32>
        %select_n3A_178 = arith.select %eq3A_175, %get3A_173, %broadcast_in_dim3A_177 : vector<16xi1>, vector<16xi32>
        %reduce_max3A = arith.constant true
        %reduce_max3A_179 = vector.broadcast %reduce_max3A : i1 to vector<16xi1>
        %reduce_max3A_180 = arith.constant -2147483648 : i32
        %reduce_max3A_181 = vector.broadcast %reduce_max3A_180 : i32 to vector<16xi32>
        %reduce_max3A_182 = arith.xori %select_n3A_178, %reduce_max3A_181 : vector<16xi32>
        %reduce_max3A_183 = tpu.scan <max>, %reduce_max3A_182 masked %reduce_max3A_179 : vector<16xi32>, vector<16xi1> -> vector<16xi32>
        %reduce_max3A_184 = arith.xori %reduce_max3A_183, %reduce_max3A_181 : vector<16xi32>
        %reduce_max3A_185 = vector.extract %reduce_max3A_184[15] : i32 from vector<16xi32>
        %gt3A_186 = arith.constant 0 : i32
        %gt3A_187 = arith.cmpi sgt, %reduce_max3A_185, %gt3A_186 : i32
        %convert_element_type3A_188 = arith.extui %gt3A_187 : i1 to i32
        %cond3A_189 = arith.constant 0 : i32
        %cond3A_190 = arith.cmpi ne, %convert_element_type3A_188, %cond3A_189 : i32
        scf.if %cond3A_190 {
          %add3A_203 = arith.addi %select_n3A, %add3A_110 : i32
          %mul3A_204 = arith.constant 16 : i32
          %mul3A_205 = arith.muli %add3A_203, %mul3A_204 : i32
          %scan3A_206 = arith.constant 0 : i32
          %scan3A_207 = arith.constant 0 : i32
          %scan3A_208 = arith.constant 64 : i32
          %scan3A_209 = arith.addi %scan3A_207, %scan3A_208 : i32
          %scan3A_210 = arith.constant 1 : i32
          scf.for %scan3A_212 = %scan3A_207 to %scan3A_209 step %scan3A_210  : i32 {
            %mul3A_213 = arith.constant 16 : i32
            %mul3A_214 = arith.muli %scan3A_212, %mul3A_213 : i32
            %get3A_215 = arith.index_cast %mul3A_214 : i32 to index
            %get3A_216 = tpu.vector_load %arg5[%get3A_215] {strides = array<i32>} : memref<1024xi32, #tpu.memory_space<vmem>>, vector<16xi32>,
            %ge3A_217 = vector.broadcast %mul3A_205 : i32 to vector<16xi32>
            %ge3A_218 = arith.cmpi sge, %get3A_216, %ge3A_217 : vector<16xi32>
            %add3A_219 = arith.constant 16 : i32
            %add3A_220 = arith.addi %mul3A_205, %add3A_219 : i32
            %lt3A_221 = vector.broadcast %add3A_220 : i32 to vector<16xi32>
            %lt3A_222 = arith.cmpi slt, %get3A_216, %lt3A_221 : vector<16xi32>
            %and3A_223 = arith.andi %ge3A_218, %lt3A_222 : vector<16xi1>
            %jit3A_224 = arith.constant 1 : i32
            %jit3A_225 = arith.constant 0 : i32
            %broadcast_in_dim3A_226 = vector.broadcast %jit3A_224 : i32 to vector<16xi32>
            %broadcast_in_dim3A_227 = vector.broadcast %jit3A_225 : i32 to vector<16xi32>
            %select_n3A_228 = arith.select %and3A_223, %broadcast_in_dim3A_226, %broadcast_in_dim3A_227 : vector<16xi1>, vector<16xi32>
            %reduce_max3A_229 = arith.constant true
            %reduce_max3A_230 = vector.broadcast %reduce_max3A_229 : i1 to vector<16xi1>
            %reduce_max3A_231 = arith.constant -2147483648 : i32
            %reduce_max3A_232 = vector.broadcast %reduce_max3A_231 : i32 to vector<16xi32>
            %reduce_max3A_233 = arith.xori %select_n3A_228, %reduce_max3A_232 : vector<16xi32>
            %reduce_max3A_234 = tpu.scan <max>, %reduce_max3A_233 masked %reduce_max3A_230 : vector<16xi32>, vector<16xi1> -> vector<16xi32>
            %reduce_max3A_235 = arith.xori %reduce_max3A_234, %reduce_max3A_232 : vector<16xi32>
            %reduce_max3A_236 = vector.extract %reduce_max3A_235[15] : i32 from vector<16xi32>
            %gt3A_237 = arith.constant 0 : i32
            %gt3A_238 = arith.cmpi sgt, %reduce_max3A_236, %gt3A_237 : i32
            %convert_element_type3A_239 = arith.extui %gt3A_238 : i1 to i32
            %cond3A_240 = arith.constant 0 : i32
            %cond3A_241 = arith.cmpi ne, %convert_element_type3A_239, %cond3A_240 : i32
            scf.if %cond3A_241 {
              %add3A_242 = arith.constant 0 : i32
              %add3A_243 = arith.addi %mul3A_205, %add3A_242 : i32
              %eq3A_244 = vector.broadcast %add3A_243 : i32 to vector<16xi32>
              %eq3A_245 = arith.cmpi eq, %get3A_216, %eq3A_244 : vector<16xi32>
              %and3A_246 = arith.andi %and3A_223, %eq3A_245 : vector<16xi1>
              %mul3A_247 = arith.constant 16 : i32
              %mul3A_248 = arith.muli %scan3A_212, %mul3A_247 : i32
              %get3A_249 = arith.constant 0 : i32
              %get3A_250 = arith.index_cast %get3A_249 : i32 to index
              %get3A_251 = arith.index_cast %mul3A_248 : i32 to index
              %get3A_252 = tpu.vector_load %arg10[%get3A_250, %get3A_251] {strides = array<i32>} : memref<16x1024xf32, #tpu.memory_space<vmem>>, vector<16xf32>,
              %sub3A_253 = arith.constant 2.240000e+01 : f32
              %sub3A_254 = vector.broadcast %sub3A_253 : f32 to vector<16xf32>
              %sub3A_255 = arith.subf %get3A_252, %sub3A_254 : vector<16xf32>
              %select_n3A_256 = arith.select %and3A_246, %sub3A_255, %get3A_252 : vector<16xi1>, vector<16xf32>
              %mul3A_257 = arith.constant 16 : i32
              %mul3A_258 = arith.muli %scan3A_212, %mul3A_257 : i32
              %swap3A = arith.constant 0 : i32
              %swap3A_259 = arith.index_cast %swap3A : i32 to index
              %swap3A_260 = arith.index_cast %mul3A_258 : i32 to index
              %swap3A_261 = tpu.vector_load %arg10[%swap3A_259, %swap3A_260] {strides = array<i32>} : memref<16x1024xf32, #tpu.memory_space<vmem>>, vector<16xf32>,
              tpu.vector_store %arg10[%swap3A_259, %swap3A_260], %select_n3A_256 {strides = array<i32>} : memref<16x1024xf32, #tpu.memory_space<vmem>>, vector<16xf32>,
              %add3A_262 = arith.constant 1 : i32
              %add3A_263 = arith.addi %mul3A_205, %add3A_262 : i32
              %eq3A_264 = vector.broadcast %add3A_263 : i32 to vector<16xi32>
              %eq3A_265 = arith.cmpi eq, %get3A_216, %eq3A_264 : vector<16xi32>
              %and3A_266 = arith.andi %and3A_223, %eq3A_265 : vector<16xi1>
              %mul3A_267 = arith.constant 16 : i32
              %mul3A_268 = arith.muli %scan3A_212, %mul3A_267 : i32
              %get3A_269 = arith.constant 1 : i32
              %get3A_270 = arith.index_cast %get3A_269 : i32 to index
              %get3A_271 = arith.index_cast %mul3A_268 : i32 to index
              %get3A_272 = tpu.vector_load %arg10[%get3A_270, %get3A_271] {strides = array<i32>} : memref<16x1024xf32, #tpu.memory_space<vmem>>, vector<16xf32>,
              %sub3A_273 = arith.constant 2.240000e+01 : f32
              %sub3A_274 = vector.broadcast %sub3A_273 : f32 to vector<16xf32>
              %sub3A_275 = arith.subf %get3A_272, %sub3A_274 : vector<16xf32>
              %select_n3A_276 = arith.select %and3A_266, %sub3A_275, %get3A_272 : vector<16xi1>, vector<16xf32>
              %mul3A_277 = arith.constant 16 : i32
              %mul3A_278 = arith.muli %scan3A_212, %mul3A_277 : i32
              %swap3A_279 = arith.constant 1 : i32
              %swap3A_280 = arith.index_cast %swap3A_279 : i32 to index
              %swap3A_281 = arith.index_cast %mul3A_278 : i32 to index
              %swap3A_282 = tpu.vector_load %arg10[%swap3A_280, %swap3A_281] {strides = array<i32>} : memref<16x1024xf32, #tpu.memory_space<vmem>>, vector<16xf32>,
              tpu.vector_store %arg10[%swap3A_280, %swap3A_281], %select_n3A_276 {strides = array<i32>} : memref<16x1024xf32, #tpu.memory_space<vmem>>, vector<16xf32>,
              %add3A_283 = arith.constant 2 : i32
              %add3A_284 = arith.addi %mul3A_205, %add3A_283 : i32
              %eq3A_285 = vector.broadcast %add3A_284 : i32 to vector<16xi32>
              %eq3A_286 = arith.cmpi eq, %get3A_216, %eq3A_285 : vector<16xi32>
              %and3A_287 = arith.andi %and3A_223, %eq3A_286 : vector<16xi1>
              %mul3A_288 = arith.constant 16 : i32
              %mul3A_289 = arith.muli %scan3A_212, %mul3A_288 : i32
              %get3A_290 = arith.constant 2 : i32
              %get3A_291 = arith.index_cast %get3A_290 : i32 to index
              %get3A_292 = arith.index_cast %mul3A_289 : i32 to index
              %get3A_293 = tpu.vector_load %arg10[%get3A_291, %get3A_292] {strides = array<i32>} : memref<16x1024xf32, #tpu.memory_space<vmem>>, vector<16xf32>,
              %sub3A_294 = arith.constant 2.240000e+01 : f32
              %sub3A_295 = vector.broadcast %sub3A_294 : f32 to vector<16xf32>
              %sub3A_296 = arith.subf %get3A_293, %sub3A_295 : vector<16xf32>
              %select_n3A_297 = arith.select %and3A_287, %sub3A_296, %get3A_293 : vector<16xi1>, vector<16xf32>
              %mul3A_298 = arith.constant 16 : i32
              %mul3A_299 = arith.muli %scan3A_212, %mul3A_298 : i32
              %swap3A_300 = arith.constant 2 : i32
              %swap3A_301 = arith.index_cast %swap3A_300 : i32 to index
              %swap3A_302 = arith.index_cast %mul3A_299 : i32 to index
              %swap3A_303 = tpu.vector_load %arg10[%swap3A_301, %swap3A_302] {strides = array<i32>} : memref<16x1024xf32, #tpu.memory_space<vmem>>, vector<16xf32>,
              tpu.vector_store %arg10[%swap3A_301, %swap3A_302], %select_n3A_297 {strides = array<i32>} : memref<16x1024xf32, #tpu.memory_space<vmem>>, vector<16xf32>,
              %add3A_304 = arith.constant 3 : i32
              %add3A_305 = arith.addi %mul3A_205, %add3A_304 : i32
              %eq3A_306 = vector.broadcast %add3A_305 : i32 to vector<16xi32>
              %eq3A_307 = arith.cmpi eq, %get3A_216, %eq3A_306 : vector<16xi32>
              %and3A_308 = arith.andi %and3A_223, %eq3A_307 : vector<16xi1>
              %mul3A_309 = arith.constant 16 : i32
              %mul3A_310 = arith.muli %scan3A_212, %mul3A_309 : i32
              %get3A_311 = arith.constant 3 : i32
              %get3A_312 = arith.index_cast %get3A_311 : i32 to index
              %get3A_313 = arith.index_cast %mul3A_310 : i32 to index
              %get3A_314 = tpu.vector_load %arg10[%get3A_312, %get3A_313] {strides = array<i32>} : memref<16x1024xf32, #tpu.memory_space<vmem>>, vector<16xf32>,
              %sub3A_315 = arith.constant 2.240000e+01 : f32
              %sub3A_316 = vector.broadcast %sub3A_315 : f32 to vector<16xf32>
              %sub3A_317 = arith.subf %get3A_314, %sub3A_316 : vector<16xf32>
              %select_n3A_318 = arith.select %and3A_308, %sub3A_317, %get3A_314 : vector<16xi1>, vector<16xf32>
              %mul3A_319 = arith.constant 16 : i32
              %mul3A_320 = arith.muli %scan3A_212, %mul3A_319 : i32
              %swap3A_321 = arith.constant 3 : i32
              %swap3A_322 = arith.index_cast %swap3A_321 : i32 to index
              %swap3A_323 = arith.index_cast %mul3A_320 : i32 to index
              %swap3A_324 = tpu.vector_load %arg10[%swap3A_322, %swap3A_323] {strides = array<i32>} : memref<16x1024xf32, #tpu.memory_space<vmem>>, vector<16xf32>,
              tpu.vector_store %arg10[%swap3A_322, %swap3A_323], %select_n3A_318 {strides = array<i32>} : memref<16x1024xf32, #tpu.memory_space<vmem>>, vector<16xf32>,
              %add3A_325 = arith.constant 4 : i32
              %add3A_326 = arith.addi %mul3A_205, %add3A_325 : i32
              %eq3A_327 = vector.broadcast %add3A_326 : i32 to vector<16xi32>
              %eq3A_328 = arith.cmpi eq, %get3A_216, %eq3A_327 : vector<16xi32>
              %and3A_329 = arith.andi %and3A_223, %eq3A_328 : vector<16xi1>
              %mul3A_330 = arith.constant 16 : i32
              %mul3A_331 = arith.muli %scan3A_212, %mul3A_330 : i32
              %get3A_332 = arith.constant 4 : i32
              %get3A_333 = arith.index_cast %get3A_332 : i32 to index
              %get3A_334 = arith.index_cast %mul3A_331 : i32 to index
              %get3A_335 = tpu.vector_load %arg10[%get3A_333, %get3A_334] {strides = array<i32>} : memref<16x1024xf32, #tpu.memory_space<vmem>>, vector<16xf32>,
              %sub3A_336 = arith.constant 2.240000e+01 : f32
              %sub3A_337 = vector.broadcast %sub3A_336 : f32 to vector<16xf32>
              %sub3A_338 = arith.subf %get3A_335, %sub3A_337 : vector<16xf32>
              %select_n3A_339 = arith.select %and3A_329, %sub3A_338, %get3A_335 : vector<16xi1>, vector<16xf32>
              %mul3A_340 = arith.constant 16 : i32
              %mul3A_341 = arith.muli %scan3A_212, %mul3A_340 : i32
              %swap3A_342 = arith.constant 4 : i32
              %swap3A_343 = arith.index_cast %swap3A_342 : i32 to index
              %swap3A_344 = arith.index_cast %mul3A_341 : i32 to index
              %swap3A_345 = tpu.vector_load %arg10[%swap3A_343, %swap3A_344] {strides = array<i32>} : memref<16x1024xf32, #tpu.memory_space<vmem>>, vector<16xf32>,
              tpu.vector_store %arg10[%swap3A_343, %swap3A_344], %select_n3A_339 {strides = array<i32>} : memref<16x1024xf32, #tpu.memory_space<vmem>>, vector<16xf32>,
              %add3A_346 = arith.constant 5 : i32
              %add3A_347 = arith.addi %mul3A_205, %add3A_346 : i32
              %eq3A_348 = vector.broadcast %add3A_347 : i32 to vector<16xi32>
              %eq3A_349 = arith.cmpi eq, %get3A_216, %eq3A_348 : vector<16xi32>
              %and3A_350 = arith.andi %and3A_223, %eq3A_349 : vector<16xi1>
              %mul3A_351 = arith.constant 16 : i32
              %mul3A_352 = arith.muli %scan3A_212, %mul3A_351 : i32
              %get3A_353 = arith.constant 5 : i32
              %get3A_354 = arith.index_cast %get3A_353 : i32 to index
              %get3A_355 = arith.index_cast %mul3A_352 : i32 to index
              %get3A_356 = tpu.vector_load %arg10[%get3A_354, %get3A_355] {strides = array<i32>} : memref<16x1024xf32, #tpu.memory_space<vmem>>, vector<16xf32>,
              %sub3A_357 = arith.constant 2.240000e+01 : f32
              %sub3A_358 = vector.broadcast %sub3A_357 : f32 to vector<16xf32>
              %sub3A_359 = arith.subf %get3A_356, %sub3A_358 : vector<16xf32>
              %select_n3A_360 = arith.select %and3A_350, %sub3A_359, %get3A_356 : vector<16xi1>, vector<16xf32>
              %mul3A_361 = arith.constant 16 : i32
              %mul3A_362 = arith.muli %scan3A_212, %mul3A_361 : i32
              %swap3A_363 = arith.constant 5 : i32
              %swap3A_364 = arith.index_cast %swap3A_363 : i32 to index
              %swap3A_365 = arith.index_cast %mul3A_362 : i32 to index
              %swap3A_366 = tpu.vector_load %arg10[%swap3A_364, %swap3A_365] {strides = array<i32>} : memref<16x1024xf32, #tpu.memory_space<vmem>>, vector<16xf32>,
              tpu.vector_store %arg10[%swap3A_364, %swap3A_365], %select_n3A_360 {strides = array<i32>} : memref<16x1024xf32, #tpu.memory_space<vmem>>, vector<16xf32>,
              %add3A_367 = arith.constant 6 : i32
              %add3A_368 = arith.addi %mul3A_205, %add3A_367 : i32
              %eq3A_369 = vector.broadcast %add3A_368 : i32 to vector<16xi32>
              %eq3A_370 = arith.cmpi eq, %get3A_216, %eq3A_369 : vector<16xi32>
              %and3A_371 = arith.andi %and3A_223, %eq3A_370 : vector<16xi1>
              %mul3A_372 = arith.constant 16 : i32
              %mul3A_373 = arith.muli %scan3A_212, %mul3A_372 : i32
              %get3A_374 = arith.constant 6 : i32
              %get3A_375 = arith.index_cast %get3A_374 : i32 to index
              %get3A_376 = arith.index_cast %mul3A_373 : i32 to index
              %get3A_377 = tpu.vector_load %arg10[%get3A_375, %get3A_376] {strides = array<i32>} : memref<16x1024xf32, #tpu.memory_space<vmem>>, vector<16xf32>,
              %sub3A_378 = arith.constant 2.240000e+01 : f32
              %sub3A_379 = vector.broadcast %sub3A_378 : f32 to vector<16xf32>
              %sub3A_380 = arith.subf %get3A_377, %sub3A_379 : vector<16xf32>
              %select_n3A_381 = arith.select %and3A_371, %sub3A_380, %get3A_377 : vector<16xi1>, vector<16xf32>
              %mul3A_382 = arith.constant 16 : i32
              %mul3A_383 = arith.muli %scan3A_212, %mul3A_382 : i32
              %swap3A_384 = arith.constant 6 : i32
              %swap3A_385 = arith.index_cast %swap3A_384 : i32 to index
              %swap3A_386 = arith.index_cast %mul3A_383 : i32 to index
              %swap3A_387 = tpu.vector_load %arg10[%swap3A_385, %swap3A_386] {strides = array<i32>} : memref<16x1024xf32, #tpu.memory_space<vmem>>, vector<16xf32>,
              tpu.vector_store %arg10[%swap3A_385, %swap3A_386], %select_n3A_381 {strides = array<i32>} : memref<16x1024xf32, #tpu.memory_space<vmem>>, vector<16xf32>,
              %add3A_388 = arith.constant 7 : i32
              %add3A_389 = arith.addi %mul3A_205, %add3A_388 : i32
              %eq3A_390 = vector.broadcast %add3A_389 : i32 to vector<16xi32>
              %eq3A_391 = arith.cmpi eq, %get3A_216, %eq3A_390 : vector<16xi32>
              %and3A_392 = arith.andi %and3A_223, %eq3A_391 : vector<16xi1>
              %mul3A_393 = arith.constant 16 : i32
              %mul3A_394 = arith.muli %scan3A_212, %mul3A_393 : i32
              %get3A_395 = arith.constant 7 : i32
              %get3A_396 = arith.index_cast %get3A_395 : i32 to index
              %get3A_397 = arith.index_cast %mul3A_394 : i32 to index
              %get3A_398 = tpu.vector_load %arg10[%get3A_396, %get3A_397] {strides = array<i32>} : memref<16x1024xf32, #tpu.memory_space<vmem>>, vector<16xf32>,
              %sub3A_399 = arith.constant 2.240000e+01 : f32
              %sub3A_400 = vector.broadcast %sub3A_399 : f32 to vector<16xf32>
              %sub3A_401 = arith.subf %get3A_398, %sub3A_400 : vector<16xf32>
              %select_n3A_402 = arith.select %and3A_392, %sub3A_401, %get3A_398 : vector<16xi1>, vector<16xf32>
              %mul3A_403 = arith.constant 16 : i32
              %mul3A_404 = arith.muli %scan3A_212, %mul3A_403 : i32
              %swap3A_405 = arith.constant 7 : i32
              %swap3A_406 = arith.index_cast %swap3A_405 : i32 to index
              %swap3A_407 = arith.index_cast %mul3A_404 : i32 to index
              %swap3A_408 = tpu.vector_load %arg10[%swap3A_406, %swap3A_407] {strides = array<i32>} : memref<16x1024xf32, #tpu.memory_space<vmem>>, vector<16xf32>,
              tpu.vector_store %arg10[%swap3A_406, %swap3A_407], %select_n3A_402 {strides = array<i32>} : memref<16x1024xf32, #tpu.memory_space<vmem>>, vector<16xf32>,
              %add3A_409 = arith.constant 8 : i32
              %add3A_410 = arith.addi %mul3A_205, %add3A_409 : i32
              %eq3A_411 = vector.broadcast %add3A_410 : i32 to vector<16xi32>
              %eq3A_412 = arith.cmpi eq, %get3A_216, %eq3A_411 : vector<16xi32>
              %and3A_413 = arith.andi %and3A_223, %eq3A_412 : vector<16xi1>
              %mul3A_414 = arith.constant 16 : i32
              %mul3A_415 = arith.muli %scan3A_212, %mul3A_414 : i32
              %get3A_416 = arith.constant 8 : i32
              %get3A_417 = arith.index_cast %get3A_416 : i32 to index
              %get3A_418 = arith.index_cast %mul3A_415 : i32 to index
              %get3A_419 = tpu.vector_load %arg10[%get3A_417, %get3A_418] {strides = array<i32>} : memref<16x1024xf32, #tpu.memory_space<vmem>>, vector<16xf32>,
              %sub3A_420 = arith.constant 2.240000e+01 : f32
              %sub3A_421 = vector.broadcast %sub3A_420 : f32 to vector<16xf32>
              %sub3A_422 = arith.subf %get3A_419, %sub3A_421 : vector<16xf32>
              %select_n3A_423 = arith.select %and3A_413, %sub3A_422, %get3A_419 : vector<16xi1>, vector<16xf32>
              %mul3A_424 = arith.constant 16 : i32
              %mul3A_425 = arith.muli %scan3A_212, %mul3A_424 : i32
              %swap3A_426 = arith.constant 8 : i32
              %swap3A_427 = arith.index_cast %swap3A_426 : i32 to index
              %swap3A_428 = arith.index_cast %mul3A_425 : i32 to index
              %swap3A_429 = tpu.vector_load %arg10[%swap3A_427, %swap3A_428] {strides = array<i32>} : memref<16x1024xf32, #tpu.memory_space<vmem>>, vector<16xf32>,
              tpu.vector_store %arg10[%swap3A_427, %swap3A_428], %select_n3A_423 {strides = array<i32>} : memref<16x1024xf32, #tpu.memory_space<vmem>>, vector<16xf32>,
              %add3A_430 = arith.constant 9 : i32
              %add3A_431 = arith.addi %mul3A_205, %add3A_430 : i32
              %eq3A_432 = vector.broadcast %add3A_431 : i32 to vector<16xi32>
              %eq3A_433 = arith.cmpi eq, %get3A_216, %eq3A_432 : vector<16xi32>
              %and3A_434 = arith.andi %and3A_223, %eq3A_433 : vector<16xi1>
              %mul3A_435 = arith.constant 16 : i32
              %mul3A_436 = arith.muli %scan3A_212, %mul3A_435 : i32
              %get3A_437 = arith.constant 9 : i32
              %get3A_438 = arith.index_cast %get3A_437 : i32 to index
              %get3A_439 = arith.index_cast %mul3A_436 : i32 to index
              %get3A_440 = tpu.vector_load %arg10[%get3A_438, %get3A_439] {strides = array<i32>} : memref<16x1024xf32, #tpu.memory_space<vmem>>, vector<16xf32>,
              %sub3A_441 = arith.constant 2.240000e+01 : f32
              %sub3A_442 = vector.broadcast %sub3A_441 : f32 to vector<16xf32>
              %sub3A_443 = arith.subf %get3A_440, %sub3A_442 : vector<16xf32>
              %select_n3A_444 = arith.select %and3A_434, %sub3A_443, %get3A_440 : vector<16xi1>, vector<16xf32>
              %mul3A_445 = arith.constant 16 : i32
              %mul3A_446 = arith.muli %scan3A_212, %mul3A_445 : i32
              %swap3A_447 = arith.constant 9 : i32
              %swap3A_448 = arith.index_cast %swap3A_447 : i32 to index
              %swap3A_449 = arith.index_cast %mul3A_446 : i32 to index
              %swap3A_450 = tpu.vector_load %arg10[%swap3A_448, %swap3A_449] {strides = array<i32>} : memref<16x1024xf32, #tpu.memory_space<vmem>>, vector<16xf32>,
              tpu.vector_store %arg10[%swap3A_448, %swap3A_449], %select_n3A_444 {strides = array<i32>} : memref<16x1024xf32, #tpu.memory_space<vmem>>, vector<16xf32>,
              %add3A_451 = arith.constant 10 : i32
              %add3A_452 = arith.addi %mul3A_205, %add3A_451 : i32
              %eq3A_453 = vector.broadcast %add3A_452 : i32 to vector<16xi32>
              %eq3A_454 = arith.cmpi eq, %get3A_216, %eq3A_453 : vector<16xi32>
              %and3A_455 = arith.andi %and3A_223, %eq3A_454 : vector<16xi1>
              %mul3A_456 = arith.constant 16 : i32
              %mul3A_457 = arith.muli %scan3A_212, %mul3A_456 : i32
              %get3A_458 = arith.constant 10 : i32
              %get3A_459 = arith.index_cast %get3A_458 : i32 to index
              %get3A_460 = arith.index_cast %mul3A_457 : i32 to index
              %get3A_461 = tpu.vector_load %arg10[%get3A_459, %get3A_460] {strides = array<i32>} : memref<16x1024xf32, #tpu.memory_space<vmem>>, vector<16xf32>,
              %sub3A_462 = arith.constant 2.240000e+01 : f32
              %sub3A_463 = vector.broadcast %sub3A_462 : f32 to vector<16xf32>
              %sub3A_464 = arith.subf %get3A_461, %sub3A_463 : vector<16xf32>
              %select_n3A_465 = arith.select %and3A_455, %sub3A_464, %get3A_461 : vector<16xi1>, vector<16xf32>
              %mul3A_466 = arith.constant 16 : i32
              %mul3A_467 = arith.muli %scan3A_212, %mul3A_466 : i32
              %swap3A_468 = arith.constant 10 : i32
              %swap3A_469 = arith.index_cast %swap3A_468 : i32 to index
              %swap3A_470 = arith.index_cast %mul3A_467 : i32 to index
              %swap3A_471 = tpu.vector_load %arg10[%swap3A_469, %swap3A_470] {strides = array<i32>} : memref<16x1024xf32, #tpu.memory_space<vmem>>, vector<16xf32>,
              tpu.vector_store %arg10[%swap3A_469, %swap3A_470], %select_n3A_465 {strides = array<i32>} : memref<16x1024xf32, #tpu.memory_space<vmem>>, vector<16xf32>,
              %add3A_472 = arith.constant 11 : i32
              %add3A_473 = arith.addi %mul3A_205, %add3A_472 : i32
              %eq3A_474 = vector.broadcast %add3A_473 : i32 to vector<16xi32>
              %eq3A_475 = arith.cmpi eq, %get3A_216, %eq3A_474 : vector<16xi32>
              %and3A_476 = arith.andi %and3A_223, %eq3A_475 : vector<16xi1>
              %mul3A_477 = arith.constant 16 : i32
              %mul3A_478 = arith.muli %scan3A_212, %mul3A_477 : i32
              %get3A_479 = arith.constant 11 : i32
              %get3A_480 = arith.index_cast %get3A_479 : i32 to index
              %get3A_481 = arith.index_cast %mul3A_478 : i32 to index
              %get3A_482 = tpu.vector_load %arg10[%get3A_480, %get3A_481] {strides = array<i32>} : memref<16x1024xf32, #tpu.memory_space<vmem>>, vector<16xf32>,
              %sub3A_483 = arith.constant 2.240000e+01 : f32
              %sub3A_484 = vector.broadcast %sub3A_483 : f32 to vector<16xf32>
              %sub3A_485 = arith.subf %get3A_482, %sub3A_484 : vector<16xf32>
              %select_n3A_486 = arith.select %and3A_476, %sub3A_485, %get3A_482 : vector<16xi1>, vector<16xf32>
              %mul3A_487 = arith.constant 16 : i32
              %mul3A_488 = arith.muli %scan3A_212, %mul3A_487 : i32
              %swap3A_489 = arith.constant 11 : i32
              %swap3A_490 = arith.index_cast %swap3A_489 : i32 to index
              %swap3A_491 = arith.index_cast %mul3A_488 : i32 to index
              %swap3A_492 = tpu.vector_load %arg10[%swap3A_490, %swap3A_491] {strides = array<i32>} : memref<16x1024xf32, #tpu.memory_space<vmem>>, vector<16xf32>,
              tpu.vector_store %arg10[%swap3A_490, %swap3A_491], %select_n3A_486 {strides = array<i32>} : memref<16x1024xf32, #tpu.memory_space<vmem>>, vector<16xf32>,
              %add3A_493 = arith.constant 12 : i32
              %add3A_494 = arith.addi %mul3A_205, %add3A_493 : i32
              %eq3A_495 = vector.broadcast %add3A_494 : i32 to vector<16xi32>
              %eq3A_496 = arith.cmpi eq, %get3A_216, %eq3A_495 : vector<16xi32>
              %and3A_497 = arith.andi %and3A_223, %eq3A_496 : vector<16xi1>
              %mul3A_498 = arith.constant 16 : i32
              %mul3A_499 = arith.muli %scan3A_212, %mul3A_498 : i32
              %get3A_500 = arith.constant 12 : i32
              %get3A_501 = arith.index_cast %get3A_500 : i32 to index
              %get3A_502 = arith.index_cast %mul3A_499 : i32 to index
              %get3A_503 = tpu.vector_load %arg10[%get3A_501, %get3A_502] {strides = array<i32>} : memref<16x1024xf32, #tpu.memory_space<vmem>>, vector<16xf32>,
              %sub3A_504 = arith.constant 2.240000e+01 : f32
              %sub3A_505 = vector.broadcast %sub3A_504 : f32 to vector<16xf32>
              %sub3A_506 = arith.subf %get3A_503, %sub3A_505 : vector<16xf32>
              %select_n3A_507 = arith.select %and3A_497, %sub3A_506, %get3A_503 : vector<16xi1>, vector<16xf32>
              %mul3A_508 = arith.constant 16 : i32
              %mul3A_509 = arith.muli %scan3A_212, %mul3A_508 : i32
              %swap3A_510 = arith.constant 12 : i32
              %swap3A_511 = arith.index_cast %swap3A_510 : i32 to index
              %swap3A_512 = arith.index_cast %mul3A_509 : i32 to index
              %swap3A_513 = tpu.vector_load %arg10[%swap3A_511, %swap3A_512] {strides = array<i32>} : memref<16x1024xf32, #tpu.memory_space<vmem>>, vector<16xf32>,
              tpu.vector_store %arg10[%swap3A_511, %swap3A_512], %select_n3A_507 {strides = array<i32>} : memref<16x1024xf32, #tpu.memory_space<vmem>>, vector<16xf32>,
              %add3A_514 = arith.constant 13 : i32
              %add3A_515 = arith.addi %mul3A_205, %add3A_514 : i32
              %eq3A_516 = vector.broadcast %add3A_515 : i32 to vector<16xi32>
              %eq3A_517 = arith.cmpi eq, %get3A_216, %eq3A_516 : vector<16xi32>
              %and3A_518 = arith.andi %and3A_223, %eq3A_517 : vector<16xi1>
              %mul3A_519 = arith.constant 16 : i32
              %mul3A_520 = arith.muli %scan3A_212, %mul3A_519 : i32
              %get3A_521 = arith.constant 13 : i32
              %get3A_522 = arith.index_cast %get3A_521 : i32 to index
              %get3A_523 = arith.index_cast %mul3A_520 : i32 to index
              %get3A_524 = tpu.vector_load %arg10[%get3A_522, %get3A_523] {strides = array<i32>} : memref<16x1024xf32, #tpu.memory_space<vmem>>, vector<16xf32>,
              %sub3A_525 = arith.constant 2.240000e+01 : f32
              %sub3A_526 = vector.broadcast %sub3A_525 : f32 to vector<16xf32>
              %sub3A_527 = arith.subf %get3A_524, %sub3A_526 : vector<16xf32>
              %select_n3A_528 = arith.select %and3A_518, %sub3A_527, %get3A_524 : vector<16xi1>, vector<16xf32>
              %mul3A_529 = arith.constant 16 : i32
              %mul3A_530 = arith.muli %scan3A_212, %mul3A_529 : i32
              %swap3A_531 = arith.constant 13 : i32
              %swap3A_532 = arith.index_cast %swap3A_531 : i32 to index
              %swap3A_533 = arith.index_cast %mul3A_530 : i32 to index
              %swap3A_534 = tpu.vector_load %arg10[%swap3A_532, %swap3A_533] {strides = array<i32>} : memref<16x1024xf32, #tpu.memory_space<vmem>>, vector<16xf32>,
              tpu.vector_store %arg10[%swap3A_532, %swap3A_533], %select_n3A_528 {strides = array<i32>} : memref<16x1024xf32, #tpu.memory_space<vmem>>, vector<16xf32>,
              %add3A_535 = arith.constant 14 : i32
              %add3A_536 = arith.addi %mul3A_205, %add3A_535 : i32
              %eq3A_537 = vector.broadcast %add3A_536 : i32 to vector<16xi32>
              %eq3A_538 = arith.cmpi eq, %get3A_216, %eq3A_537 : vector<16xi32>
              %and3A_539 = arith.andi %and3A_223, %eq3A_538 : vector<16xi1>
              %mul3A_540 = arith.constant 16 : i32
              %mul3A_541 = arith.muli %scan3A_212, %mul3A_540 : i32
              %get3A_542 = arith.constant 14 : i32
              %get3A_543 = arith.index_cast %get3A_542 : i32 to index
              %get3A_544 = arith.index_cast %mul3A_541 : i32 to index
              %get3A_545 = tpu.vector_load %arg10[%get3A_543, %get3A_544] {strides = array<i32>} : memref<16x1024xf32, #tpu.memory_space<vmem>>, vector<16xf32>,
              %sub3A_546 = arith.constant 2.240000e+01 : f32
              %sub3A_547 = vector.broadcast %sub3A_546 : f32 to vector<16xf32>
              %sub3A_548 = arith.subf %get3A_545, %sub3A_547 : vector<16xf32>
              %select_n3A_549 = arith.select %and3A_539, %sub3A_548, %get3A_545 : vector<16xi1>, vector<16xf32>
              %mul3A_550 = arith.constant 16 : i32
              %mul3A_551 = arith.muli %scan3A_212, %mul3A_550 : i32
              %swap3A_552 = arith.constant 14 : i32
              %swap3A_553 = arith.index_cast %swap3A_552 : i32 to index
              %swap3A_554 = arith.index_cast %mul3A_551 : i32 to index
              %swap3A_555 = tpu.vector_load %arg10[%swap3A_553, %swap3A_554] {strides = array<i32>} : memref<16x1024xf32, #tpu.memory_space<vmem>>, vector<16xf32>,
              tpu.vector_store %arg10[%swap3A_553, %swap3A_554], %select_n3A_549 {strides = array<i32>} : memref<16x1024xf32, #tpu.memory_space<vmem>>, vector<16xf32>,
              %add3A_556 = arith.constant 15 : i32
              %add3A_557 = arith.addi %mul3A_205, %add3A_556 : i32
              %eq3A_558 = vector.broadcast %add3A_557 : i32 to vector<16xi32>
              %eq3A_559 = arith.cmpi eq, %get3A_216, %eq3A_558 : vector<16xi32>
              %and3A_560 = arith.andi %and3A_223, %eq3A_559 : vector<16xi1>
              %mul3A_561 = arith.constant 16 : i32
              %mul3A_562 = arith.muli %scan3A_212, %mul3A_561 : i32
              %get3A_563 = arith.constant 15 : i32
              %get3A_564 = arith.index_cast %get3A_563 : i32 to index
              %get3A_565 = arith.index_cast %mul3A_562 : i32 to index
              %get3A_566 = tpu.vector_load %arg10[%get3A_564, %get3A_565] {strides = array<i32>} : memref<16x1024xf32, #tpu.memory_space<vmem>>, vector<16xf32>,
              %sub3A_567 = arith.constant 2.240000e+01 : f32
              %sub3A_568 = vector.broadcast %sub3A_567 : f32 to vector<16xf32>
              %sub3A_569 = arith.subf %get3A_566, %sub3A_568 : vector<16xf32>
              %select_n3A_570 = arith.select %and3A_560, %sub3A_569, %get3A_566 : vector<16xi1>, vector<16xf32>
              %mul3A_571 = arith.constant 16 : i32
              %mul3A_572 = arith.muli %scan3A_212, %mul3A_571 : i32
              %swap3A_573 = arith.constant 15 : i32
              %swap3A_574 = arith.index_cast %swap3A_573 : i32 to index
              %swap3A_575 = arith.index_cast %mul3A_572 : i32 to index
              %swap3A_576 = tpu.vector_load %arg10[%swap3A_574, %swap3A_575] {strides = array<i32>} : memref<16x1024xf32, #tpu.memory_space<vmem>>, vector<16xf32>,
              tpu.vector_store %arg10[%swap3A_574, %swap3A_575], %select_n3A_570 {strides = array<i32>} : memref<16x1024xf32, #tpu.memory_space<vmem>>, vector<16xf32>,
            } else {
            }
          }
          %scan3A_211 = arith.constant 64 : i32
        } else {
        }
        %add3A_191 = arith.addi %select_n3A, %add3A_110 : i32
        %mul3A_192 = arith.constant 16 : i32
        %mul3A_193 = arith.muli %add3A_191, %mul3A_192 : i32
        %dma_start3A = arith.constant 0 : i32
        %dma_start3A_194 = tpu.memref_slice %arg4[%mul3A_193, %dma_start3A] : memref<100000x1024xf32, #tpu.memory_space<hbm>> -> memref<16x1024xf32, #tpu.memory_space<hbm>>
        %dma_start3A_195 = arith.constant 0 : i32
        %dma_start3A_196 = tpu.memref_slice %arg4[%mul3A_193, %dma_start3A_195] : memref<100000x1024xf32, #tpu.memory_space<hbm>> -> memref<16x1024xf32, #tpu.memory_space<hbm>>
        tpu.enqueue_dma source(%arg10 : memref<16x1024xf32, #tpu.memory_space<vmem>>) target(%dma_start3A_196 : memref<16x1024xf32, #tpu.memory_space<hbm>>) target_semaphore(%arg16 : memref<!tpu.dma_semaphore, #tpu.memory_space<semaphore_mem>>)
        %add3A_197 = arith.constant 3 : i32
        %add3A_198 = arith.addi %add3A_110, %add3A_197 : i32
        %lt3A_199 = arith.cmpi slt, %add3A_198, %sub3A_47 : i32
        %convert_element_type3A_200 = arith.extui %lt3A_199 : i1 to i32
        %cond3A_201 = arith.constant 0 : i32
        %cond3A_202 = arith.cmpi ne, %convert_element_type3A_200, %cond3A_201 : i32
        scf.if %cond3A_202 {
          %add3A_203 = arith.constant 3 : i32
          %add3A_204 = arith.addi %add3A_110, %add3A_203 : i32
          %add3A_205 = arith.addi %select_n3A, %add3A_204 : i32
          %mul3A_206 = arith.constant 16 : i32
          %mul3A_207 = arith.muli %add3A_205, %mul3A_206 : i32
          %dma_start3A_208 = arith.constant 0 : i32
          %dma_start3A_209 = tpu.memref_slice %arg2[%mul3A_207, %dma_start3A_208] : memref<100000x1024xf32, #tpu.memory_space<hbm>> -> memref<16x1024xf32, #tpu.memory_space<hbm>>
          %dma_start3A_210 = arith.constant 0 : i32
          %dma_start3A_211 = tpu.memref_slice %arg2[%mul3A_207, %dma_start3A_210] : memref<100000x1024xf32, #tpu.memory_space<hbm>> -> memref<16x1024xf32, #tpu.memory_space<hbm>>
          tpu.enqueue_dma source(%dma_start3A_211 : memref<16x1024xf32, #tpu.memory_space<hbm>>) target(%arg7 : memref<16x1024xf32, #tpu.memory_space<vmem>>) target_semaphore(%arg13 : memref<!tpu.dma_semaphore, #tpu.memory_space<semaphore_mem>>)
        } else {
        }
      } else {
      }
      %mul3A_115 = arith.constant 3 : i32
      %mul3A_116 = arith.muli %scan3A_106, %mul3A_115 : i32
      %add3A_117 = arith.constant 1 : i32
      %add3A_118 = arith.addi %mul3A_116, %add3A_117 : i32
      %lt3A_119 = arith.cmpi slt, %add3A_118, %sub3A_47 : i32
      %convert_element_type3A_120 = arith.extui %lt3A_119 : i1 to i32
      %cond3A_121 = arith.constant 0 : i32
      %cond3A_122 = arith.cmpi ne, %convert_element_type3A_120, %cond3A_121 : i32
      scf.if %cond3A_122 {
        %ge3A = arith.constant 3 : i32
        %ge3A_131 = arith.cmpi sge, %add3A_118, %ge3A : i32
        %convert_element_type3A_132 = arith.extui %ge3A_131 : i1 to i32
        %cond3A_133 = arith.constant 0 : i32
        %cond3A_134 = arith.cmpi ne, %convert_element_type3A_132, %cond3A_133 : i32
        scf.if %cond3A_134 {
          %sub3A_203 = arith.constant 3 : i32
          %sub3A_204 = arith.subi %add3A_118, %sub3A_203 : i32
          %add3A_205 = arith.addi %select_n3A, %sub3A_204 : i32
          %mul3A_206 = arith.constant 16 : i32
          %mul3A_207 = arith.muli %add3A_205, %mul3A_206 : i32
          %dma_wait3A_208 = arith.constant 0 : i32
          %dma_wait3A_209 = tpu.memref_slice %arg4[%mul3A_207, %dma_wait3A_208] : memref<100000x1024xf32, #tpu.memory_space<hbm>> -> memref<16x1024xf32, #tpu.memory_space<hbm>>
          %dma_wait3A_210 = arith.constant 0 : i32
          %dma_wait3A_211 = tpu.memref_slice %arg4[%mul3A_207, %dma_wait3A_210] : memref<100000x1024xf32, #tpu.memory_space<hbm>> -> memref<16x1024xf32, #tpu.memory_space<hbm>>
          tpu.wait_dma2 semaphore(%arg17 : memref<!tpu.dma_semaphore, #tpu.memory_space<semaphore_mem>>) src(%arg11 : memref<16x1024xf32, #tpu.memory_space<vmem>>) dst(%dma_wait3A_211 : memref<16x1024xf32, #tpu.memory_space<hbm>>)
        } else {
        }
        %add3A_135 = arith.addi %select_n3A, %add3A_118 : i32
        %mul3A_136 = arith.constant 16 : i32
        %mul3A_137 = arith.muli %add3A_135, %mul3A_136 : i32
        %dma_wait3A = arith.constant 0 : i32
        %dma_wait3A_138 = tpu.memref_slice %arg2[%mul3A_137, %dma_wait3A] : memref<100000x1024xf32, #tpu.memory_space<hbm>> -> memref<16x1024xf32, #tpu.memory_space<hbm>>
        %dma_wait3A_139 = arith.constant 0 : i32
        %dma_wait3A_140 = tpu.memref_slice %arg2[%mul3A_137, %dma_wait3A_139] : memref<100000x1024xf32, #tpu.memory_space<hbm>> -> memref<16x1024xf32, #tpu.memory_space<hbm>>
        tpu.wait_dma2 semaphore(%arg14 : memref<!tpu.dma_semaphore, #tpu.memory_space<semaphore_mem>>) src(%dma_wait3A_140 : memref<16x1024xf32, #tpu.memory_space<hbm>>) dst(%arg8 : memref<16x1024xf32, #tpu.memory_space<vmem>>)
        %scan3A_141 = arith.constant 0 : i32
        %scan3A_142 = arith.constant 0 : i32
        %scan3A_143 = arith.constant 64 : i32
        %scan3A_144 = arith.addi %scan3A_142, %scan3A_143 : i32
        %scan3A_145 = arith.constant 1 : i32
        scf.for %scan3A_203 = %scan3A_142 to %scan3A_144 step %scan3A_145  : i32 {
          %mul3A_204 = arith.constant 16 : i32
          %mul3A_205 = arith.muli %scan3A_203, %mul3A_204 : i32
          %get3A_206 = arith.constant 0 : i32
          %get3A_207 = arith.index_cast %get3A_206 : i32 to index
          %get3A_208 = arith.index_cast %mul3A_205 : i32 to index
          %get3A_209 = tpu.vector_load %arg8[%get3A_207, %get3A_208] {strides = array<i32>} : memref<16x1024xf32, #tpu.memory_space<vmem>>, vector<16xf32>,
          %mul3A_210 = arith.constant 6.400000e+01 : f32
          %mul3A_211 = vector.broadcast %mul3A_210 : f32 to vector<16xf32>
          %mul3A_212 = arith.mulf %get3A_209, %mul3A_211 : vector<16xf32>
          %mul3A_213 = arith.constant 16 : i32
          %mul3A_214 = arith.muli %scan3A_203, %mul3A_213 : i32
          %swap3A = arith.constant 0 : i32
          %swap3A_215 = arith.index_cast %swap3A : i32 to index
          %swap3A_216 = arith.index_cast %mul3A_214 : i32 to index
          %swap3A_217 = tpu.vector_load %arg11[%swap3A_215, %swap3A_216] {strides = array<i32>} : memref<16x1024xf32, #tpu.memory_space<vmem>>, vector<16xf32>,
          tpu.vector_store %arg11[%swap3A_215, %swap3A_216], %mul3A_212 {strides = array<i32>} : memref<16x1024xf32, #tpu.memory_space<vmem>>, vector<16xf32>,
          %mul3A_218 = arith.constant 16 : i32
          %mul3A_219 = arith.muli %scan3A_203, %mul3A_218 : i32
          %get3A_220 = arith.constant 1 : i32
          %get3A_221 = arith.index_cast %get3A_220 : i32 to index
          %get3A_222 = arith.index_cast %mul3A_219 : i32 to index
          %get3A_223 = tpu.vector_load %arg8[%get3A_221, %get3A_222] {strides = array<i32>} : memref<16x1024xf32, #tpu.memory_space<vmem>>, vector<16xf32>,
          %mul3A_224 = arith.constant 6.400000e+01 : f32
          %mul3A_225 = vector.broadcast %mul3A_224 : f32 to vector<16xf32>
          %mul3A_226 = arith.mulf %get3A_223, %mul3A_225 : vector<16xf32>
          %mul3A_227 = arith.constant 16 : i32
          %mul3A_228 = arith.muli %scan3A_203, %mul3A_227 : i32
          %swap3A_229 = arith.constant 1 : i32
          %swap3A_230 = arith.index_cast %swap3A_229 : i32 to index
          %swap3A_231 = arith.index_cast %mul3A_228 : i32 to index
          %swap3A_232 = tpu.vector_load %arg11[%swap3A_230, %swap3A_231] {strides = array<i32>} : memref<16x1024xf32, #tpu.memory_space<vmem>>, vector<16xf32>,
          tpu.vector_store %arg11[%swap3A_230, %swap3A_231], %mul3A_226 {strides = array<i32>} : memref<16x1024xf32, #tpu.memory_space<vmem>>, vector<16xf32>,
          %mul3A_233 = arith.constant 16 : i32
          %mul3A_234 = arith.muli %scan3A_203, %mul3A_233 : i32
          %get3A_235 = arith.constant 2 : i32
          %get3A_236 = arith.index_cast %get3A_235 : i32 to index
          %get3A_237 = arith.index_cast %mul3A_234 : i32 to index
          %get3A_238 = tpu.vector_load %arg8[%get3A_236, %get3A_237] {strides = array<i32>} : memref<16x1024xf32, #tpu.memory_space<vmem>>, vector<16xf32>,
          %mul3A_239 = arith.constant 6.400000e+01 : f32
          %mul3A_240 = vector.broadcast %mul3A_239 : f32 to vector<16xf32>
          %mul3A_241 = arith.mulf %get3A_238, %mul3A_240 : vector<16xf32>
          %mul3A_242 = arith.constant 16 : i32
          %mul3A_243 = arith.muli %scan3A_203, %mul3A_242 : i32
          %swap3A_244 = arith.constant 2 : i32
          %swap3A_245 = arith.index_cast %swap3A_244 : i32 to index
          %swap3A_246 = arith.index_cast %mul3A_243 : i32 to index
          %swap3A_247 = tpu.vector_load %arg11[%swap3A_245, %swap3A_246] {strides = array<i32>} : memref<16x1024xf32, #tpu.memory_space<vmem>>, vector<16xf32>,
          tpu.vector_store %arg11[%swap3A_245, %swap3A_246], %mul3A_241 {strides = array<i32>} : memref<16x1024xf32, #tpu.memory_space<vmem>>, vector<16xf32>,
          %mul3A_248 = arith.constant 16 : i32
          %mul3A_249 = arith.muli %scan3A_203, %mul3A_248 : i32
          %get3A_250 = arith.constant 3 : i32
          %get3A_251 = arith.index_cast %get3A_250 : i32 to index
          %get3A_252 = arith.index_cast %mul3A_249 : i32 to index
          %get3A_253 = tpu.vector_load %arg8[%get3A_251, %get3A_252] {strides = array<i32>} : memref<16x1024xf32, #tpu.memory_space<vmem>>, vector<16xf32>,
          %mul3A_254 = arith.constant 6.400000e+01 : f32
          %mul3A_255 = vector.broadcast %mul3A_254 : f32 to vector<16xf32>
          %mul3A_256 = arith.mulf %get3A_253, %mul3A_255 : vector<16xf32>
          %mul3A_257 = arith.constant 16 : i32
          %mul3A_258 = arith.muli %scan3A_203, %mul3A_257 : i32
          %swap3A_259 = arith.constant 3 : i32
          %swap3A_260 = arith.index_cast %swap3A_259 : i32 to index
          %swap3A_261 = arith.index_cast %mul3A_258 : i32 to index
          %swap3A_262 = tpu.vector_load %arg11[%swap3A_260, %swap3A_261] {strides = array<i32>} : memref<16x1024xf32, #tpu.memory_space<vmem>>, vector<16xf32>,
          tpu.vector_store %arg11[%swap3A_260, %swap3A_261], %mul3A_256 {strides = array<i32>} : memref<16x1024xf32, #tpu.memory_space<vmem>>, vector<16xf32>,
          %mul3A_263 = arith.constant 16 : i32
          %mul3A_264 = arith.muli %scan3A_203, %mul3A_263 : i32
          %get3A_265 = arith.constant 4 : i32
          %get3A_266 = arith.index_cast %get3A_265 : i32 to index
          %get3A_267 = arith.index_cast %mul3A_264 : i32 to index
          %get3A_268 = tpu.vector_load %arg8[%get3A_266, %get3A_267] {strides = array<i32>} : memref<16x1024xf32, #tpu.memory_space<vmem>>, vector<16xf32>,
          %mul3A_269 = arith.constant 6.400000e+01 : f32
          %mul3A_270 = vector.broadcast %mul3A_269 : f32 to vector<16xf32>
          %mul3A_271 = arith.mulf %get3A_268, %mul3A_270 : vector<16xf32>
          %mul3A_272 = arith.constant 16 : i32
          %mul3A_273 = arith.muli %scan3A_203, %mul3A_272 : i32
          %swap3A_274 = arith.constant 4 : i32
          %swap3A_275 = arith.index_cast %swap3A_274 : i32 to index
          %swap3A_276 = arith.index_cast %mul3A_273 : i32 to index
          %swap3A_277 = tpu.vector_load %arg11[%swap3A_275, %swap3A_276] {strides = array<i32>} : memref<16x1024xf32, #tpu.memory_space<vmem>>, vector<16xf32>,
          tpu.vector_store %arg11[%swap3A_275, %swap3A_276], %mul3A_271 {strides = array<i32>} : memref<16x1024xf32, #tpu.memory_space<vmem>>, vector<16xf32>,
          %mul3A_278 = arith.constant 16 : i32
          %mul3A_279 = arith.muli %scan3A_203, %mul3A_278 : i32
          %get3A_280 = arith.constant 5 : i32
          %get3A_281 = arith.index_cast %get3A_280 : i32 to index
          %get3A_282 = arith.index_cast %mul3A_279 : i32 to index
          %get3A_283 = tpu.vector_load %arg8[%get3A_281, %get3A_282] {strides = array<i32>} : memref<16x1024xf32, #tpu.memory_space<vmem>>, vector<16xf32>,
          %mul3A_284 = arith.constant 6.400000e+01 : f32
          %mul3A_285 = vector.broadcast %mul3A_284 : f32 to vector<16xf32>
          %mul3A_286 = arith.mulf %get3A_283, %mul3A_285 : vector<16xf32>
          %mul3A_287 = arith.constant 16 : i32
          %mul3A_288 = arith.muli %scan3A_203, %mul3A_287 : i32
          %swap3A_289 = arith.constant 5 : i32
          %swap3A_290 = arith.index_cast %swap3A_289 : i32 to index
          %swap3A_291 = arith.index_cast %mul3A_288 : i32 to index
          %swap3A_292 = tpu.vector_load %arg11[%swap3A_290, %swap3A_291] {strides = array<i32>} : memref<16x1024xf32, #tpu.memory_space<vmem>>, vector<16xf32>,
          tpu.vector_store %arg11[%swap3A_290, %swap3A_291], %mul3A_286 {strides = array<i32>} : memref<16x1024xf32, #tpu.memory_space<vmem>>, vector<16xf32>,
          %mul3A_293 = arith.constant 16 : i32
          %mul3A_294 = arith.muli %scan3A_203, %mul3A_293 : i32
          %get3A_295 = arith.constant 6 : i32
          %get3A_296 = arith.index_cast %get3A_295 : i32 to index
          %get3A_297 = arith.index_cast %mul3A_294 : i32 to index
          %get3A_298 = tpu.vector_load %arg8[%get3A_296, %get3A_297] {strides = array<i32>} : memref<16x1024xf32, #tpu.memory_space<vmem>>, vector<16xf32>,
          %mul3A_299 = arith.constant 6.400000e+01 : f32
          %mul3A_300 = vector.broadcast %mul3A_299 : f32 to vector<16xf32>
          %mul3A_301 = arith.mulf %get3A_298, %mul3A_300 : vector<16xf32>
          %mul3A_302 = arith.constant 16 : i32
          %mul3A_303 = arith.muli %scan3A_203, %mul3A_302 : i32
          %swap3A_304 = arith.constant 6 : i32
          %swap3A_305 = arith.index_cast %swap3A_304 : i32 to index
          %swap3A_306 = arith.index_cast %mul3A_303 : i32 to index
          %swap3A_307 = tpu.vector_load %arg11[%swap3A_305, %swap3A_306] {strides = array<i32>} : memref<16x1024xf32, #tpu.memory_space<vmem>>, vector<16xf32>,
          tpu.vector_store %arg11[%swap3A_305, %swap3A_306], %mul3A_301 {strides = array<i32>} : memref<16x1024xf32, #tpu.memory_space<vmem>>, vector<16xf32>,
          %mul3A_308 = arith.constant 16 : i32
          %mul3A_309 = arith.muli %scan3A_203, %mul3A_308 : i32
          %get3A_310 = arith.constant 7 : i32
          %get3A_311 = arith.index_cast %get3A_310 : i32 to index
          %get3A_312 = arith.index_cast %mul3A_309 : i32 to index
          %get3A_313 = tpu.vector_load %arg8[%get3A_311, %get3A_312] {strides = array<i32>} : memref<16x1024xf32, #tpu.memory_space<vmem>>, vector<16xf32>,
          %mul3A_314 = arith.constant 6.400000e+01 : f32
          %mul3A_315 = vector.broadcast %mul3A_314 : f32 to vector<16xf32>
          %mul3A_316 = arith.mulf %get3A_313, %mul3A_315 : vector<16xf32>
          %mul3A_317 = arith.constant 16 : i32
          %mul3A_318 = arith.muli %scan3A_203, %mul3A_317 : i32
          %swap3A_319 = arith.constant 7 : i32
          %swap3A_320 = arith.index_cast %swap3A_319 : i32 to index
          %swap3A_321 = arith.index_cast %mul3A_318 : i32 to index
          %swap3A_322 = tpu.vector_load %arg11[%swap3A_320, %swap3A_321] {strides = array<i32>} : memref<16x1024xf32, #tpu.memory_space<vmem>>, vector<16xf32>,
          tpu.vector_store %arg11[%swap3A_320, %swap3A_321], %mul3A_316 {strides = array<i32>} : memref<16x1024xf32, #tpu.memory_space<vmem>>, vector<16xf32>,
          %mul3A_323 = arith.constant 16 : i32
          %mul3A_324 = arith.muli %scan3A_203, %mul3A_323 : i32
          %get3A_325 = arith.constant 8 : i32
          %get3A_326 = arith.index_cast %get3A_325 : i32 to index
          %get3A_327 = arith.index_cast %mul3A_324 : i32 to index
          %get3A_328 = tpu.vector_load %arg8[%get3A_326, %get3A_327] {strides = array<i32>} : memref<16x1024xf32, #tpu.memory_space<vmem>>, vector<16xf32>,
          %mul3A_329 = arith.constant 6.400000e+01 : f32
          %mul3A_330 = vector.broadcast %mul3A_329 : f32 to vector<16xf32>
          %mul3A_331 = arith.mulf %get3A_328, %mul3A_330 : vector<16xf32>
          %mul3A_332 = arith.constant 16 : i32
          %mul3A_333 = arith.muli %scan3A_203, %mul3A_332 : i32
          %swap3A_334 = arith.constant 8 : i32
          %swap3A_335 = arith.index_cast %swap3A_334 : i32 to index
          %swap3A_336 = arith.index_cast %mul3A_333 : i32 to index
          %swap3A_337 = tpu.vector_load %arg11[%swap3A_335, %swap3A_336] {strides = array<i32>} : memref<16x1024xf32, #tpu.memory_space<vmem>>, vector<16xf32>,
          tpu.vector_store %arg11[%swap3A_335, %swap3A_336], %mul3A_331 {strides = array<i32>} : memref<16x1024xf32, #tpu.memory_space<vmem>>, vector<16xf32>,
          %mul3A_338 = arith.constant 16 : i32
          %mul3A_339 = arith.muli %scan3A_203, %mul3A_338 : i32
          %get3A_340 = arith.constant 9 : i32
          %get3A_341 = arith.index_cast %get3A_340 : i32 to index
          %get3A_342 = arith.index_cast %mul3A_339 : i32 to index
          %get3A_343 = tpu.vector_load %arg8[%get3A_341, %get3A_342] {strides = array<i32>} : memref<16x1024xf32, #tpu.memory_space<vmem>>, vector<16xf32>,
          %mul3A_344 = arith.constant 6.400000e+01 : f32
          %mul3A_345 = vector.broadcast %mul3A_344 : f32 to vector<16xf32>
          %mul3A_346 = arith.mulf %get3A_343, %mul3A_345 : vector<16xf32>
          %mul3A_347 = arith.constant 16 : i32
          %mul3A_348 = arith.muli %scan3A_203, %mul3A_347 : i32
          %swap3A_349 = arith.constant 9 : i32
          %swap3A_350 = arith.index_cast %swap3A_349 : i32 to index
          %swap3A_351 = arith.index_cast %mul3A_348 : i32 to index
          %swap3A_352 = tpu.vector_load %arg11[%swap3A_350, %swap3A_351] {strides = array<i32>} : memref<16x1024xf32, #tpu.memory_space<vmem>>, vector<16xf32>,
          tpu.vector_store %arg11[%swap3A_350, %swap3A_351], %mul3A_346 {strides = array<i32>} : memref<16x1024xf32, #tpu.memory_space<vmem>>, vector<16xf32>,
          %mul3A_353 = arith.constant 16 : i32
          %mul3A_354 = arith.muli %scan3A_203, %mul3A_353 : i32
          %get3A_355 = arith.constant 10 : i32
          %get3A_356 = arith.index_cast %get3A_355 : i32 to index
          %get3A_357 = arith.index_cast %mul3A_354 : i32 to index
          %get3A_358 = tpu.vector_load %arg8[%get3A_356, %get3A_357] {strides = array<i32>} : memref<16x1024xf32, #tpu.memory_space<vmem>>, vector<16xf32>,
          %mul3A_359 = arith.constant 6.400000e+01 : f32
          %mul3A_360 = vector.broadcast %mul3A_359 : f32 to vector<16xf32>
          %mul3A_361 = arith.mulf %get3A_358, %mul3A_360 : vector<16xf32>
          %mul3A_362 = arith.constant 16 : i32
          %mul3A_363 = arith.muli %scan3A_203, %mul3A_362 : i32
          %swap3A_364 = arith.constant 10 : i32
          %swap3A_365 = arith.index_cast %swap3A_364 : i32 to index
          %swap3A_366 = arith.index_cast %mul3A_363 : i32 to index
          %swap3A_367 = tpu.vector_load %arg11[%swap3A_365, %swap3A_366] {strides = array<i32>} : memref<16x1024xf32, #tpu.memory_space<vmem>>, vector<16xf32>,
          tpu.vector_store %arg11[%swap3A_365, %swap3A_366], %mul3A_361 {strides = array<i32>} : memref<16x1024xf32, #tpu.memory_space<vmem>>, vector<16xf32>,
          %mul3A_368 = arith.constant 16 : i32
          %mul3A_369 = arith.muli %scan3A_203, %mul3A_368 : i32
          %get3A_370 = arith.constant 11 : i32
          %get3A_371 = arith.index_cast %get3A_370 : i32 to index
          %get3A_372 = arith.index_cast %mul3A_369 : i32 to index
          %get3A_373 = tpu.vector_load %arg8[%get3A_371, %get3A_372] {strides = array<i32>} : memref<16x1024xf32, #tpu.memory_space<vmem>>, vector<16xf32>,
          %mul3A_374 = arith.constant 6.400000e+01 : f32
          %mul3A_375 = vector.broadcast %mul3A_374 : f32 to vector<16xf32>
          %mul3A_376 = arith.mulf %get3A_373, %mul3A_375 : vector<16xf32>
          %mul3A_377 = arith.constant 16 : i32
          %mul3A_378 = arith.muli %scan3A_203, %mul3A_377 : i32
          %swap3A_379 = arith.constant 11 : i32
          %swap3A_380 = arith.index_cast %swap3A_379 : i32 to index
          %swap3A_381 = arith.index_cast %mul3A_378 : i32 to index
          %swap3A_382 = tpu.vector_load %arg11[%swap3A_380, %swap3A_381] {strides = array<i32>} : memref<16x1024xf32, #tpu.memory_space<vmem>>, vector<16xf32>,
          tpu.vector_store %arg11[%swap3A_380, %swap3A_381], %mul3A_376 {strides = array<i32>} : memref<16x1024xf32, #tpu.memory_space<vmem>>, vector<16xf32>,
          %mul3A_383 = arith.constant 16 : i32
          %mul3A_384 = arith.muli %scan3A_203, %mul3A_383 : i32
          %get3A_385 = arith.constant 12 : i32
          %get3A_386 = arith.index_cast %get3A_385 : i32 to index
          %get3A_387 = arith.index_cast %mul3A_384 : i32 to index
          %get3A_388 = tpu.vector_load %arg8[%get3A_386, %get3A_387] {strides = array<i32>} : memref<16x1024xf32, #tpu.memory_space<vmem>>, vector<16xf32>,
          %mul3A_389 = arith.constant 6.400000e+01 : f32
          %mul3A_390 = vector.broadcast %mul3A_389 : f32 to vector<16xf32>
          %mul3A_391 = arith.mulf %get3A_388, %mul3A_390 : vector<16xf32>
          %mul3A_392 = arith.constant 16 : i32
          %mul3A_393 = arith.muli %scan3A_203, %mul3A_392 : i32
          %swap3A_394 = arith.constant 12 : i32
          %swap3A_395 = arith.index_cast %swap3A_394 : i32 to index
          %swap3A_396 = arith.index_cast %mul3A_393 : i32 to index
          %swap3A_397 = tpu.vector_load %arg11[%swap3A_395, %swap3A_396] {strides = array<i32>} : memref<16x1024xf32, #tpu.memory_space<vmem>>, vector<16xf32>,
          tpu.vector_store %arg11[%swap3A_395, %swap3A_396], %mul3A_391 {strides = array<i32>} : memref<16x1024xf32, #tpu.memory_space<vmem>>, vector<16xf32>,
          %mul3A_398 = arith.constant 16 : i32
          %mul3A_399 = arith.muli %scan3A_203, %mul3A_398 : i32
          %get3A_400 = arith.constant 13 : i32
          %get3A_401 = arith.index_cast %get3A_400 : i32 to index
          %get3A_402 = arith.index_cast %mul3A_399 : i32 to index
          %get3A_403 = tpu.vector_load %arg8[%get3A_401, %get3A_402] {strides = array<i32>} : memref<16x1024xf32, #tpu.memory_space<vmem>>, vector<16xf32>,
          %mul3A_404 = arith.constant 6.400000e+01 : f32
          %mul3A_405 = vector.broadcast %mul3A_404 : f32 to vector<16xf32>
          %mul3A_406 = arith.mulf %get3A_403, %mul3A_405 : vector<16xf32>
          %mul3A_407 = arith.constant 16 : i32
          %mul3A_408 = arith.muli %scan3A_203, %mul3A_407 : i32
          %swap3A_409 = arith.constant 13 : i32
          %swap3A_410 = arith.index_cast %swap3A_409 : i32 to index
          %swap3A_411 = arith.index_cast %mul3A_408 : i32 to index
          %swap3A_412 = tpu.vector_load %arg11[%swap3A_410, %swap3A_411] {strides = array<i32>} : memref<16x1024xf32, #tpu.memory_space<vmem>>, vector<16xf32>,
          tpu.vector_store %arg11[%swap3A_410, %swap3A_411], %mul3A_406 {strides = array<i32>} : memref<16x1024xf32, #tpu.memory_space<vmem>>, vector<16xf32>,
          %mul3A_413 = arith.constant 16 : i32
          %mul3A_414 = arith.muli %scan3A_203, %mul3A_413 : i32
          %get3A_415 = arith.constant 14 : i32
          %get3A_416 = arith.index_cast %get3A_415 : i32 to index
          %get3A_417 = arith.index_cast %mul3A_414 : i32 to index
          %get3A_418 = tpu.vector_load %arg8[%get3A_416, %get3A_417] {strides = array<i32>} : memref<16x1024xf32, #tpu.memory_space<vmem>>, vector<16xf32>,
          %mul3A_419 = arith.constant 6.400000e+01 : f32
          %mul3A_420 = vector.broadcast %mul3A_419 : f32 to vector<16xf32>
          %mul3A_421 = arith.mulf %get3A_418, %mul3A_420 : vector<16xf32>
          %mul3A_422 = arith.constant 16 : i32
          %mul3A_423 = arith.muli %scan3A_203, %mul3A_422 : i32
          %swap3A_424 = arith.constant 14 : i32
          %swap3A_425 = arith.index_cast %swap3A_424 : i32 to index
          %swap3A_426 = arith.index_cast %mul3A_423 : i32 to index
          %swap3A_427 = tpu.vector_load %arg11[%swap3A_425, %swap3A_426] {strides = array<i32>} : memref<16x1024xf32, #tpu.memory_space<vmem>>, vector<16xf32>,
          tpu.vector_store %arg11[%swap3A_425, %swap3A_426], %mul3A_421 {strides = array<i32>} : memref<16x1024xf32, #tpu.memory_space<vmem>>, vector<16xf32>,
          %mul3A_428 = arith.constant 16 : i32
          %mul3A_429 = arith.muli %scan3A_203, %mul3A_428 : i32
          %get3A_430 = arith.constant 15 : i32
          %get3A_431 = arith.index_cast %get3A_430 : i32 to index
          %get3A_432 = arith.index_cast %mul3A_429 : i32 to index
          %get3A_433 = tpu.vector_load %arg8[%get3A_431, %get3A_432] {strides = array<i32>} : memref<16x1024xf32, #tpu.memory_space<vmem>>, vector<16xf32>,
          %mul3A_434 = arith.constant 6.400000e+01 : f32
          %mul3A_435 = vector.broadcast %mul3A_434 : f32 to vector<16xf32>
          %mul3A_436 = arith.mulf %get3A_433, %mul3A_435 : vector<16xf32>
          %mul3A_437 = arith.constant 16 : i32
          %mul3A_438 = arith.muli %scan3A_203, %mul3A_437 : i32
          %swap3A_439 = arith.constant 15 : i32
          %swap3A_440 = arith.index_cast %swap3A_439 : i32 to index
          %swap3A_441 = arith.index_cast %mul3A_438 : i32 to index
          %swap3A_442 = tpu.vector_load %arg11[%swap3A_440, %swap3A_441] {strides = array<i32>} : memref<16x1024xf32, #tpu.memory_space<vmem>>, vector<16xf32>,
          tpu.vector_store %arg11[%swap3A_440, %swap3A_441], %mul3A_436 {strides = array<i32>} : memref<16x1024xf32, #tpu.memory_space<vmem>>, vector<16xf32>,
        }
        %scan3A_146 = arith.constant 64 : i32
        %jit3A_147 = arith.constant 16 : i32
        %div3A_148 = arith.divsi %add3A_118, %jit3A_147 : i32
        %sign3A_149 = arith.constant 0 : i32
        %sign3A_150 = arith.cmpi sgt, %add3A_118, %sign3A_149 : i32
        %sign3A_151 = arith.extui %sign3A_150 : i1 to i32
        %sign3A_152 = arith.constant 0 : i32
        %sign3A_153 = arith.cmpi slt, %add3A_118, %sign3A_152 : i32
        %sign3A_154 = arith.extui %sign3A_153 : i1 to i32
        %sign3A_155 = arith.subi %sign3A_151, %sign3A_154 : i32
        %sign3A_156 = arith.constant 0 : i32
        %sign3A_157 = arith.cmpi sgt, %jit3A_147, %sign3A_156 : i32
        %sign3A_158 = arith.extui %sign3A_157 : i1 to i32
        %sign3A_159 = arith.constant 0 : i32
        %sign3A_160 = arith.cmpi slt, %jit3A_147, %sign3A_159 : i32
        %sign3A_161 = arith.extui %sign3A_160 : i1 to i32
        %sign3A_162 = arith.subi %sign3A_158, %sign3A_161 : i32
        %ne3A_163 = arith.cmpi ne, %sign3A_155, %sign3A_162 : i32
        %rem3A_164 = arith.remsi %add3A_118, %jit3A_147 : i32
        %ne3A_165 = arith.constant 0 : i32
        %ne3A_166 = arith.cmpi ne, %rem3A_164, %ne3A_165 : i32
        %and3A_167 = arith.andi %ne3A_163, %ne3A_166 : i1
        %sub3A_168 = arith.constant 1 : i32
        %sub3A_169 = arith.subi %div3A_148, %sub3A_168 : i32
        %select_n3A_170 = arith.select %and3A_167, %sub3A_169, %div3A_148 : i32
        %mul3A_171 = arith.constant 16 : i32
        %mul3A_172 = arith.muli %select_n3A_170, %mul3A_171 : i32
        %get3A = arith.index_cast %mul3A_172 : i32 to index
        %get3A_173 = tpu.vector_load %arg6[%get3A] {strides = array<i32>} : memref<224xi32, #tpu.memory_space<vmem>>, vector<16xi32>,
        %sub3A_174 = arith.subi %add3A_118, %mul3A_172 : i32
        %eq3A = vector.broadcast %sub3A_174 : i32 to vector<16xi32>
        %eq3A_175 = arith.cmpi eq, %iota3A, %eq3A : vector<16xi32>
        %jit3A_176 = arith.constant 0 : i32
        %broadcast_in_dim3A_177 = vector.broadcast %jit3A_176 : i32 to vector<16xi32>
        %select_n3A_178 = arith.select %eq3A_175, %get3A_173, %broadcast_in_dim3A_177 : vector<16xi1>, vector<16xi32>
        %reduce_max3A = arith.constant true
        %reduce_max3A_179 = vector.broadcast %reduce_max3A : i1 to vector<16xi1>
        %reduce_max3A_180 = arith.constant -2147483648 : i32
        %reduce_max3A_181 = vector.broadcast %reduce_max3A_180 : i32 to vector<16xi32>
        %reduce_max3A_182 = arith.xori %select_n3A_178, %reduce_max3A_181 : vector<16xi32>
        %reduce_max3A_183 = tpu.scan <max>, %reduce_max3A_182 masked %reduce_max3A_179 : vector<16xi32>, vector<16xi1> -> vector<16xi32>
        %reduce_max3A_184 = arith.xori %reduce_max3A_183, %reduce_max3A_181 : vector<16xi32>
        %reduce_max3A_185 = vector.extract %reduce_max3A_184[15] : i32 from vector<16xi32>
        %gt3A_186 = arith.constant 0 : i32
        %gt3A_187 = arith.cmpi sgt, %reduce_max3A_185, %gt3A_186 : i32
        %convert_element_type3A_188 = arith.extui %gt3A_187 : i1 to i32
        %cond3A_189 = arith.constant 0 : i32
        %cond3A_190 = arith.cmpi ne, %convert_element_type3A_188, %cond3A_189 : i32
        scf.if %cond3A_190 {
          %add3A_203 = arith.addi %select_n3A, %add3A_118 : i32
          %mul3A_204 = arith.constant 16 : i32
          %mul3A_205 = arith.muli %add3A_203, %mul3A_204 : i32
          %scan3A_206 = arith.constant 0 : i32
          %scan3A_207 = arith.constant 0 : i32
          %scan3A_208 = arith.constant 64 : i32
          %scan3A_209 = arith.addi %scan3A_207, %scan3A_208 : i32
          %scan3A_210 = arith.constant 1 : i32
          scf.for %scan3A_212 = %scan3A_207 to %scan3A_209 step %scan3A_210  : i32 {
            %mul3A_213 = arith.constant 16 : i32
            %mul3A_214 = arith.muli %scan3A_212, %mul3A_213 : i32
            %get3A_215 = arith.index_cast %mul3A_214 : i32 to index
            %get3A_216 = tpu.vector_load %arg5[%get3A_215] {strides = array<i32>} : memref<1024xi32, #tpu.memory_space<vmem>>, vector<16xi32>,
            %ge3A_217 = vector.broadcast %mul3A_205 : i32 to vector<16xi32>
            %ge3A_218 = arith.cmpi sge, %get3A_216, %ge3A_217 : vector<16xi32>
            %add3A_219 = arith.constant 16 : i32
            %add3A_220 = arith.addi %mul3A_205, %add3A_219 : i32
            %lt3A_221 = vector.broadcast %add3A_220 : i32 to vector<16xi32>
            %lt3A_222 = arith.cmpi slt, %get3A_216, %lt3A_221 : vector<16xi32>
            %and3A_223 = arith.andi %ge3A_218, %lt3A_222 : vector<16xi1>
            %jit3A_224 = arith.constant 1 : i32
            %jit3A_225 = arith.constant 0 : i32
            %broadcast_in_dim3A_226 = vector.broadcast %jit3A_224 : i32 to vector<16xi32>
            %broadcast_in_dim3A_227 = vector.broadcast %jit3A_225 : i32 to vector<16xi32>
            %select_n3A_228 = arith.select %and3A_223, %broadcast_in_dim3A_226, %broadcast_in_dim3A_227 : vector<16xi1>, vector<16xi32>
            %reduce_max3A_229 = arith.constant true
            %reduce_max3A_230 = vector.broadcast %reduce_max3A_229 : i1 to vector<16xi1>
            %reduce_max3A_231 = arith.constant -2147483648 : i32
            %reduce_max3A_232 = vector.broadcast %reduce_max3A_231 : i32 to vector<16xi32>
            %reduce_max3A_233 = arith.xori %select_n3A_228, %reduce_max3A_232 : vector<16xi32>
            %reduce_max3A_234 = tpu.scan <max>, %reduce_max3A_233 masked %reduce_max3A_230 : vector<16xi32>, vector<16xi1> -> vector<16xi32>
            %reduce_max3A_235 = arith.xori %reduce_max3A_234, %reduce_max3A_232 : vector<16xi32>
            %reduce_max3A_236 = vector.extract %reduce_max3A_235[15] : i32 from vector<16xi32>
            %gt3A_237 = arith.constant 0 : i32
            %gt3A_238 = arith.cmpi sgt, %reduce_max3A_236, %gt3A_237 : i32
            %convert_element_type3A_239 = arith.extui %gt3A_238 : i1 to i32
            %cond3A_240 = arith.constant 0 : i32
            %cond3A_241 = arith.cmpi ne, %convert_element_type3A_239, %cond3A_240 : i32
            scf.if %cond3A_241 {
              %add3A_242 = arith.constant 0 : i32
              %add3A_243 = arith.addi %mul3A_205, %add3A_242 : i32
              %eq3A_244 = vector.broadcast %add3A_243 : i32 to vector<16xi32>
              %eq3A_245 = arith.cmpi eq, %get3A_216, %eq3A_244 : vector<16xi32>
              %and3A_246 = arith.andi %and3A_223, %eq3A_245 : vector<16xi1>
              %mul3A_247 = arith.constant 16 : i32
              %mul3A_248 = arith.muli %scan3A_212, %mul3A_247 : i32
              %get3A_249 = arith.constant 0 : i32
              %get3A_250 = arith.index_cast %get3A_249 : i32 to index
              %get3A_251 = arith.index_cast %mul3A_248 : i32 to index
              %get3A_252 = tpu.vector_load %arg11[%get3A_250, %get3A_251] {strides = array<i32>} : memref<16x1024xf32, #tpu.memory_space<vmem>>, vector<16xf32>,
              %sub3A_253 = arith.constant 2.240000e+01 : f32
              %sub3A_254 = vector.broadcast %sub3A_253 : f32 to vector<16xf32>
              %sub3A_255 = arith.subf %get3A_252, %sub3A_254 : vector<16xf32>
              %select_n3A_256 = arith.select %and3A_246, %sub3A_255, %get3A_252 : vector<16xi1>, vector<16xf32>
              %mul3A_257 = arith.constant 16 : i32
              %mul3A_258 = arith.muli %scan3A_212, %mul3A_257 : i32
              %swap3A = arith.constant 0 : i32
              %swap3A_259 = arith.index_cast %swap3A : i32 to index
              %swap3A_260 = arith.index_cast %mul3A_258 : i32 to index
              %swap3A_261 = tpu.vector_load %arg11[%swap3A_259, %swap3A_260] {strides = array<i32>} : memref<16x1024xf32, #tpu.memory_space<vmem>>, vector<16xf32>,
              tpu.vector_store %arg11[%swap3A_259, %swap3A_260], %select_n3A_256 {strides = array<i32>} : memref<16x1024xf32, #tpu.memory_space<vmem>>, vector<16xf32>,
              %add3A_262 = arith.constant 1 : i32
              %add3A_263 = arith.addi %mul3A_205, %add3A_262 : i32
              %eq3A_264 = vector.broadcast %add3A_263 : i32 to vector<16xi32>
              %eq3A_265 = arith.cmpi eq, %get3A_216, %eq3A_264 : vector<16xi32>
              %and3A_266 = arith.andi %and3A_223, %eq3A_265 : vector<16xi1>
              %mul3A_267 = arith.constant 16 : i32
              %mul3A_268 = arith.muli %scan3A_212, %mul3A_267 : i32
              %get3A_269 = arith.constant 1 : i32
              %get3A_270 = arith.index_cast %get3A_269 : i32 to index
              %get3A_271 = arith.index_cast %mul3A_268 : i32 to index
              %get3A_272 = tpu.vector_load %arg11[%get3A_270, %get3A_271] {strides = array<i32>} : memref<16x1024xf32, #tpu.memory_space<vmem>>, vector<16xf32>,
              %sub3A_273 = arith.constant 2.240000e+01 : f32
              %sub3A_274 = vector.broadcast %sub3A_273 : f32 to vector<16xf32>
              %sub3A_275 = arith.subf %get3A_272, %sub3A_274 : vector<16xf32>
              %select_n3A_276 = arith.select %and3A_266, %sub3A_275, %get3A_272 : vector<16xi1>, vector<16xf32>
              %mul3A_277 = arith.constant 16 : i32
              %mul3A_278 = arith.muli %scan3A_212, %mul3A_277 : i32
              %swap3A_279 = arith.constant 1 : i32
              %swap3A_280 = arith.index_cast %swap3A_279 : i32 to index
              %swap3A_281 = arith.index_cast %mul3A_278 : i32 to index
              %swap3A_282 = tpu.vector_load %arg11[%swap3A_280, %swap3A_281] {strides = array<i32>} : memref<16x1024xf32, #tpu.memory_space<vmem>>, vector<16xf32>,
              tpu.vector_store %arg11[%swap3A_280, %swap3A_281], %select_n3A_276 {strides = array<i32>} : memref<16x1024xf32, #tpu.memory_space<vmem>>, vector<16xf32>,
              %add3A_283 = arith.constant 2 : i32
              %add3A_284 = arith.addi %mul3A_205, %add3A_283 : i32
              %eq3A_285 = vector.broadcast %add3A_284 : i32 to vector<16xi32>
              %eq3A_286 = arith.cmpi eq, %get3A_216, %eq3A_285 : vector<16xi32>
              %and3A_287 = arith.andi %and3A_223, %eq3A_286 : vector<16xi1>
              %mul3A_288 = arith.constant 16 : i32
              %mul3A_289 = arith.muli %scan3A_212, %mul3A_288 : i32
              %get3A_290 = arith.constant 2 : i32
              %get3A_291 = arith.index_cast %get3A_290 : i32 to index
              %get3A_292 = arith.index_cast %mul3A_289 : i32 to index
              %get3A_293 = tpu.vector_load %arg11[%get3A_291, %get3A_292] {strides = array<i32>} : memref<16x1024xf32, #tpu.memory_space<vmem>>, vector<16xf32>,
              %sub3A_294 = arith.constant 2.240000e+01 : f32
              %sub3A_295 = vector.broadcast %sub3A_294 : f32 to vector<16xf32>
              %sub3A_296 = arith.subf %get3A_293, %sub3A_295 : vector<16xf32>
              %select_n3A_297 = arith.select %and3A_287, %sub3A_296, %get3A_293 : vector<16xi1>, vector<16xf32>
              %mul3A_298 = arith.constant 16 : i32
              %mul3A_299 = arith.muli %scan3A_212, %mul3A_298 : i32
              %swap3A_300 = arith.constant 2 : i32
              %swap3A_301 = arith.index_cast %swap3A_300 : i32 to index
              %swap3A_302 = arith.index_cast %mul3A_299 : i32 to index
              %swap3A_303 = tpu.vector_load %arg11[%swap3A_301, %swap3A_302] {strides = array<i32>} : memref<16x1024xf32, #tpu.memory_space<vmem>>, vector<16xf32>,
              tpu.vector_store %arg11[%swap3A_301, %swap3A_302], %select_n3A_297 {strides = array<i32>} : memref<16x1024xf32, #tpu.memory_space<vmem>>, vector<16xf32>,
              %add3A_304 = arith.constant 3 : i32
              %add3A_305 = arith.addi %mul3A_205, %add3A_304 : i32
              %eq3A_306 = vector.broadcast %add3A_305 : i32 to vector<16xi32>
              %eq3A_307 = arith.cmpi eq, %get3A_216, %eq3A_306 : vector<16xi32>
              %and3A_308 = arith.andi %and3A_223, %eq3A_307 : vector<16xi1>
              %mul3A_309 = arith.constant 16 : i32
              %mul3A_310 = arith.muli %scan3A_212, %mul3A_309 : i32
              %get3A_311 = arith.constant 3 : i32
              %get3A_312 = arith.index_cast %get3A_311 : i32 to index
              %get3A_313 = arith.index_cast %mul3A_310 : i32 to index
              %get3A_314 = tpu.vector_load %arg11[%get3A_312, %get3A_313] {strides = array<i32>} : memref<16x1024xf32, #tpu.memory_space<vmem>>, vector<16xf32>,
              %sub3A_315 = arith.constant 2.240000e+01 : f32
              %sub3A_316 = vector.broadcast %sub3A_315 : f32 to vector<16xf32>
              %sub3A_317 = arith.subf %get3A_314, %sub3A_316 : vector<16xf32>
              %select_n3A_318 = arith.select %and3A_308, %sub3A_317, %get3A_314 : vector<16xi1>, vector<16xf32>
              %mul3A_319 = arith.constant 16 : i32
              %mul3A_320 = arith.muli %scan3A_212, %mul3A_319 : i32
              %swap3A_321 = arith.constant 3 : i32
              %swap3A_322 = arith.index_cast %swap3A_321 : i32 to index
              %swap3A_323 = arith.index_cast %mul3A_320 : i32 to index
              %swap3A_324 = tpu.vector_load %arg11[%swap3A_322, %swap3A_323] {strides = array<i32>} : memref<16x1024xf32, #tpu.memory_space<vmem>>, vector<16xf32>,
              tpu.vector_store %arg11[%swap3A_322, %swap3A_323], %select_n3A_318 {strides = array<i32>} : memref<16x1024xf32, #tpu.memory_space<vmem>>, vector<16xf32>,
              %add3A_325 = arith.constant 4 : i32
              %add3A_326 = arith.addi %mul3A_205, %add3A_325 : i32
              %eq3A_327 = vector.broadcast %add3A_326 : i32 to vector<16xi32>
              %eq3A_328 = arith.cmpi eq, %get3A_216, %eq3A_327 : vector<16xi32>
              %and3A_329 = arith.andi %and3A_223, %eq3A_328 : vector<16xi1>
              %mul3A_330 = arith.constant 16 : i32
              %mul3A_331 = arith.muli %scan3A_212, %mul3A_330 : i32
              %get3A_332 = arith.constant 4 : i32
              %get3A_333 = arith.index_cast %get3A_332 : i32 to index
              %get3A_334 = arith.index_cast %mul3A_331 : i32 to index
              %get3A_335 = tpu.vector_load %arg11[%get3A_333, %get3A_334] {strides = array<i32>} : memref<16x1024xf32, #tpu.memory_space<vmem>>, vector<16xf32>,
              %sub3A_336 = arith.constant 2.240000e+01 : f32
              %sub3A_337 = vector.broadcast %sub3A_336 : f32 to vector<16xf32>
              %sub3A_338 = arith.subf %get3A_335, %sub3A_337 : vector<16xf32>
              %select_n3A_339 = arith.select %and3A_329, %sub3A_338, %get3A_335 : vector<16xi1>, vector<16xf32>
              %mul3A_340 = arith.constant 16 : i32
              %mul3A_341 = arith.muli %scan3A_212, %mul3A_340 : i32
              %swap3A_342 = arith.constant 4 : i32
              %swap3A_343 = arith.index_cast %swap3A_342 : i32 to index
              %swap3A_344 = arith.index_cast %mul3A_341 : i32 to index
              %swap3A_345 = tpu.vector_load %arg11[%swap3A_343, %swap3A_344] {strides = array<i32>} : memref<16x1024xf32, #tpu.memory_space<vmem>>, vector<16xf32>,
              tpu.vector_store %arg11[%swap3A_343, %swap3A_344], %select_n3A_339 {strides = array<i32>} : memref<16x1024xf32, #tpu.memory_space<vmem>>, vector<16xf32>,
              %add3A_346 = arith.constant 5 : i32
              %add3A_347 = arith.addi %mul3A_205, %add3A_346 : i32
              %eq3A_348 = vector.broadcast %add3A_347 : i32 to vector<16xi32>
              %eq3A_349 = arith.cmpi eq, %get3A_216, %eq3A_348 : vector<16xi32>
              %and3A_350 = arith.andi %and3A_223, %eq3A_349 : vector<16xi1>
              %mul3A_351 = arith.constant 16 : i32
              %mul3A_352 = arith.muli %scan3A_212, %mul3A_351 : i32
              %get3A_353 = arith.constant 5 : i32
              %get3A_354 = arith.index_cast %get3A_353 : i32 to index
              %get3A_355 = arith.index_cast %mul3A_352 : i32 to index
              %get3A_356 = tpu.vector_load %arg11[%get3A_354, %get3A_355] {strides = array<i32>} : memref<16x1024xf32, #tpu.memory_space<vmem>>, vector<16xf32>,
              %sub3A_357 = arith.constant 2.240000e+01 : f32
              %sub3A_358 = vector.broadcast %sub3A_357 : f32 to vector<16xf32>
              %sub3A_359 = arith.subf %get3A_356, %sub3A_358 : vector<16xf32>
              %select_n3A_360 = arith.select %and3A_350, %sub3A_359, %get3A_356 : vector<16xi1>, vector<16xf32>
              %mul3A_361 = arith.constant 16 : i32
              %mul3A_362 = arith.muli %scan3A_212, %mul3A_361 : i32
              %swap3A_363 = arith.constant 5 : i32
              %swap3A_364 = arith.index_cast %swap3A_363 : i32 to index
              %swap3A_365 = arith.index_cast %mul3A_362 : i32 to index
              %swap3A_366 = tpu.vector_load %arg11[%swap3A_364, %swap3A_365] {strides = array<i32>} : memref<16x1024xf32, #tpu.memory_space<vmem>>, vector<16xf32>,
              tpu.vector_store %arg11[%swap3A_364, %swap3A_365], %select_n3A_360 {strides = array<i32>} : memref<16x1024xf32, #tpu.memory_space<vmem>>, vector<16xf32>,
              %add3A_367 = arith.constant 6 : i32
              %add3A_368 = arith.addi %mul3A_205, %add3A_367 : i32
              %eq3A_369 = vector.broadcast %add3A_368 : i32 to vector<16xi32>
              %eq3A_370 = arith.cmpi eq, %get3A_216, %eq3A_369 : vector<16xi32>
              %and3A_371 = arith.andi %and3A_223, %eq3A_370 : vector<16xi1>
              %mul3A_372 = arith.constant 16 : i32
              %mul3A_373 = arith.muli %scan3A_212, %mul3A_372 : i32
              %get3A_374 = arith.constant 6 : i32
              %get3A_375 = arith.index_cast %get3A_374 : i32 to index
              %get3A_376 = arith.index_cast %mul3A_373 : i32 to index
              %get3A_377 = tpu.vector_load %arg11[%get3A_375, %get3A_376] {strides = array<i32>} : memref<16x1024xf32, #tpu.memory_space<vmem>>, vector<16xf32>,
              %sub3A_378 = arith.constant 2.240000e+01 : f32
              %sub3A_379 = vector.broadcast %sub3A_378 : f32 to vector<16xf32>
              %sub3A_380 = arith.subf %get3A_377, %sub3A_379 : vector<16xf32>
              %select_n3A_381 = arith.select %and3A_371, %sub3A_380, %get3A_377 : vector<16xi1>, vector<16xf32>
              %mul3A_382 = arith.constant 16 : i32
              %mul3A_383 = arith.muli %scan3A_212, %mul3A_382 : i32
              %swap3A_384 = arith.constant 6 : i32
              %swap3A_385 = arith.index_cast %swap3A_384 : i32 to index
              %swap3A_386 = arith.index_cast %mul3A_383 : i32 to index
              %swap3A_387 = tpu.vector_load %arg11[%swap3A_385, %swap3A_386] {strides = array<i32>} : memref<16x1024xf32, #tpu.memory_space<vmem>>, vector<16xf32>,
              tpu.vector_store %arg11[%swap3A_385, %swap3A_386], %select_n3A_381 {strides = array<i32>} : memref<16x1024xf32, #tpu.memory_space<vmem>>, vector<16xf32>,
              %add3A_388 = arith.constant 7 : i32
              %add3A_389 = arith.addi %mul3A_205, %add3A_388 : i32
              %eq3A_390 = vector.broadcast %add3A_389 : i32 to vector<16xi32>
              %eq3A_391 = arith.cmpi eq, %get3A_216, %eq3A_390 : vector<16xi32>
              %and3A_392 = arith.andi %and3A_223, %eq3A_391 : vector<16xi1>
              %mul3A_393 = arith.constant 16 : i32
              %mul3A_394 = arith.muli %scan3A_212, %mul3A_393 : i32
              %get3A_395 = arith.constant 7 : i32
              %get3A_396 = arith.index_cast %get3A_395 : i32 to index
              %get3A_397 = arith.index_cast %mul3A_394 : i32 to index
              %get3A_398 = tpu.vector_load %arg11[%get3A_396, %get3A_397] {strides = array<i32>} : memref<16x1024xf32, #tpu.memory_space<vmem>>, vector<16xf32>,
              %sub3A_399 = arith.constant 2.240000e+01 : f32
              %sub3A_400 = vector.broadcast %sub3A_399 : f32 to vector<16xf32>
              %sub3A_401 = arith.subf %get3A_398, %sub3A_400 : vector<16xf32>
              %select_n3A_402 = arith.select %and3A_392, %sub3A_401, %get3A_398 : vector<16xi1>, vector<16xf32>
              %mul3A_403 = arith.constant 16 : i32
              %mul3A_404 = arith.muli %scan3A_212, %mul3A_403 : i32
              %swap3A_405 = arith.constant 7 : i32
              %swap3A_406 = arith.index_cast %swap3A_405 : i32 to index
              %swap3A_407 = arith.index_cast %mul3A_404 : i32 to index
              %swap3A_408 = tpu.vector_load %arg11[%swap3A_406, %swap3A_407] {strides = array<i32>} : memref<16x1024xf32, #tpu.memory_space<vmem>>, vector<16xf32>,
              tpu.vector_store %arg11[%swap3A_406, %swap3A_407], %select_n3A_402 {strides = array<i32>} : memref<16x1024xf32, #tpu.memory_space<vmem>>, vector<16xf32>,
              %add3A_409 = arith.constant 8 : i32
              %add3A_410 = arith.addi %mul3A_205, %add3A_409 : i32
              %eq3A_411 = vector.broadcast %add3A_410 : i32 to vector<16xi32>
              %eq3A_412 = arith.cmpi eq, %get3A_216, %eq3A_411 : vector<16xi32>
              %and3A_413 = arith.andi %and3A_223, %eq3A_412 : vector<16xi1>
              %mul3A_414 = arith.constant 16 : i32
              %mul3A_415 = arith.muli %scan3A_212, %mul3A_414 : i32
              %get3A_416 = arith.constant 8 : i32
              %get3A_417 = arith.index_cast %get3A_416 : i32 to index
              %get3A_418 = arith.index_cast %mul3A_415 : i32 to index
              %get3A_419 = tpu.vector_load %arg11[%get3A_417, %get3A_418] {strides = array<i32>} : memref<16x1024xf32, #tpu.memory_space<vmem>>, vector<16xf32>,
              %sub3A_420 = arith.constant 2.240000e+01 : f32
              %sub3A_421 = vector.broadcast %sub3A_420 : f32 to vector<16xf32>
              %sub3A_422 = arith.subf %get3A_419, %sub3A_421 : vector<16xf32>
              %select_n3A_423 = arith.select %and3A_413, %sub3A_422, %get3A_419 : vector<16xi1>, vector<16xf32>
              %mul3A_424 = arith.constant 16 : i32
              %mul3A_425 = arith.muli %scan3A_212, %mul3A_424 : i32
              %swap3A_426 = arith.constant 8 : i32
              %swap3A_427 = arith.index_cast %swap3A_426 : i32 to index
              %swap3A_428 = arith.index_cast %mul3A_425 : i32 to index
              %swap3A_429 = tpu.vector_load %arg11[%swap3A_427, %swap3A_428] {strides = array<i32>} : memref<16x1024xf32, #tpu.memory_space<vmem>>, vector<16xf32>,
              tpu.vector_store %arg11[%swap3A_427, %swap3A_428], %select_n3A_423 {strides = array<i32>} : memref<16x1024xf32, #tpu.memory_space<vmem>>, vector<16xf32>,
              %add3A_430 = arith.constant 9 : i32
              %add3A_431 = arith.addi %mul3A_205, %add3A_430 : i32
              %eq3A_432 = vector.broadcast %add3A_431 : i32 to vector<16xi32>
              %eq3A_433 = arith.cmpi eq, %get3A_216, %eq3A_432 : vector<16xi32>
              %and3A_434 = arith.andi %and3A_223, %eq3A_433 : vector<16xi1>
              %mul3A_435 = arith.constant 16 : i32
              %mul3A_436 = arith.muli %scan3A_212, %mul3A_435 : i32
              %get3A_437 = arith.constant 9 : i32
              %get3A_438 = arith.index_cast %get3A_437 : i32 to index
              %get3A_439 = arith.index_cast %mul3A_436 : i32 to index
              %get3A_440 = tpu.vector_load %arg11[%get3A_438, %get3A_439] {strides = array<i32>} : memref<16x1024xf32, #tpu.memory_space<vmem>>, vector<16xf32>,
              %sub3A_441 = arith.constant 2.240000e+01 : f32
              %sub3A_442 = vector.broadcast %sub3A_441 : f32 to vector<16xf32>
              %sub3A_443 = arith.subf %get3A_440, %sub3A_442 : vector<16xf32>
              %select_n3A_444 = arith.select %and3A_434, %sub3A_443, %get3A_440 : vector<16xi1>, vector<16xf32>
              %mul3A_445 = arith.constant 16 : i32
              %mul3A_446 = arith.muli %scan3A_212, %mul3A_445 : i32
              %swap3A_447 = arith.constant 9 : i32
              %swap3A_448 = arith.index_cast %swap3A_447 : i32 to index
              %swap3A_449 = arith.index_cast %mul3A_446 : i32 to index
              %swap3A_450 = tpu.vector_load %arg11[%swap3A_448, %swap3A_449] {strides = array<i32>} : memref<16x1024xf32, #tpu.memory_space<vmem>>, vector<16xf32>,
              tpu.vector_store %arg11[%swap3A_448, %swap3A_449], %select_n3A_444 {strides = array<i32>} : memref<16x1024xf32, #tpu.memory_space<vmem>>, vector<16xf32>,
              %add3A_451 = arith.constant 10 : i32
              %add3A_452 = arith.addi %mul3A_205, %add3A_451 : i32
              %eq3A_453 = vector.broadcast %add3A_452 : i32 to vector<16xi32>
              %eq3A_454 = arith.cmpi eq, %get3A_216, %eq3A_453 : vector<16xi32>
              %and3A_455 = arith.andi %and3A_223, %eq3A_454 : vector<16xi1>
              %mul3A_456 = arith.constant 16 : i32
              %mul3A_457 = arith.muli %scan3A_212, %mul3A_456 : i32
              %get3A_458 = arith.constant 10 : i32
              %get3A_459 = arith.index_cast %get3A_458 : i32 to index
              %get3A_460 = arith.index_cast %mul3A_457 : i32 to index
              %get3A_461 = tpu.vector_load %arg11[%get3A_459, %get3A_460] {strides = array<i32>} : memref<16x1024xf32, #tpu.memory_space<vmem>>, vector<16xf32>,
              %sub3A_462 = arith.constant 2.240000e+01 : f32
              %sub3A_463 = vector.broadcast %sub3A_462 : f32 to vector<16xf32>
              %sub3A_464 = arith.subf %get3A_461, %sub3A_463 : vector<16xf32>
              %select_n3A_465 = arith.select %and3A_455, %sub3A_464, %get3A_461 : vector<16xi1>, vector<16xf32>
              %mul3A_466 = arith.constant 16 : i32
              %mul3A_467 = arith.muli %scan3A_212, %mul3A_466 : i32
              %swap3A_468 = arith.constant 10 : i32
              %swap3A_469 = arith.index_cast %swap3A_468 : i32 to index
              %swap3A_470 = arith.index_cast %mul3A_467 : i32 to index
              %swap3A_471 = tpu.vector_load %arg11[%swap3A_469, %swap3A_470] {strides = array<i32>} : memref<16x1024xf32, #tpu.memory_space<vmem>>, vector<16xf32>,
              tpu.vector_store %arg11[%swap3A_469, %swap3A_470], %select_n3A_465 {strides = array<i32>} : memref<16x1024xf32, #tpu.memory_space<vmem>>, vector<16xf32>,
              %add3A_472 = arith.constant 11 : i32
              %add3A_473 = arith.addi %mul3A_205, %add3A_472 : i32
              %eq3A_474 = vector.broadcast %add3A_473 : i32 to vector<16xi32>
              %eq3A_475 = arith.cmpi eq, %get3A_216, %eq3A_474 : vector<16xi32>
              %and3A_476 = arith.andi %and3A_223, %eq3A_475 : vector<16xi1>
              %mul3A_477 = arith.constant 16 : i32
              %mul3A_478 = arith.muli %scan3A_212, %mul3A_477 : i32
              %get3A_479 = arith.constant 11 : i32
              %get3A_480 = arith.index_cast %get3A_479 : i32 to index
              %get3A_481 = arith.index_cast %mul3A_478 : i32 to index
              %get3A_482 = tpu.vector_load %arg11[%get3A_480, %get3A_481] {strides = array<i32>} : memref<16x1024xf32, #tpu.memory_space<vmem>>, vector<16xf32>,
              %sub3A_483 = arith.constant 2.240000e+01 : f32
              %sub3A_484 = vector.broadcast %sub3A_483 : f32 to vector<16xf32>
              %sub3A_485 = arith.subf %get3A_482, %sub3A_484 : vector<16xf32>
              %select_n3A_486 = arith.select %and3A_476, %sub3A_485, %get3A_482 : vector<16xi1>, vector<16xf32>
              %mul3A_487 = arith.constant 16 : i32
              %mul3A_488 = arith.muli %scan3A_212, %mul3A_487 : i32
              %swap3A_489 = arith.constant 11 : i32
              %swap3A_490 = arith.index_cast %swap3A_489 : i32 to index
              %swap3A_491 = arith.index_cast %mul3A_488 : i32 to index
              %swap3A_492 = tpu.vector_load %arg11[%swap3A_490, %swap3A_491] {strides = array<i32>} : memref<16x1024xf32, #tpu.memory_space<vmem>>, vector<16xf32>,
              tpu.vector_store %arg11[%swap3A_490, %swap3A_491], %select_n3A_486 {strides = array<i32>} : memref<16x1024xf32, #tpu.memory_space<vmem>>, vector<16xf32>,
              %add3A_493 = arith.constant 12 : i32
              %add3A_494 = arith.addi %mul3A_205, %add3A_493 : i32
              %eq3A_495 = vector.broadcast %add3A_494 : i32 to vector<16xi32>
              %eq3A_496 = arith.cmpi eq, %get3A_216, %eq3A_495 : vector<16xi32>
              %and3A_497 = arith.andi %and3A_223, %eq3A_496 : vector<16xi1>
              %mul3A_498 = arith.constant 16 : i32
              %mul3A_499 = arith.muli %scan3A_212, %mul3A_498 : i32
              %get3A_500 = arith.constant 12 : i32
              %get3A_501 = arith.index_cast %get3A_500 : i32 to index
              %get3A_502 = arith.index_cast %mul3A_499 : i32 to index
              %get3A_503 = tpu.vector_load %arg11[%get3A_501, %get3A_502] {strides = array<i32>} : memref<16x1024xf32, #tpu.memory_space<vmem>>, vector<16xf32>,
              %sub3A_504 = arith.constant 2.240000e+01 : f32
              %sub3A_505 = vector.broadcast %sub3A_504 : f32 to vector<16xf32>
              %sub3A_506 = arith.subf %get3A_503, %sub3A_505 : vector<16xf32>
              %select_n3A_507 = arith.select %and3A_497, %sub3A_506, %get3A_503 : vector<16xi1>, vector<16xf32>
              %mul3A_508 = arith.constant 16 : i32
              %mul3A_509 = arith.muli %scan3A_212, %mul3A_508 : i32
              %swap3A_510 = arith.constant 12 : i32
              %swap3A_511 = arith.index_cast %swap3A_510 : i32 to index
              %swap3A_512 = arith.index_cast %mul3A_509 : i32 to index
              %swap3A_513 = tpu.vector_load %arg11[%swap3A_511, %swap3A_512] {strides = array<i32>} : memref<16x1024xf32, #tpu.memory_space<vmem>>, vector<16xf32>,
              tpu.vector_store %arg11[%swap3A_511, %swap3A_512], %select_n3A_507 {strides = array<i32>} : memref<16x1024xf32, #tpu.memory_space<vmem>>, vector<16xf32>,
              %add3A_514 = arith.constant 13 : i32
              %add3A_515 = arith.addi %mul3A_205, %add3A_514 : i32
              %eq3A_516 = vector.broadcast %add3A_515 : i32 to vector<16xi32>
              %eq3A_517 = arith.cmpi eq, %get3A_216, %eq3A_516 : vector<16xi32>
              %and3A_518 = arith.andi %and3A_223, %eq3A_517 : vector<16xi1>
              %mul3A_519 = arith.constant 16 : i32
              %mul3A_520 = arith.muli %scan3A_212, %mul3A_519 : i32
              %get3A_521 = arith.constant 13 : i32
              %get3A_522 = arith.index_cast %get3A_521 : i32 to index
              %get3A_523 = arith.index_cast %mul3A_520 : i32 to index
              %get3A_524 = tpu.vector_load %arg11[%get3A_522, %get3A_523] {strides = array<i32>} : memref<16x1024xf32, #tpu.memory_space<vmem>>, vector<16xf32>,
              %sub3A_525 = arith.constant 2.240000e+01 : f32
              %sub3A_526 = vector.broadcast %sub3A_525 : f32 to vector<16xf32>
              %sub3A_527 = arith.subf %get3A_524, %sub3A_526 : vector<16xf32>
              %select_n3A_528 = arith.select %and3A_518, %sub3A_527, %get3A_524 : vector<16xi1>, vector<16xf32>
              %mul3A_529 = arith.constant 16 : i32
              %mul3A_530 = arith.muli %scan3A_212, %mul3A_529 : i32
              %swap3A_531 = arith.constant 13 : i32
              %swap3A_532 = arith.index_cast %swap3A_531 : i32 to index
              %swap3A_533 = arith.index_cast %mul3A_530 : i32 to index
              %swap3A_534 = tpu.vector_load %arg11[%swap3A_532, %swap3A_533] {strides = array<i32>} : memref<16x1024xf32, #tpu.memory_space<vmem>>, vector<16xf32>,
              tpu.vector_store %arg11[%swap3A_532, %swap3A_533], %select_n3A_528 {strides = array<i32>} : memref<16x1024xf32, #tpu.memory_space<vmem>>, vector<16xf32>,
              %add3A_535 = arith.constant 14 : i32
              %add3A_536 = arith.addi %mul3A_205, %add3A_535 : i32
              %eq3A_537 = vector.broadcast %add3A_536 : i32 to vector<16xi32>
              %eq3A_538 = arith.cmpi eq, %get3A_216, %eq3A_537 : vector<16xi32>
              %and3A_539 = arith.andi %and3A_223, %eq3A_538 : vector<16xi1>
              %mul3A_540 = arith.constant 16 : i32
              %mul3A_541 = arith.muli %scan3A_212, %mul3A_540 : i32
              %get3A_542 = arith.constant 14 : i32
              %get3A_543 = arith.index_cast %get3A_542 : i32 to index
              %get3A_544 = arith.index_cast %mul3A_541 : i32 to index
              %get3A_545 = tpu.vector_load %arg11[%get3A_543, %get3A_544] {strides = array<i32>} : memref<16x1024xf32, #tpu.memory_space<vmem>>, vector<16xf32>,
              %sub3A_546 = arith.constant 2.240000e+01 : f32
              %sub3A_547 = vector.broadcast %sub3A_546 : f32 to vector<16xf32>
              %sub3A_548 = arith.subf %get3A_545, %sub3A_547 : vector<16xf32>
              %select_n3A_549 = arith.select %and3A_539, %sub3A_548, %get3A_545 : vector<16xi1>, vector<16xf32>
              %mul3A_550 = arith.constant 16 : i32
              %mul3A_551 = arith.muli %scan3A_212, %mul3A_550 : i32
              %swap3A_552 = arith.constant 14 : i32
              %swap3A_553 = arith.index_cast %swap3A_552 : i32 to index
              %swap3A_554 = arith.index_cast %mul3A_551 : i32 to index
              %swap3A_555 = tpu.vector_load %arg11[%swap3A_553, %swap3A_554] {strides = array<i32>} : memref<16x1024xf32, #tpu.memory_space<vmem>>, vector<16xf32>,
              tpu.vector_store %arg11[%swap3A_553, %swap3A_554], %select_n3A_549 {strides = array<i32>} : memref<16x1024xf32, #tpu.memory_space<vmem>>, vector<16xf32>,
              %add3A_556 = arith.constant 15 : i32
              %add3A_557 = arith.addi %mul3A_205, %add3A_556 : i32
              %eq3A_558 = vector.broadcast %add3A_557 : i32 to vector<16xi32>
              %eq3A_559 = arith.cmpi eq, %get3A_216, %eq3A_558 : vector<16xi32>
              %and3A_560 = arith.andi %and3A_223, %eq3A_559 : vector<16xi1>
              %mul3A_561 = arith.constant 16 : i32
              %mul3A_562 = arith.muli %scan3A_212, %mul3A_561 : i32
              %get3A_563 = arith.constant 15 : i32
              %get3A_564 = arith.index_cast %get3A_563 : i32 to index
              %get3A_565 = arith.index_cast %mul3A_562 : i32 to index
              %get3A_566 = tpu.vector_load %arg11[%get3A_564, %get3A_565] {strides = array<i32>} : memref<16x1024xf32, #tpu.memory_space<vmem>>, vector<16xf32>,
              %sub3A_567 = arith.constant 2.240000e+01 : f32
              %sub3A_568 = vector.broadcast %sub3A_567 : f32 to vector<16xf32>
              %sub3A_569 = arith.subf %get3A_566, %sub3A_568 : vector<16xf32>
              %select_n3A_570 = arith.select %and3A_560, %sub3A_569, %get3A_566 : vector<16xi1>, vector<16xf32>
              %mul3A_571 = arith.constant 16 : i32
              %mul3A_572 = arith.muli %scan3A_212, %mul3A_571 : i32
              %swap3A_573 = arith.constant 15 : i32
              %swap3A_574 = arith.index_cast %swap3A_573 : i32 to index
              %swap3A_575 = arith.index_cast %mul3A_572 : i32 to index
              %swap3A_576 = tpu.vector_load %arg11[%swap3A_574, %swap3A_575] {strides = array<i32>} : memref<16x1024xf32, #tpu.memory_space<vmem>>, vector<16xf32>,
              tpu.vector_store %arg11[%swap3A_574, %swap3A_575], %select_n3A_570 {strides = array<i32>} : memref<16x1024xf32, #tpu.memory_space<vmem>>, vector<16xf32>,
            } else {
            }
          }
          %scan3A_211 = arith.constant 64 : i32
        } else {
        }
        %add3A_191 = arith.addi %select_n3A, %add3A_118 : i32
        %mul3A_192 = arith.constant 16 : i32
        %mul3A_193 = arith.muli %add3A_191, %mul3A_192 : i32
        %dma_start3A = arith.constant 0 : i32
        %dma_start3A_194 = tpu.memref_slice %arg4[%mul3A_193, %dma_start3A] : memref<100000x1024xf32, #tpu.memory_space<hbm>> -> memref<16x1024xf32, #tpu.memory_space<hbm>>
        %dma_start3A_195 = arith.constant 0 : i32
        %dma_start3A_196 = tpu.memref_slice %arg4[%mul3A_193, %dma_start3A_195] : memref<100000x1024xf32, #tpu.memory_space<hbm>> -> memref<16x1024xf32, #tpu.memory_space<hbm>>
        tpu.enqueue_dma source(%arg11 : memref<16x1024xf32, #tpu.memory_space<vmem>>) target(%dma_start3A_196 : memref<16x1024xf32, #tpu.memory_space<hbm>>) target_semaphore(%arg17 : memref<!tpu.dma_semaphore, #tpu.memory_space<semaphore_mem>>)
        %add3A_197 = arith.constant 3 : i32
        %add3A_198 = arith.addi %add3A_118, %add3A_197 : i32
        %lt3A_199 = arith.cmpi slt, %add3A_198, %sub3A_47 : i32
        %convert_element_type3A_200 = arith.extui %lt3A_199 : i1 to i32
        %cond3A_201 = arith.constant 0 : i32
        %cond3A_202 = arith.cmpi ne, %convert_element_type3A_200, %cond3A_201 : i32
        scf.if %cond3A_202 {
          %add3A_203 = arith.constant 3 : i32
          %add3A_204 = arith.addi %add3A_118, %add3A_203 : i32
          %add3A_205 = arith.addi %select_n3A, %add3A_204 : i32
          %mul3A_206 = arith.constant 16 : i32
          %mul3A_207 = arith.muli %add3A_205, %mul3A_206 : i32
          %dma_start3A_208 = arith.constant 0 : i32
          %dma_start3A_209 = tpu.memref_slice %arg2[%mul3A_207, %dma_start3A_208] : memref<100000x1024xf32, #tpu.memory_space<hbm>> -> memref<16x1024xf32, #tpu.memory_space<hbm>>
          %dma_start3A_210 = arith.constant 0 : i32
          %dma_start3A_211 = tpu.memref_slice %arg2[%mul3A_207, %dma_start3A_210] : memref<100000x1024xf32, #tpu.memory_space<hbm>> -> memref<16x1024xf32, #tpu.memory_space<hbm>>
          tpu.enqueue_dma source(%dma_start3A_211 : memref<16x1024xf32, #tpu.memory_space<hbm>>) target(%arg8 : memref<16x1024xf32, #tpu.memory_space<vmem>>) target_semaphore(%arg14 : memref<!tpu.dma_semaphore, #tpu.memory_space<semaphore_mem>>)
        } else {
        }
      } else {
      }
      %mul3A_123 = arith.constant 3 : i32
      %mul3A_124 = arith.muli %scan3A_106, %mul3A_123 : i32
      %add3A_125 = arith.constant 2 : i32
      %add3A_126 = arith.addi %mul3A_124, %add3A_125 : i32
      %lt3A_127 = arith.cmpi slt, %add3A_126, %sub3A_47 : i32
      %convert_element_type3A_128 = arith.extui %lt3A_127 : i1 to i32
      %cond3A_129 = arith.constant 0 : i32
      %cond3A_130 = arith.cmpi ne, %convert_element_type3A_128, %cond3A_129 : i32
      scf.if %cond3A_130 {
        %ge3A = arith.constant 3 : i32
        %ge3A_131 = arith.cmpi sge, %add3A_126, %ge3A : i32
        %convert_element_type3A_132 = arith.extui %ge3A_131 : i1 to i32
        %cond3A_133 = arith.constant 0 : i32
        %cond3A_134 = arith.cmpi ne, %convert_element_type3A_132, %cond3A_133 : i32
        scf.if %cond3A_134 {
          %sub3A_203 = arith.constant 3 : i32
          %sub3A_204 = arith.subi %add3A_126, %sub3A_203 : i32
          %add3A_205 = arith.addi %select_n3A, %sub3A_204 : i32
          %mul3A_206 = arith.constant 16 : i32
          %mul3A_207 = arith.muli %add3A_205, %mul3A_206 : i32
          %dma_wait3A_208 = arith.constant 0 : i32
          %dma_wait3A_209 = tpu.memref_slice %arg4[%mul3A_207, %dma_wait3A_208] : memref<100000x1024xf32, #tpu.memory_space<hbm>> -> memref<16x1024xf32, #tpu.memory_space<hbm>>
          %dma_wait3A_210 = arith.constant 0 : i32
          %dma_wait3A_211 = tpu.memref_slice %arg4[%mul3A_207, %dma_wait3A_210] : memref<100000x1024xf32, #tpu.memory_space<hbm>> -> memref<16x1024xf32, #tpu.memory_space<hbm>>
          tpu.wait_dma2 semaphore(%arg18 : memref<!tpu.dma_semaphore, #tpu.memory_space<semaphore_mem>>) src(%arg12 : memref<16x1024xf32, #tpu.memory_space<vmem>>) dst(%dma_wait3A_211 : memref<16x1024xf32, #tpu.memory_space<hbm>>)
        } else {
        }
        %add3A_135 = arith.addi %select_n3A, %add3A_126 : i32
        %mul3A_136 = arith.constant 16 : i32
        %mul3A_137 = arith.muli %add3A_135, %mul3A_136 : i32
        %dma_wait3A = arith.constant 0 : i32
        %dma_wait3A_138 = tpu.memref_slice %arg2[%mul3A_137, %dma_wait3A] : memref<100000x1024xf32, #tpu.memory_space<hbm>> -> memref<16x1024xf32, #tpu.memory_space<hbm>>
        %dma_wait3A_139 = arith.constant 0 : i32
        %dma_wait3A_140 = tpu.memref_slice %arg2[%mul3A_137, %dma_wait3A_139] : memref<100000x1024xf32, #tpu.memory_space<hbm>> -> memref<16x1024xf32, #tpu.memory_space<hbm>>
        tpu.wait_dma2 semaphore(%arg15 : memref<!tpu.dma_semaphore, #tpu.memory_space<semaphore_mem>>) src(%dma_wait3A_140 : memref<16x1024xf32, #tpu.memory_space<hbm>>) dst(%arg9 : memref<16x1024xf32, #tpu.memory_space<vmem>>)
        %scan3A_141 = arith.constant 0 : i32
        %scan3A_142 = arith.constant 0 : i32
        %scan3A_143 = arith.constant 64 : i32
        %scan3A_144 = arith.addi %scan3A_142, %scan3A_143 : i32
        %scan3A_145 = arith.constant 1 : i32
        scf.for %scan3A_203 = %scan3A_142 to %scan3A_144 step %scan3A_145  : i32 {
          %mul3A_204 = arith.constant 16 : i32
          %mul3A_205 = arith.muli %scan3A_203, %mul3A_204 : i32
          %get3A_206 = arith.constant 0 : i32
          %get3A_207 = arith.index_cast %get3A_206 : i32 to index
          %get3A_208 = arith.index_cast %mul3A_205 : i32 to index
          %get3A_209 = tpu.vector_load %arg9[%get3A_207, %get3A_208] {strides = array<i32>} : memref<16x1024xf32, #tpu.memory_space<vmem>>, vector<16xf32>,
          %mul3A_210 = arith.constant 6.400000e+01 : f32
          %mul3A_211 = vector.broadcast %mul3A_210 : f32 to vector<16xf32>
          %mul3A_212 = arith.mulf %get3A_209, %mul3A_211 : vector<16xf32>
          %mul3A_213 = arith.constant 16 : i32
          %mul3A_214 = arith.muli %scan3A_203, %mul3A_213 : i32
          %swap3A = arith.constant 0 : i32
          %swap3A_215 = arith.index_cast %swap3A : i32 to index
          %swap3A_216 = arith.index_cast %mul3A_214 : i32 to index
          %swap3A_217 = tpu.vector_load %arg12[%swap3A_215, %swap3A_216] {strides = array<i32>} : memref<16x1024xf32, #tpu.memory_space<vmem>>, vector<16xf32>,
          tpu.vector_store %arg12[%swap3A_215, %swap3A_216], %mul3A_212 {strides = array<i32>} : memref<16x1024xf32, #tpu.memory_space<vmem>>, vector<16xf32>,
          %mul3A_218 = arith.constant 16 : i32
          %mul3A_219 = arith.muli %scan3A_203, %mul3A_218 : i32
          %get3A_220 = arith.constant 1 : i32
          %get3A_221 = arith.index_cast %get3A_220 : i32 to index
          %get3A_222 = arith.index_cast %mul3A_219 : i32 to index
          %get3A_223 = tpu.vector_load %arg9[%get3A_221, %get3A_222] {strides = array<i32>} : memref<16x1024xf32, #tpu.memory_space<vmem>>, vector<16xf32>,
          %mul3A_224 = arith.constant 6.400000e+01 : f32
          %mul3A_225 = vector.broadcast %mul3A_224 : f32 to vector<16xf32>
          %mul3A_226 = arith.mulf %get3A_223, %mul3A_225 : vector<16xf32>
          %mul3A_227 = arith.constant 16 : i32
          %mul3A_228 = arith.muli %scan3A_203, %mul3A_227 : i32
          %swap3A_229 = arith.constant 1 : i32
          %swap3A_230 = arith.index_cast %swap3A_229 : i32 to index
          %swap3A_231 = arith.index_cast %mul3A_228 : i32 to index
          %swap3A_232 = tpu.vector_load %arg12[%swap3A_230, %swap3A_231] {strides = array<i32>} : memref<16x1024xf32, #tpu.memory_space<vmem>>, vector<16xf32>,
          tpu.vector_store %arg12[%swap3A_230, %swap3A_231], %mul3A_226 {strides = array<i32>} : memref<16x1024xf32, #tpu.memory_space<vmem>>, vector<16xf32>,
          %mul3A_233 = arith.constant 16 : i32
          %mul3A_234 = arith.muli %scan3A_203, %mul3A_233 : i32
          %get3A_235 = arith.constant 2 : i32
          %get3A_236 = arith.index_cast %get3A_235 : i32 to index
          %get3A_237 = arith.index_cast %mul3A_234 : i32 to index
          %get3A_238 = tpu.vector_load %arg9[%get3A_236, %get3A_237] {strides = array<i32>} : memref<16x1024xf32, #tpu.memory_space<vmem>>, vector<16xf32>,
          %mul3A_239 = arith.constant 6.400000e+01 : f32
          %mul3A_240 = vector.broadcast %mul3A_239 : f32 to vector<16xf32>
          %mul3A_241 = arith.mulf %get3A_238, %mul3A_240 : vector<16xf32>
          %mul3A_242 = arith.constant 16 : i32
          %mul3A_243 = arith.muli %scan3A_203, %mul3A_242 : i32
          %swap3A_244 = arith.constant 2 : i32
          %swap3A_245 = arith.index_cast %swap3A_244 : i32 to index
          %swap3A_246 = arith.index_cast %mul3A_243 : i32 to index
          %swap3A_247 = tpu.vector_load %arg12[%swap3A_245, %swap3A_246] {strides = array<i32>} : memref<16x1024xf32, #tpu.memory_space<vmem>>, vector<16xf32>,
          tpu.vector_store %arg12[%swap3A_245, %swap3A_246], %mul3A_241 {strides = array<i32>} : memref<16x1024xf32, #tpu.memory_space<vmem>>, vector<16xf32>,
          %mul3A_248 = arith.constant 16 : i32
          %mul3A_249 = arith.muli %scan3A_203, %mul3A_248 : i32
          %get3A_250 = arith.constant 3 : i32
          %get3A_251 = arith.index_cast %get3A_250 : i32 to index
          %get3A_252 = arith.index_cast %mul3A_249 : i32 to index
          %get3A_253 = tpu.vector_load %arg9[%get3A_251, %get3A_252] {strides = array<i32>} : memref<16x1024xf32, #tpu.memory_space<vmem>>, vector<16xf32>,
          %mul3A_254 = arith.constant 6.400000e+01 : f32
          %mul3A_255 = vector.broadcast %mul3A_254 : f32 to vector<16xf32>
          %mul3A_256 = arith.mulf %get3A_253, %mul3A_255 : vector<16xf32>
          %mul3A_257 = arith.constant 16 : i32
          %mul3A_258 = arith.muli %scan3A_203, %mul3A_257 : i32
          %swap3A_259 = arith.constant 3 : i32
          %swap3A_260 = arith.index_cast %swap3A_259 : i32 to index
          %swap3A_261 = arith.index_cast %mul3A_258 : i32 to index
          %swap3A_262 = tpu.vector_load %arg12[%swap3A_260, %swap3A_261] {strides = array<i32>} : memref<16x1024xf32, #tpu.memory_space<vmem>>, vector<16xf32>,
          tpu.vector_store %arg12[%swap3A_260, %swap3A_261], %mul3A_256 {strides = array<i32>} : memref<16x1024xf32, #tpu.memory_space<vmem>>, vector<16xf32>,
          %mul3A_263 = arith.constant 16 : i32
          %mul3A_264 = arith.muli %scan3A_203, %mul3A_263 : i32
          %get3A_265 = arith.constant 4 : i32
          %get3A_266 = arith.index_cast %get3A_265 : i32 to index
          %get3A_267 = arith.index_cast %mul3A_264 : i32 to index
          %get3A_268 = tpu.vector_load %arg9[%get3A_266, %get3A_267] {strides = array<i32>} : memref<16x1024xf32, #tpu.memory_space<vmem>>, vector<16xf32>,
          %mul3A_269 = arith.constant 6.400000e+01 : f32
          %mul3A_270 = vector.broadcast %mul3A_269 : f32 to vector<16xf32>
          %mul3A_271 = arith.mulf %get3A_268, %mul3A_270 : vector<16xf32>
          %mul3A_272 = arith.constant 16 : i32
          %mul3A_273 = arith.muli %scan3A_203, %mul3A_272 : i32
          %swap3A_274 = arith.constant 4 : i32
          %swap3A_275 = arith.index_cast %swap3A_274 : i32 to index
          %swap3A_276 = arith.index_cast %mul3A_273 : i32 to index
          %swap3A_277 = tpu.vector_load %arg12[%swap3A_275, %swap3A_276] {strides = array<i32>} : memref<16x1024xf32, #tpu.memory_space<vmem>>, vector<16xf32>,
          tpu.vector_store %arg12[%swap3A_275, %swap3A_276], %mul3A_271 {strides = array<i32>} : memref<16x1024xf32, #tpu.memory_space<vmem>>, vector<16xf32>,
          %mul3A_278 = arith.constant 16 : i32
          %mul3A_279 = arith.muli %scan3A_203, %mul3A_278 : i32
          %get3A_280 = arith.constant 5 : i32
          %get3A_281 = arith.index_cast %get3A_280 : i32 to index
          %get3A_282 = arith.index_cast %mul3A_279 : i32 to index
          %get3A_283 = tpu.vector_load %arg9[%get3A_281, %get3A_282] {strides = array<i32>} : memref<16x1024xf32, #tpu.memory_space<vmem>>, vector<16xf32>,
          %mul3A_284 = arith.constant 6.400000e+01 : f32
          %mul3A_285 = vector.broadcast %mul3A_284 : f32 to vector<16xf32>
          %mul3A_286 = arith.mulf %get3A_283, %mul3A_285 : vector<16xf32>
          %mul3A_287 = arith.constant 16 : i32
          %mul3A_288 = arith.muli %scan3A_203, %mul3A_287 : i32
          %swap3A_289 = arith.constant 5 : i32
          %swap3A_290 = arith.index_cast %swap3A_289 : i32 to index
          %swap3A_291 = arith.index_cast %mul3A_288 : i32 to index
          %swap3A_292 = tpu.vector_load %arg12[%swap3A_290, %swap3A_291] {strides = array<i32>} : memref<16x1024xf32, #tpu.memory_space<vmem>>, vector<16xf32>,
          tpu.vector_store %arg12[%swap3A_290, %swap3A_291], %mul3A_286 {strides = array<i32>} : memref<16x1024xf32, #tpu.memory_space<vmem>>, vector<16xf32>,
          %mul3A_293 = arith.constant 16 : i32
          %mul3A_294 = arith.muli %scan3A_203, %mul3A_293 : i32
          %get3A_295 = arith.constant 6 : i32
          %get3A_296 = arith.index_cast %get3A_295 : i32 to index
          %get3A_297 = arith.index_cast %mul3A_294 : i32 to index
          %get3A_298 = tpu.vector_load %arg9[%get3A_296, %get3A_297] {strides = array<i32>} : memref<16x1024xf32, #tpu.memory_space<vmem>>, vector<16xf32>,
          %mul3A_299 = arith.constant 6.400000e+01 : f32
          %mul3A_300 = vector.broadcast %mul3A_299 : f32 to vector<16xf32>
          %mul3A_301 = arith.mulf %get3A_298, %mul3A_300 : vector<16xf32>
          %mul3A_302 = arith.constant 16 : i32
          %mul3A_303 = arith.muli %scan3A_203, %mul3A_302 : i32
          %swap3A_304 = arith.constant 6 : i32
          %swap3A_305 = arith.index_cast %swap3A_304 : i32 to index
          %swap3A_306 = arith.index_cast %mul3A_303 : i32 to index
          %swap3A_307 = tpu.vector_load %arg12[%swap3A_305, %swap3A_306] {strides = array<i32>} : memref<16x1024xf32, #tpu.memory_space<vmem>>, vector<16xf32>,
          tpu.vector_store %arg12[%swap3A_305, %swap3A_306], %mul3A_301 {strides = array<i32>} : memref<16x1024xf32, #tpu.memory_space<vmem>>, vector<16xf32>,
          %mul3A_308 = arith.constant 16 : i32
          %mul3A_309 = arith.muli %scan3A_203, %mul3A_308 : i32
          %get3A_310 = arith.constant 7 : i32
          %get3A_311 = arith.index_cast %get3A_310 : i32 to index
          %get3A_312 = arith.index_cast %mul3A_309 : i32 to index
          %get3A_313 = tpu.vector_load %arg9[%get3A_311, %get3A_312] {strides = array<i32>} : memref<16x1024xf32, #tpu.memory_space<vmem>>, vector<16xf32>,
          %mul3A_314 = arith.constant 6.400000e+01 : f32
          %mul3A_315 = vector.broadcast %mul3A_314 : f32 to vector<16xf32>
          %mul3A_316 = arith.mulf %get3A_313, %mul3A_315 : vector<16xf32>
          %mul3A_317 = arith.constant 16 : i32
          %mul3A_318 = arith.muli %scan3A_203, %mul3A_317 : i32
          %swap3A_319 = arith.constant 7 : i32
          %swap3A_320 = arith.index_cast %swap3A_319 : i32 to index
          %swap3A_321 = arith.index_cast %mul3A_318 : i32 to index
          %swap3A_322 = tpu.vector_load %arg12[%swap3A_320, %swap3A_321] {strides = array<i32>} : memref<16x1024xf32, #tpu.memory_space<vmem>>, vector<16xf32>,
          tpu.vector_store %arg12[%swap3A_320, %swap3A_321], %mul3A_316 {strides = array<i32>} : memref<16x1024xf32, #tpu.memory_space<vmem>>, vector<16xf32>,
          %mul3A_323 = arith.constant 16 : i32
          %mul3A_324 = arith.muli %scan3A_203, %mul3A_323 : i32
          %get3A_325 = arith.constant 8 : i32
          %get3A_326 = arith.index_cast %get3A_325 : i32 to index
          %get3A_327 = arith.index_cast %mul3A_324 : i32 to index
          %get3A_328 = tpu.vector_load %arg9[%get3A_326, %get3A_327] {strides = array<i32>} : memref<16x1024xf32, #tpu.memory_space<vmem>>, vector<16xf32>,
          %mul3A_329 = arith.constant 6.400000e+01 : f32
          %mul3A_330 = vector.broadcast %mul3A_329 : f32 to vector<16xf32>
          %mul3A_331 = arith.mulf %get3A_328, %mul3A_330 : vector<16xf32>
          %mul3A_332 = arith.constant 16 : i32
          %mul3A_333 = arith.muli %scan3A_203, %mul3A_332 : i32
          %swap3A_334 = arith.constant 8 : i32
          %swap3A_335 = arith.index_cast %swap3A_334 : i32 to index
          %swap3A_336 = arith.index_cast %mul3A_333 : i32 to index
          %swap3A_337 = tpu.vector_load %arg12[%swap3A_335, %swap3A_336] {strides = array<i32>} : memref<16x1024xf32, #tpu.memory_space<vmem>>, vector<16xf32>,
          tpu.vector_store %arg12[%swap3A_335, %swap3A_336], %mul3A_331 {strides = array<i32>} : memref<16x1024xf32, #tpu.memory_space<vmem>>, vector<16xf32>,
          %mul3A_338 = arith.constant 16 : i32
          %mul3A_339 = arith.muli %scan3A_203, %mul3A_338 : i32
          %get3A_340 = arith.constant 9 : i32
          %get3A_341 = arith.index_cast %get3A_340 : i32 to index
          %get3A_342 = arith.index_cast %mul3A_339 : i32 to index
          %get3A_343 = tpu.vector_load %arg9[%get3A_341, %get3A_342] {strides = array<i32>} : memref<16x1024xf32, #tpu.memory_space<vmem>>, vector<16xf32>,
          %mul3A_344 = arith.constant 6.400000e+01 : f32
          %mul3A_345 = vector.broadcast %mul3A_344 : f32 to vector<16xf32>
          %mul3A_346 = arith.mulf %get3A_343, %mul3A_345 : vector<16xf32>
          %mul3A_347 = arith.constant 16 : i32
          %mul3A_348 = arith.muli %scan3A_203, %mul3A_347 : i32
          %swap3A_349 = arith.constant 9 : i32
          %swap3A_350 = arith.index_cast %swap3A_349 : i32 to index
          %swap3A_351 = arith.index_cast %mul3A_348 : i32 to index
          %swap3A_352 = tpu.vector_load %arg12[%swap3A_350, %swap3A_351] {strides = array<i32>} : memref<16x1024xf32, #tpu.memory_space<vmem>>, vector<16xf32>,
          tpu.vector_store %arg12[%swap3A_350, %swap3A_351], %mul3A_346 {strides = array<i32>} : memref<16x1024xf32, #tpu.memory_space<vmem>>, vector<16xf32>,
          %mul3A_353 = arith.constant 16 : i32
          %mul3A_354 = arith.muli %scan3A_203, %mul3A_353 : i32
          %get3A_355 = arith.constant 10 : i32
          %get3A_356 = arith.index_cast %get3A_355 : i32 to index
          %get3A_357 = arith.index_cast %mul3A_354 : i32 to index
          %get3A_358 = tpu.vector_load %arg9[%get3A_356, %get3A_357] {strides = array<i32>} : memref<16x1024xf32, #tpu.memory_space<vmem>>, vector<16xf32>,
          %mul3A_359 = arith.constant 6.400000e+01 : f32
          %mul3A_360 = vector.broadcast %mul3A_359 : f32 to vector<16xf32>
          %mul3A_361 = arith.mulf %get3A_358, %mul3A_360 : vector<16xf32>
          %mul3A_362 = arith.constant 16 : i32
          %mul3A_363 = arith.muli %scan3A_203, %mul3A_362 : i32
          %swap3A_364 = arith.constant 10 : i32
          %swap3A_365 = arith.index_cast %swap3A_364 : i32 to index
          %swap3A_366 = arith.index_cast %mul3A_363 : i32 to index
          %swap3A_367 = tpu.vector_load %arg12[%swap3A_365, %swap3A_366] {strides = array<i32>} : memref<16x1024xf32, #tpu.memory_space<vmem>>, vector<16xf32>,
          tpu.vector_store %arg12[%swap3A_365, %swap3A_366], %mul3A_361 {strides = array<i32>} : memref<16x1024xf32, #tpu.memory_space<vmem>>, vector<16xf32>,
          %mul3A_368 = arith.constant 16 : i32
          %mul3A_369 = arith.muli %scan3A_203, %mul3A_368 : i32
          %get3A_370 = arith.constant 11 : i32
          %get3A_371 = arith.index_cast %get3A_370 : i32 to index
          %get3A_372 = arith.index_cast %mul3A_369 : i32 to index
          %get3A_373 = tpu.vector_load %arg9[%get3A_371, %get3A_372] {strides = array<i32>} : memref<16x1024xf32, #tpu.memory_space<vmem>>, vector<16xf32>,
          %mul3A_374 = arith.constant 6.400000e+01 : f32
          %mul3A_375 = vector.broadcast %mul3A_374 : f32 to vector<16xf32>
          %mul3A_376 = arith.mulf %get3A_373, %mul3A_375 : vector<16xf32>
          %mul3A_377 = arith.constant 16 : i32
          %mul3A_378 = arith.muli %scan3A_203, %mul3A_377 : i32
          %swap3A_379 = arith.constant 11 : i32
          %swap3A_380 = arith.index_cast %swap3A_379 : i32 to index
          %swap3A_381 = arith.index_cast %mul3A_378 : i32 to index
          %swap3A_382 = tpu.vector_load %arg12[%swap3A_380, %swap3A_381] {strides = array<i32>} : memref<16x1024xf32, #tpu.memory_space<vmem>>, vector<16xf32>,
          tpu.vector_store %arg12[%swap3A_380, %swap3A_381], %mul3A_376 {strides = array<i32>} : memref<16x1024xf32, #tpu.memory_space<vmem>>, vector<16xf32>,
          %mul3A_383 = arith.constant 16 : i32
          %mul3A_384 = arith.muli %scan3A_203, %mul3A_383 : i32
          %get3A_385 = arith.constant 12 : i32
          %get3A_386 = arith.index_cast %get3A_385 : i32 to index
          %get3A_387 = arith.index_cast %mul3A_384 : i32 to index
          %get3A_388 = tpu.vector_load %arg9[%get3A_386, %get3A_387] {strides = array<i32>} : memref<16x1024xf32, #tpu.memory_space<vmem>>, vector<16xf32>,
          %mul3A_389 = arith.constant 6.400000e+01 : f32
          %mul3A_390 = vector.broadcast %mul3A_389 : f32 to vector<16xf32>
          %mul3A_391 = arith.mulf %get3A_388, %mul3A_390 : vector<16xf32>
          %mul3A_392 = arith.constant 16 : i32
          %mul3A_393 = arith.muli %scan3A_203, %mul3A_392 : i32
          %swap3A_394 = arith.constant 12 : i32
          %swap3A_395 = arith.index_cast %swap3A_394 : i32 to index
          %swap3A_396 = arith.index_cast %mul3A_393 : i32 to index
          %swap3A_397 = tpu.vector_load %arg12[%swap3A_395, %swap3A_396] {strides = array<i32>} : memref<16x1024xf32, #tpu.memory_space<vmem>>, vector<16xf32>,
          tpu.vector_store %arg12[%swap3A_395, %swap3A_396], %mul3A_391 {strides = array<i32>} : memref<16x1024xf32, #tpu.memory_space<vmem>>, vector<16xf32>,
          %mul3A_398 = arith.constant 16 : i32
          %mul3A_399 = arith.muli %scan3A_203, %mul3A_398 : i32
          %get3A_400 = arith.constant 13 : i32
          %get3A_401 = arith.index_cast %get3A_400 : i32 to index
          %get3A_402 = arith.index_cast %mul3A_399 : i32 to index
          %get3A_403 = tpu.vector_load %arg9[%get3A_401, %get3A_402] {strides = array<i32>} : memref<16x1024xf32, #tpu.memory_space<vmem>>, vector<16xf32>,
          %mul3A_404 = arith.constant 6.400000e+01 : f32
          %mul3A_405 = vector.broadcast %mul3A_404 : f32 to vector<16xf32>
          %mul3A_406 = arith.mulf %get3A_403, %mul3A_405 : vector<16xf32>
          %mul3A_407 = arith.constant 16 : i32
          %mul3A_408 = arith.muli %scan3A_203, %mul3A_407 : i32
          %swap3A_409 = arith.constant 13 : i32
          %swap3A_410 = arith.index_cast %swap3A_409 : i32 to index
          %swap3A_411 = arith.index_cast %mul3A_408 : i32 to index
          %swap3A_412 = tpu.vector_load %arg12[%swap3A_410, %swap3A_411] {strides = array<i32>} : memref<16x1024xf32, #tpu.memory_space<vmem>>, vector<16xf32>,
          tpu.vector_store %arg12[%swap3A_410, %swap3A_411], %mul3A_406 {strides = array<i32>} : memref<16x1024xf32, #tpu.memory_space<vmem>>, vector<16xf32>,
          %mul3A_413 = arith.constant 16 : i32
          %mul3A_414 = arith.muli %scan3A_203, %mul3A_413 : i32
          %get3A_415 = arith.constant 14 : i32
          %get3A_416 = arith.index_cast %get3A_415 : i32 to index
          %get3A_417 = arith.index_cast %mul3A_414 : i32 to index
          %get3A_418 = tpu.vector_load %arg9[%get3A_416, %get3A_417] {strides = array<i32>} : memref<16x1024xf32, #tpu.memory_space<vmem>>, vector<16xf32>,
          %mul3A_419 = arith.constant 6.400000e+01 : f32
          %mul3A_420 = vector.broadcast %mul3A_419 : f32 to vector<16xf32>
          %mul3A_421 = arith.mulf %get3A_418, %mul3A_420 : vector<16xf32>
          %mul3A_422 = arith.constant 16 : i32
          %mul3A_423 = arith.muli %scan3A_203, %mul3A_422 : i32
          %swap3A_424 = arith.constant 14 : i32
          %swap3A_425 = arith.index_cast %swap3A_424 : i32 to index
          %swap3A_426 = arith.index_cast %mul3A_423 : i32 to index
          %swap3A_427 = tpu.vector_load %arg12[%swap3A_425, %swap3A_426] {strides = array<i32>} : memref<16x1024xf32, #tpu.memory_space<vmem>>, vector<16xf32>,
          tpu.vector_store %arg12[%swap3A_425, %swap3A_426], %mul3A_421 {strides = array<i32>} : memref<16x1024xf32, #tpu.memory_space<vmem>>, vector<16xf32>,
          %mul3A_428 = arith.constant 16 : i32
          %mul3A_429 = arith.muli %scan3A_203, %mul3A_428 : i32
          %get3A_430 = arith.constant 15 : i32
          %get3A_431 = arith.index_cast %get3A_430 : i32 to index
          %get3A_432 = arith.index_cast %mul3A_429 : i32 to index
          %get3A_433 = tpu.vector_load %arg9[%get3A_431, %get3A_432] {strides = array<i32>} : memref<16x1024xf32, #tpu.memory_space<vmem>>, vector<16xf32>,
          %mul3A_434 = arith.constant 6.400000e+01 : f32
          %mul3A_435 = vector.broadcast %mul3A_434 : f32 to vector<16xf32>
          %mul3A_436 = arith.mulf %get3A_433, %mul3A_435 : vector<16xf32>
          %mul3A_437 = arith.constant 16 : i32
          %mul3A_438 = arith.muli %scan3A_203, %mul3A_437 : i32
          %swap3A_439 = arith.constant 15 : i32
          %swap3A_440 = arith.index_cast %swap3A_439 : i32 to index
          %swap3A_441 = arith.index_cast %mul3A_438 : i32 to index
          %swap3A_442 = tpu.vector_load %arg12[%swap3A_440, %swap3A_441] {strides = array<i32>} : memref<16x1024xf32, #tpu.memory_space<vmem>>, vector<16xf32>,
          tpu.vector_store %arg12[%swap3A_440, %swap3A_441], %mul3A_436 {strides = array<i32>} : memref<16x1024xf32, #tpu.memory_space<vmem>>, vector<16xf32>,
        }
        %scan3A_146 = arith.constant 64 : i32
        %jit3A_147 = arith.constant 16 : i32
        %div3A_148 = arith.divsi %add3A_126, %jit3A_147 : i32
        %sign3A_149 = arith.constant 0 : i32
        %sign3A_150 = arith.cmpi sgt, %add3A_126, %sign3A_149 : i32
        %sign3A_151 = arith.extui %sign3A_150 : i1 to i32
        %sign3A_152 = arith.constant 0 : i32
        %sign3A_153 = arith.cmpi slt, %add3A_126, %sign3A_152 : i32
        %sign3A_154 = arith.extui %sign3A_153 : i1 to i32
        %sign3A_155 = arith.subi %sign3A_151, %sign3A_154 : i32
        %sign3A_156 = arith.constant 0 : i32
        %sign3A_157 = arith.cmpi sgt, %jit3A_147, %sign3A_156 : i32
        %sign3A_158 = arith.extui %sign3A_157 : i1 to i32
        %sign3A_159 = arith.constant 0 : i32
        %sign3A_160 = arith.cmpi slt, %jit3A_147, %sign3A_159 : i32
        %sign3A_161 = arith.extui %sign3A_160 : i1 to i32
        %sign3A_162 = arith.subi %sign3A_158, %sign3A_161 : i32
        %ne3A_163 = arith.cmpi ne, %sign3A_155, %sign3A_162 : i32
        %rem3A_164 = arith.remsi %add3A_126, %jit3A_147 : i32
        %ne3A_165 = arith.constant 0 : i32
        %ne3A_166 = arith.cmpi ne, %rem3A_164, %ne3A_165 : i32
        %and3A_167 = arith.andi %ne3A_163, %ne3A_166 : i1
        %sub3A_168 = arith.constant 1 : i32
        %sub3A_169 = arith.subi %div3A_148, %sub3A_168 : i32
        %select_n3A_170 = arith.select %and3A_167, %sub3A_169, %div3A_148 : i32
        %mul3A_171 = arith.constant 16 : i32
        %mul3A_172 = arith.muli %select_n3A_170, %mul3A_171 : i32
        %get3A = arith.index_cast %mul3A_172 : i32 to index
        %get3A_173 = tpu.vector_load %arg6[%get3A] {strides = array<i32>} : memref<224xi32, #tpu.memory_space<vmem>>, vector<16xi32>,
        %sub3A_174 = arith.subi %add3A_126, %mul3A_172 : i32
        %eq3A = vector.broadcast %sub3A_174 : i32 to vector<16xi32>
        %eq3A_175 = arith.cmpi eq, %iota3A, %eq3A : vector<16xi32>
        %jit3A_176 = arith.constant 0 : i32
        %broadcast_in_dim3A_177 = vector.broadcast %jit3A_176 : i32 to vector<16xi32>
        %select_n3A_178 = arith.select %eq3A_175, %get3A_173, %broadcast_in_dim3A_177 : vector<16xi1>, vector<16xi32>
        %reduce_max3A = arith.constant true
        %reduce_max3A_179 = vector.broadcast %reduce_max3A : i1 to vector<16xi1>
        %reduce_max3A_180 = arith.constant -2147483648 : i32
        %reduce_max3A_181 = vector.broadcast %reduce_max3A_180 : i32 to vector<16xi32>
        %reduce_max3A_182 = arith.xori %select_n3A_178, %reduce_max3A_181 : vector<16xi32>
        %reduce_max3A_183 = tpu.scan <max>, %reduce_max3A_182 masked %reduce_max3A_179 : vector<16xi32>, vector<16xi1> -> vector<16xi32>
        %reduce_max3A_184 = arith.xori %reduce_max3A_183, %reduce_max3A_181 : vector<16xi32>
        %reduce_max3A_185 = vector.extract %reduce_max3A_184[15] : i32 from vector<16xi32>
        %gt3A_186 = arith.constant 0 : i32
        %gt3A_187 = arith.cmpi sgt, %reduce_max3A_185, %gt3A_186 : i32
        %convert_element_type3A_188 = arith.extui %gt3A_187 : i1 to i32
        %cond3A_189 = arith.constant 0 : i32
        %cond3A_190 = arith.cmpi ne, %convert_element_type3A_188, %cond3A_189 : i32
        scf.if %cond3A_190 {
          %add3A_203 = arith.addi %select_n3A, %add3A_126 : i32
          %mul3A_204 = arith.constant 16 : i32
          %mul3A_205 = arith.muli %add3A_203, %mul3A_204 : i32
          %scan3A_206 = arith.constant 0 : i32
          %scan3A_207 = arith.constant 0 : i32
          %scan3A_208 = arith.constant 64 : i32
          %scan3A_209 = arith.addi %scan3A_207, %scan3A_208 : i32
          %scan3A_210 = arith.constant 1 : i32
          scf.for %scan3A_212 = %scan3A_207 to %scan3A_209 step %scan3A_210  : i32 {
            %mul3A_213 = arith.constant 16 : i32
            %mul3A_214 = arith.muli %scan3A_212, %mul3A_213 : i32
            %get3A_215 = arith.index_cast %mul3A_214 : i32 to index
            %get3A_216 = tpu.vector_load %arg5[%get3A_215] {strides = array<i32>} : memref<1024xi32, #tpu.memory_space<vmem>>, vector<16xi32>,
            %ge3A_217 = vector.broadcast %mul3A_205 : i32 to vector<16xi32>
            %ge3A_218 = arith.cmpi sge, %get3A_216, %ge3A_217 : vector<16xi32>
            %add3A_219 = arith.constant 16 : i32
            %add3A_220 = arith.addi %mul3A_205, %add3A_219 : i32
            %lt3A_221 = vector.broadcast %add3A_220 : i32 to vector<16xi32>
            %lt3A_222 = arith.cmpi slt, %get3A_216, %lt3A_221 : vector<16xi32>
            %and3A_223 = arith.andi %ge3A_218, %lt3A_222 : vector<16xi1>
            %jit3A_224 = arith.constant 1 : i32
            %jit3A_225 = arith.constant 0 : i32
            %broadcast_in_dim3A_226 = vector.broadcast %jit3A_224 : i32 to vector<16xi32>
            %broadcast_in_dim3A_227 = vector.broadcast %jit3A_225 : i32 to vector<16xi32>
            %select_n3A_228 = arith.select %and3A_223, %broadcast_in_dim3A_226, %broadcast_in_dim3A_227 : vector<16xi1>, vector<16xi32>
            %reduce_max3A_229 = arith.constant true
            %reduce_max3A_230 = vector.broadcast %reduce_max3A_229 : i1 to vector<16xi1>
            %reduce_max3A_231 = arith.constant -2147483648 : i32
            %reduce_max3A_232 = vector.broadcast %reduce_max3A_231 : i32 to vector<16xi32>
            %reduce_max3A_233 = arith.xori %select_n3A_228, %reduce_max3A_232 : vector<16xi32>
            %reduce_max3A_234 = tpu.scan <max>, %reduce_max3A_233 masked %reduce_max3A_230 : vector<16xi32>, vector<16xi1> -> vector<16xi32>
            %reduce_max3A_235 = arith.xori %reduce_max3A_234, %reduce_max3A_232 : vector<16xi32>
            %reduce_max3A_236 = vector.extract %reduce_max3A_235[15] : i32 from vector<16xi32>
            %gt3A_237 = arith.constant 0 : i32
            %gt3A_238 = arith.cmpi sgt, %reduce_max3A_236, %gt3A_237 : i32
            %convert_element_type3A_239 = arith.extui %gt3A_238 : i1 to i32
            %cond3A_240 = arith.constant 0 : i32
            %cond3A_241 = arith.cmpi ne, %convert_element_type3A_239, %cond3A_240 : i32
            scf.if %cond3A_241 {
              %add3A_242 = arith.constant 0 : i32
              %add3A_243 = arith.addi %mul3A_205, %add3A_242 : i32
              %eq3A_244 = vector.broadcast %add3A_243 : i32 to vector<16xi32>
              %eq3A_245 = arith.cmpi eq, %get3A_216, %eq3A_244 : vector<16xi32>
              %and3A_246 = arith.andi %and3A_223, %eq3A_245 : vector<16xi1>
              %mul3A_247 = arith.constant 16 : i32
              %mul3A_248 = arith.muli %scan3A_212, %mul3A_247 : i32
              %get3A_249 = arith.constant 0 : i32
              %get3A_250 = arith.index_cast %get3A_249 : i32 to index
              %get3A_251 = arith.index_cast %mul3A_248 : i32 to index
              %get3A_252 = tpu.vector_load %arg12[%get3A_250, %get3A_251] {strides = array<i32>} : memref<16x1024xf32, #tpu.memory_space<vmem>>, vector<16xf32>,
              %sub3A_253 = arith.constant 2.240000e+01 : f32
              %sub3A_254 = vector.broadcast %sub3A_253 : f32 to vector<16xf32>
              %sub3A_255 = arith.subf %get3A_252, %sub3A_254 : vector<16xf32>
              %select_n3A_256 = arith.select %and3A_246, %sub3A_255, %get3A_252 : vector<16xi1>, vector<16xf32>
              %mul3A_257 = arith.constant 16 : i32
              %mul3A_258 = arith.muli %scan3A_212, %mul3A_257 : i32
              %swap3A = arith.constant 0 : i32
              %swap3A_259 = arith.index_cast %swap3A : i32 to index
              %swap3A_260 = arith.index_cast %mul3A_258 : i32 to index
              %swap3A_261 = tpu.vector_load %arg12[%swap3A_259, %swap3A_260] {strides = array<i32>} : memref<16x1024xf32, #tpu.memory_space<vmem>>, vector<16xf32>,
              tpu.vector_store %arg12[%swap3A_259, %swap3A_260], %select_n3A_256 {strides = array<i32>} : memref<16x1024xf32, #tpu.memory_space<vmem>>, vector<16xf32>,
              %add3A_262 = arith.constant 1 : i32
              %add3A_263 = arith.addi %mul3A_205, %add3A_262 : i32
              %eq3A_264 = vector.broadcast %add3A_263 : i32 to vector<16xi32>
              %eq3A_265 = arith.cmpi eq, %get3A_216, %eq3A_264 : vector<16xi32>
              %and3A_266 = arith.andi %and3A_223, %eq3A_265 : vector<16xi1>
              %mul3A_267 = arith.constant 16 : i32
              %mul3A_268 = arith.muli %scan3A_212, %mul3A_267 : i32
              %get3A_269 = arith.constant 1 : i32
              %get3A_270 = arith.index_cast %get3A_269 : i32 to index
              %get3A_271 = arith.index_cast %mul3A_268 : i32 to index
              %get3A_272 = tpu.vector_load %arg12[%get3A_270, %get3A_271] {strides = array<i32>} : memref<16x1024xf32, #tpu.memory_space<vmem>>, vector<16xf32>,
              %sub3A_273 = arith.constant 2.240000e+01 : f32
              %sub3A_274 = vector.broadcast %sub3A_273 : f32 to vector<16xf32>
              %sub3A_275 = arith.subf %get3A_272, %sub3A_274 : vector<16xf32>
              %select_n3A_276 = arith.select %and3A_266, %sub3A_275, %get3A_272 : vector<16xi1>, vector<16xf32>
              %mul3A_277 = arith.constant 16 : i32
              %mul3A_278 = arith.muli %scan3A_212, %mul3A_277 : i32
              %swap3A_279 = arith.constant 1 : i32
              %swap3A_280 = arith.index_cast %swap3A_279 : i32 to index
              %swap3A_281 = arith.index_cast %mul3A_278 : i32 to index
              %swap3A_282 = tpu.vector_load %arg12[%swap3A_280, %swap3A_281] {strides = array<i32>} : memref<16x1024xf32, #tpu.memory_space<vmem>>, vector<16xf32>,
              tpu.vector_store %arg12[%swap3A_280, %swap3A_281], %select_n3A_276 {strides = array<i32>} : memref<16x1024xf32, #tpu.memory_space<vmem>>, vector<16xf32>,
              %add3A_283 = arith.constant 2 : i32
              %add3A_284 = arith.addi %mul3A_205, %add3A_283 : i32
              %eq3A_285 = vector.broadcast %add3A_284 : i32 to vector<16xi32>
              %eq3A_286 = arith.cmpi eq, %get3A_216, %eq3A_285 : vector<16xi32>
              %and3A_287 = arith.andi %and3A_223, %eq3A_286 : vector<16xi1>
              %mul3A_288 = arith.constant 16 : i32
              %mul3A_289 = arith.muli %scan3A_212, %mul3A_288 : i32
              %get3A_290 = arith.constant 2 : i32
              %get3A_291 = arith.index_cast %get3A_290 : i32 to index
              %get3A_292 = arith.index_cast %mul3A_289 : i32 to index
              %get3A_293 = tpu.vector_load %arg12[%get3A_291, %get3A_292] {strides = array<i32>} : memref<16x1024xf32, #tpu.memory_space<vmem>>, vector<16xf32>,
              %sub3A_294 = arith.constant 2.240000e+01 : f32
              %sub3A_295 = vector.broadcast %sub3A_294 : f32 to vector<16xf32>
              %sub3A_296 = arith.subf %get3A_293, %sub3A_295 : vector<16xf32>
              %select_n3A_297 = arith.select %and3A_287, %sub3A_296, %get3A_293 : vector<16xi1>, vector<16xf32>
              %mul3A_298 = arith.constant 16 : i32
              %mul3A_299 = arith.muli %scan3A_212, %mul3A_298 : i32
              %swap3A_300 = arith.constant 2 : i32
              %swap3A_301 = arith.index_cast %swap3A_300 : i32 to index
              %swap3A_302 = arith.index_cast %mul3A_299 : i32 to index
              %swap3A_303 = tpu.vector_load %arg12[%swap3A_301, %swap3A_302] {strides = array<i32>} : memref<16x1024xf32, #tpu.memory_space<vmem>>, vector<16xf32>,
              tpu.vector_store %arg12[%swap3A_301, %swap3A_302], %select_n3A_297 {strides = array<i32>} : memref<16x1024xf32, #tpu.memory_space<vmem>>, vector<16xf32>,
              %add3A_304 = arith.constant 3 : i32
              %add3A_305 = arith.addi %mul3A_205, %add3A_304 : i32
              %eq3A_306 = vector.broadcast %add3A_305 : i32 to vector<16xi32>
              %eq3A_307 = arith.cmpi eq, %get3A_216, %eq3A_306 : vector<16xi32>
              %and3A_308 = arith.andi %and3A_223, %eq3A_307 : vector<16xi1>
              %mul3A_309 = arith.constant 16 : i32
              %mul3A_310 = arith.muli %scan3A_212, %mul3A_309 : i32
              %get3A_311 = arith.constant 3 : i32
              %get3A_312 = arith.index_cast %get3A_311 : i32 to index
              %get3A_313 = arith.index_cast %mul3A_310 : i32 to index
              %get3A_314 = tpu.vector_load %arg12[%get3A_312, %get3A_313] {strides = array<i32>} : memref<16x1024xf32, #tpu.memory_space<vmem>>, vector<16xf32>,
              %sub3A_315 = arith.constant 2.240000e+01 : f32
              %sub3A_316 = vector.broadcast %sub3A_315 : f32 to vector<16xf32>
              %sub3A_317 = arith.subf %get3A_314, %sub3A_316 : vector<16xf32>
              %select_n3A_318 = arith.select %and3A_308, %sub3A_317, %get3A_314 : vector<16xi1>, vector<16xf32>
              %mul3A_319 = arith.constant 16 : i32
              %mul3A_320 = arith.muli %scan3A_212, %mul3A_319 : i32
              %swap3A_321 = arith.constant 3 : i32
              %swap3A_322 = arith.index_cast %swap3A_321 : i32 to index
              %swap3A_323 = arith.index_cast %mul3A_320 : i32 to index
              %swap3A_324 = tpu.vector_load %arg12[%swap3A_322, %swap3A_323] {strides = array<i32>} : memref<16x1024xf32, #tpu.memory_space<vmem>>, vector<16xf32>,
              tpu.vector_store %arg12[%swap3A_322, %swap3A_323], %select_n3A_318 {strides = array<i32>} : memref<16x1024xf32, #tpu.memory_space<vmem>>, vector<16xf32>,
              %add3A_325 = arith.constant 4 : i32
              %add3A_326 = arith.addi %mul3A_205, %add3A_325 : i32
              %eq3A_327 = vector.broadcast %add3A_326 : i32 to vector<16xi32>
              %eq3A_328 = arith.cmpi eq, %get3A_216, %eq3A_327 : vector<16xi32>
              %and3A_329 = arith.andi %and3A_223, %eq3A_328 : vector<16xi1>
              %mul3A_330 = arith.constant 16 : i32
              %mul3A_331 = arith.muli %scan3A_212, %mul3A_330 : i32
              %get3A_332 = arith.constant 4 : i32
              %get3A_333 = arith.index_cast %get3A_332 : i32 to index
              %get3A_334 = arith.index_cast %mul3A_331 : i32 to index
              %get3A_335 = tpu.vector_load %arg12[%get3A_333, %get3A_334] {strides = array<i32>} : memref<16x1024xf32, #tpu.memory_space<vmem>>, vector<16xf32>,
              %sub3A_336 = arith.constant 2.240000e+01 : f32
              %sub3A_337 = vector.broadcast %sub3A_336 : f32 to vector<16xf32>
              %sub3A_338 = arith.subf %get3A_335, %sub3A_337 : vector<16xf32>
              %select_n3A_339 = arith.select %and3A_329, %sub3A_338, %get3A_335 : vector<16xi1>, vector<16xf32>
              %mul3A_340 = arith.constant 16 : i32
              %mul3A_341 = arith.muli %scan3A_212, %mul3A_340 : i32
              %swap3A_342 = arith.constant 4 : i32
              %swap3A_343 = arith.index_cast %swap3A_342 : i32 to index
              %swap3A_344 = arith.index_cast %mul3A_341 : i32 to index
              %swap3A_345 = tpu.vector_load %arg12[%swap3A_343, %swap3A_344] {strides = array<i32>} : memref<16x1024xf32, #tpu.memory_space<vmem>>, vector<16xf32>,
              tpu.vector_store %arg12[%swap3A_343, %swap3A_344], %select_n3A_339 {strides = array<i32>} : memref<16x1024xf32, #tpu.memory_space<vmem>>, vector<16xf32>,
              %add3A_346 = arith.constant 5 : i32
              %add3A_347 = arith.addi %mul3A_205, %add3A_346 : i32
              %eq3A_348 = vector.broadcast %add3A_347 : i32 to vector<16xi32>
              %eq3A_349 = arith.cmpi eq, %get3A_216, %eq3A_348 : vector<16xi32>
              %and3A_350 = arith.andi %and3A_223, %eq3A_349 : vector<16xi1>
              %mul3A_351 = arith.constant 16 : i32
              %mul3A_352 = arith.muli %scan3A_212, %mul3A_351 : i32
              %get3A_353 = arith.constant 5 : i32
              %get3A_354 = arith.index_cast %get3A_353 : i32 to index
              %get3A_355 = arith.index_cast %mul3A_352 : i32 to index
              %get3A_356 = tpu.vector_load %arg12[%get3A_354, %get3A_355] {strides = array<i32>} : memref<16x1024xf32, #tpu.memory_space<vmem>>, vector<16xf32>,
              %sub3A_357 = arith.constant 2.240000e+01 : f32
              %sub3A_358 = vector.broadcast %sub3A_357 : f32 to vector<16xf32>
              %sub3A_359 = arith.subf %get3A_356, %sub3A_358 : vector<16xf32>
              %select_n3A_360 = arith.select %and3A_350, %sub3A_359, %get3A_356 : vector<16xi1>, vector<16xf32>
              %mul3A_361 = arith.constant 16 : i32
              %mul3A_362 = arith.muli %scan3A_212, %mul3A_361 : i32
              %swap3A_363 = arith.constant 5 : i32
              %swap3A_364 = arith.index_cast %swap3A_363 : i32 to index
              %swap3A_365 = arith.index_cast %mul3A_362 : i32 to index
              %swap3A_366 = tpu.vector_load %arg12[%swap3A_364, %swap3A_365] {strides = array<i32>} : memref<16x1024xf32, #tpu.memory_space<vmem>>, vector<16xf32>,
              tpu.vector_store %arg12[%swap3A_364, %swap3A_365], %select_n3A_360 {strides = array<i32>} : memref<16x1024xf32, #tpu.memory_space<vmem>>, vector<16xf32>,
              %add3A_367 = arith.constant 6 : i32
              %add3A_368 = arith.addi %mul3A_205, %add3A_367 : i32
              %eq3A_369 = vector.broadcast %add3A_368 : i32 to vector<16xi32>
              %eq3A_370 = arith.cmpi eq, %get3A_216, %eq3A_369 : vector<16xi32>
              %and3A_371 = arith.andi %and3A_223, %eq3A_370 : vector<16xi1>
              %mul3A_372 = arith.constant 16 : i32
              %mul3A_373 = arith.muli %scan3A_212, %mul3A_372 : i32
              %get3A_374 = arith.constant 6 : i32
              %get3A_375 = arith.index_cast %get3A_374 : i32 to index
              %get3A_376 = arith.index_cast %mul3A_373 : i32 to index
              %get3A_377 = tpu.vector_load %arg12[%get3A_375, %get3A_376] {strides = array<i32>} : memref<16x1024xf32, #tpu.memory_space<vmem>>, vector<16xf32>,
              %sub3A_378 = arith.constant 2.240000e+01 : f32
              %sub3A_379 = vector.broadcast %sub3A_378 : f32 to vector<16xf32>
              %sub3A_380 = arith.subf %get3A_377, %sub3A_379 : vector<16xf32>
              %select_n3A_381 = arith.select %and3A_371, %sub3A_380, %get3A_377 : vector<16xi1>, vector<16xf32>
              %mul3A_382 = arith.constant 16 : i32
              %mul3A_383 = arith.muli %scan3A_212, %mul3A_382 : i32
              %swap3A_384 = arith.constant 6 : i32
              %swap3A_385 = arith.index_cast %swap3A_384 : i32 to index
              %swap3A_386 = arith.index_cast %mul3A_383 : i32 to index
              %swap3A_387 = tpu.vector_load %arg12[%swap3A_385, %swap3A_386] {strides = array<i32>} : memref<16x1024xf32, #tpu.memory_space<vmem>>, vector<16xf32>,
              tpu.vector_store %arg12[%swap3A_385, %swap3A_386], %select_n3A_381 {strides = array<i32>} : memref<16x1024xf32, #tpu.memory_space<vmem>>, vector<16xf32>,
              %add3A_388 = arith.constant 7 : i32
              %add3A_389 = arith.addi %mul3A_205, %add3A_388 : i32
              %eq3A_390 = vector.broadcast %add3A_389 : i32 to vector<16xi32>
              %eq3A_391 = arith.cmpi eq, %get3A_216, %eq3A_390 : vector<16xi32>
              %and3A_392 = arith.andi %and3A_223, %eq3A_391 : vector<16xi1>
              %mul3A_393 = arith.constant 16 : i32
              %mul3A_394 = arith.muli %scan3A_212, %mul3A_393 : i32
              %get3A_395 = arith.constant 7 : i32
              %get3A_396 = arith.index_cast %get3A_395 : i32 to index
              %get3A_397 = arith.index_cast %mul3A_394 : i32 to index
              %get3A_398 = tpu.vector_load %arg12[%get3A_396, %get3A_397] {strides = array<i32>} : memref<16x1024xf32, #tpu.memory_space<vmem>>, vector<16xf32>,
              %sub3A_399 = arith.constant 2.240000e+01 : f32
              %sub3A_400 = vector.broadcast %sub3A_399 : f32 to vector<16xf32>
              %sub3A_401 = arith.subf %get3A_398, %sub3A_400 : vector<16xf32>
              %select_n3A_402 = arith.select %and3A_392, %sub3A_401, %get3A_398 : vector<16xi1>, vector<16xf32>
              %mul3A_403 = arith.constant 16 : i32
              %mul3A_404 = arith.muli %scan3A_212, %mul3A_403 : i32
              %swap3A_405 = arith.constant 7 : i32
              %swap3A_406 = arith.index_cast %swap3A_405 : i32 to index
              %swap3A_407 = arith.index_cast %mul3A_404 : i32 to index
              %swap3A_408 = tpu.vector_load %arg12[%swap3A_406, %swap3A_407] {strides = array<i32>} : memref<16x1024xf32, #tpu.memory_space<vmem>>, vector<16xf32>,
              tpu.vector_store %arg12[%swap3A_406, %swap3A_407], %select_n3A_402 {strides = array<i32>} : memref<16x1024xf32, #tpu.memory_space<vmem>>, vector<16xf32>,
              %add3A_409 = arith.constant 8 : i32
              %add3A_410 = arith.addi %mul3A_205, %add3A_409 : i32
              %eq3A_411 = vector.broadcast %add3A_410 : i32 to vector<16xi32>
              %eq3A_412 = arith.cmpi eq, %get3A_216, %eq3A_411 : vector<16xi32>
              %and3A_413 = arith.andi %and3A_223, %eq3A_412 : vector<16xi1>
              %mul3A_414 = arith.constant 16 : i32
              %mul3A_415 = arith.muli %scan3A_212, %mul3A_414 : i32
              %get3A_416 = arith.constant 8 : i32
              %get3A_417 = arith.index_cast %get3A_416 : i32 to index
              %get3A_418 = arith.index_cast %mul3A_415 : i32 to index
              %get3A_419 = tpu.vector_load %arg12[%get3A_417, %get3A_418] {strides = array<i32>} : memref<16x1024xf32, #tpu.memory_space<vmem>>, vector<16xf32>,
              %sub3A_420 = arith.constant 2.240000e+01 : f32
              %sub3A_421 = vector.broadcast %sub3A_420 : f32 to vector<16xf32>
              %sub3A_422 = arith.subf %get3A_419, %sub3A_421 : vector<16xf32>
              %select_n3A_423 = arith.select %and3A_413, %sub3A_422, %get3A_419 : vector<16xi1>, vector<16xf32>
              %mul3A_424 = arith.constant 16 : i32
              %mul3A_425 = arith.muli %scan3A_212, %mul3A_424 : i32
              %swap3A_426 = arith.constant 8 : i32
              %swap3A_427 = arith.index_cast %swap3A_426 : i32 to index
              %swap3A_428 = arith.index_cast %mul3A_425 : i32 to index
              %swap3A_429 = tpu.vector_load %arg12[%swap3A_427, %swap3A_428] {strides = array<i32>} : memref<16x1024xf32, #tpu.memory_space<vmem>>, vector<16xf32>,
              tpu.vector_store %arg12[%swap3A_427, %swap3A_428], %select_n3A_423 {strides = array<i32>} : memref<16x1024xf32, #tpu.memory_space<vmem>>, vector<16xf32>,
              %add3A_430 = arith.constant 9 : i32
              %add3A_431 = arith.addi %mul3A_205, %add3A_430 : i32
              %eq3A_432 = vector.broadcast %add3A_431 : i32 to vector<16xi32>
              %eq3A_433 = arith.cmpi eq, %get3A_216, %eq3A_432 : vector<16xi32>
              %and3A_434 = arith.andi %and3A_223, %eq3A_433 : vector<16xi1>
              %mul3A_435 = arith.constant 16 : i32
              %mul3A_436 = arith.muli %scan3A_212, %mul3A_435 : i32
              %get3A_437 = arith.constant 9 : i32
              %get3A_438 = arith.index_cast %get3A_437 : i32 to index
              %get3A_439 = arith.index_cast %mul3A_436 : i32 to index
              %get3A_440 = tpu.vector_load %arg12[%get3A_438, %get3A_439] {strides = array<i32>} : memref<16x1024xf32, #tpu.memory_space<vmem>>, vector<16xf32>,
              %sub3A_441 = arith.constant 2.240000e+01 : f32
              %sub3A_442 = vector.broadcast %sub3A_441 : f32 to vector<16xf32>
              %sub3A_443 = arith.subf %get3A_440, %sub3A_442 : vector<16xf32>
              %select_n3A_444 = arith.select %and3A_434, %sub3A_443, %get3A_440 : vector<16xi1>, vector<16xf32>
              %mul3A_445 = arith.constant 16 : i32
              %mul3A_446 = arith.muli %scan3A_212, %mul3A_445 : i32
              %swap3A_447 = arith.constant 9 : i32
              %swap3A_448 = arith.index_cast %swap3A_447 : i32 to index
              %swap3A_449 = arith.index_cast %mul3A_446 : i32 to index
              %swap3A_450 = tpu.vector_load %arg12[%swap3A_448, %swap3A_449] {strides = array<i32>} : memref<16x1024xf32, #tpu.memory_space<vmem>>, vector<16xf32>,
              tpu.vector_store %arg12[%swap3A_448, %swap3A_449], %select_n3A_444 {strides = array<i32>} : memref<16x1024xf32, #tpu.memory_space<vmem>>, vector<16xf32>,
              %add3A_451 = arith.constant 10 : i32
              %add3A_452 = arith.addi %mul3A_205, %add3A_451 : i32
              %eq3A_453 = vector.broadcast %add3A_452 : i32 to vector<16xi32>
              %eq3A_454 = arith.cmpi eq, %get3A_216, %eq3A_453 : vector<16xi32>
              %and3A_455 = arith.andi %and3A_223, %eq3A_454 : vector<16xi1>
              %mul3A_456 = arith.constant 16 : i32
              %mul3A_457 = arith.muli %scan3A_212, %mul3A_456 : i32
              %get3A_458 = arith.constant 10 : i32
              %get3A_459 = arith.index_cast %get3A_458 : i32 to index
              %get3A_460 = arith.index_cast %mul3A_457 : i32 to index
              %get3A_461 = tpu.vector_load %arg12[%get3A_459, %get3A_460] {strides = array<i32>} : memref<16x1024xf32, #tpu.memory_space<vmem>>, vector<16xf32>,
              %sub3A_462 = arith.constant 2.240000e+01 : f32
              %sub3A_463 = vector.broadcast %sub3A_462 : f32 to vector<16xf32>
              %sub3A_464 = arith.subf %get3A_461, %sub3A_463 : vector<16xf32>
              %select_n3A_465 = arith.select %and3A_455, %sub3A_464, %get3A_461 : vector<16xi1>, vector<16xf32>
              %mul3A_466 = arith.constant 16 : i32
              %mul3A_467 = arith.muli %scan3A_212, %mul3A_466 : i32
              %swap3A_468 = arith.constant 10 : i32
              %swap3A_469 = arith.index_cast %swap3A_468 : i32 to index
              %swap3A_470 = arith.index_cast %mul3A_467 : i32 to index
              %swap3A_471 = tpu.vector_load %arg12[%swap3A_469, %swap3A_470] {strides = array<i32>} : memref<16x1024xf32, #tpu.memory_space<vmem>>, vector<16xf32>,
              tpu.vector_store %arg12[%swap3A_469, %swap3A_470], %select_n3A_465 {strides = array<i32>} : memref<16x1024xf32, #tpu.memory_space<vmem>>, vector<16xf32>,
              %add3A_472 = arith.constant 11 : i32
              %add3A_473 = arith.addi %mul3A_205, %add3A_472 : i32
              %eq3A_474 = vector.broadcast %add3A_473 : i32 to vector<16xi32>
              %eq3A_475 = arith.cmpi eq, %get3A_216, %eq3A_474 : vector<16xi32>
              %and3A_476 = arith.andi %and3A_223, %eq3A_475 : vector<16xi1>
              %mul3A_477 = arith.constant 16 : i32
              %mul3A_478 = arith.muli %scan3A_212, %mul3A_477 : i32
              %get3A_479 = arith.constant 11 : i32
              %get3A_480 = arith.index_cast %get3A_479 : i32 to index
              %get3A_481 = arith.index_cast %mul3A_478 : i32 to index
              %get3A_482 = tpu.vector_load %arg12[%get3A_480, %get3A_481] {strides = array<i32>} : memref<16x1024xf32, #tpu.memory_space<vmem>>, vector<16xf32>,
              %sub3A_483 = arith.constant 2.240000e+01 : f32
              %sub3A_484 = vector.broadcast %sub3A_483 : f32 to vector<16xf32>
              %sub3A_485 = arith.subf %get3A_482, %sub3A_484 : vector<16xf32>
              %select_n3A_486 = arith.select %and3A_476, %sub3A_485, %get3A_482 : vector<16xi1>, vector<16xf32>
              %mul3A_487 = arith.constant 16 : i32
              %mul3A_488 = arith.muli %scan3A_212, %mul3A_487 : i32
              %swap3A_489 = arith.constant 11 : i32
              %swap3A_490 = arith.index_cast %swap3A_489 : i32 to index
              %swap3A_491 = arith.index_cast %mul3A_488 : i32 to index
              %swap3A_492 = tpu.vector_load %arg12[%swap3A_490, %swap3A_491] {strides = array<i32>} : memref<16x1024xf32, #tpu.memory_space<vmem>>, vector<16xf32>,
              tpu.vector_store %arg12[%swap3A_490, %swap3A_491], %select_n3A_486 {strides = array<i32>} : memref<16x1024xf32, #tpu.memory_space<vmem>>, vector<16xf32>,
              %add3A_493 = arith.constant 12 : i32
              %add3A_494 = arith.addi %mul3A_205, %add3A_493 : i32
              %eq3A_495 = vector.broadcast %add3A_494 : i32 to vector<16xi32>
              %eq3A_496 = arith.cmpi eq, %get3A_216, %eq3A_495 : vector<16xi32>
              %and3A_497 = arith.andi %and3A_223, %eq3A_496 : vector<16xi1>
              %mul3A_498 = arith.constant 16 : i32
              %mul3A_499 = arith.muli %scan3A_212, %mul3A_498 : i32
              %get3A_500 = arith.constant 12 : i32
              %get3A_501 = arith.index_cast %get3A_500 : i32 to index
              %get3A_502 = arith.index_cast %mul3A_499 : i32 to index
              %get3A_503 = tpu.vector_load %arg12[%get3A_501, %get3A_502] {strides = array<i32>} : memref<16x1024xf32, #tpu.memory_space<vmem>>, vector<16xf32>,
              %sub3A_504 = arith.constant 2.240000e+01 : f32
              %sub3A_505 = vector.broadcast %sub3A_504 : f32 to vector<16xf32>
              %sub3A_506 = arith.subf %get3A_503, %sub3A_505 : vector<16xf32>
              %select_n3A_507 = arith.select %and3A_497, %sub3A_506, %get3A_503 : vector<16xi1>, vector<16xf32>
              %mul3A_508 = arith.constant 16 : i32
              %mul3A_509 = arith.muli %scan3A_212, %mul3A_508 : i32
              %swap3A_510 = arith.constant 12 : i32
              %swap3A_511 = arith.index_cast %swap3A_510 : i32 to index
              %swap3A_512 = arith.index_cast %mul3A_509 : i32 to index
              %swap3A_513 = tpu.vector_load %arg12[%swap3A_511, %swap3A_512] {strides = array<i32>} : memref<16x1024xf32, #tpu.memory_space<vmem>>, vector<16xf32>,
              tpu.vector_store %arg12[%swap3A_511, %swap3A_512], %select_n3A_507 {strides = array<i32>} : memref<16x1024xf32, #tpu.memory_space<vmem>>, vector<16xf32>,
              %add3A_514 = arith.constant 13 : i32
              %add3A_515 = arith.addi %mul3A_205, %add3A_514 : i32
              %eq3A_516 = vector.broadcast %add3A_515 : i32 to vector<16xi32>
              %eq3A_517 = arith.cmpi eq, %get3A_216, %eq3A_516 : vector<16xi32>
              %and3A_518 = arith.andi %and3A_223, %eq3A_517 : vector<16xi1>
              %mul3A_519 = arith.constant 16 : i32
              %mul3A_520 = arith.muli %scan3A_212, %mul3A_519 : i32
              %get3A_521 = arith.constant 13 : i32
              %get3A_522 = arith.index_cast %get3A_521 : i32 to index
              %get3A_523 = arith.index_cast %mul3A_520 : i32 to index
              %get3A_524 = tpu.vector_load %arg12[%get3A_522, %get3A_523] {strides = array<i32>} : memref<16x1024xf32, #tpu.memory_space<vmem>>, vector<16xf32>,
              %sub3A_525 = arith.constant 2.240000e+01 : f32
              %sub3A_526 = vector.broadcast %sub3A_525 : f32 to vector<16xf32>
              %sub3A_527 = arith.subf %get3A_524, %sub3A_526 : vector<16xf32>
              %select_n3A_528 = arith.select %and3A_518, %sub3A_527, %get3A_524 : vector<16xi1>, vector<16xf32>
              %mul3A_529 = arith.constant 16 : i32
              %mul3A_530 = arith.muli %scan3A_212, %mul3A_529 : i32
              %swap3A_531 = arith.constant 13 : i32
              %swap3A_532 = arith.index_cast %swap3A_531 : i32 to index
              %swap3A_533 = arith.index_cast %mul3A_530 : i32 to index
              %swap3A_534 = tpu.vector_load %arg12[%swap3A_532, %swap3A_533] {strides = array<i32>} : memref<16x1024xf32, #tpu.memory_space<vmem>>, vector<16xf32>,
              tpu.vector_store %arg12[%swap3A_532, %swap3A_533], %select_n3A_528 {strides = array<i32>} : memref<16x1024xf32, #tpu.memory_space<vmem>>, vector<16xf32>,
              %add3A_535 = arith.constant 14 : i32
              %add3A_536 = arith.addi %mul3A_205, %add3A_535 : i32
              %eq3A_537 = vector.broadcast %add3A_536 : i32 to vector<16xi32>
              %eq3A_538 = arith.cmpi eq, %get3A_216, %eq3A_537 : vector<16xi32>
              %and3A_539 = arith.andi %and3A_223, %eq3A_538 : vector<16xi1>
              %mul3A_540 = arith.constant 16 : i32
              %mul3A_541 = arith.muli %scan3A_212, %mul3A_540 : i32
              %get3A_542 = arith.constant 14 : i32
              %get3A_543 = arith.index_cast %get3A_542 : i32 to index
              %get3A_544 = arith.index_cast %mul3A_541 : i32 to index
              %get3A_545 = tpu.vector_load %arg12[%get3A_543, %get3A_544] {strides = array<i32>} : memref<16x1024xf32, #tpu.memory_space<vmem>>, vector<16xf32>,
              %sub3A_546 = arith.constant 2.240000e+01 : f32
              %sub3A_547 = vector.broadcast %sub3A_546 : f32 to vector<16xf32>
              %sub3A_548 = arith.subf %get3A_545, %sub3A_547 : vector<16xf32>
              %select_n3A_549 = arith.select %and3A_539, %sub3A_548, %get3A_545 : vector<16xi1>, vector<16xf32>
              %mul3A_550 = arith.constant 16 : i32
              %mul3A_551 = arith.muli %scan3A_212, %mul3A_550 : i32
              %swap3A_552 = arith.constant 14 : i32
              %swap3A_553 = arith.index_cast %swap3A_552 : i32 to index
              %swap3A_554 = arith.index_cast %mul3A_551 : i32 to index
              %swap3A_555 = tpu.vector_load %arg12[%swap3A_553, %swap3A_554] {strides = array<i32>} : memref<16x1024xf32, #tpu.memory_space<vmem>>, vector<16xf32>,
              tpu.vector_store %arg12[%swap3A_553, %swap3A_554], %select_n3A_549 {strides = array<i32>} : memref<16x1024xf32, #tpu.memory_space<vmem>>, vector<16xf32>,
              %add3A_556 = arith.constant 15 : i32
              %add3A_557 = arith.addi %mul3A_205, %add3A_556 : i32
              %eq3A_558 = vector.broadcast %add3A_557 : i32 to vector<16xi32>
              %eq3A_559 = arith.cmpi eq, %get3A_216, %eq3A_558 : vector<16xi32>
              %and3A_560 = arith.andi %and3A_223, %eq3A_559 : vector<16xi1>
              %mul3A_561 = arith.constant 16 : i32
              %mul3A_562 = arith.muli %scan3A_212, %mul3A_561 : i32
              %get3A_563 = arith.constant 15 : i32
              %get3A_564 = arith.index_cast %get3A_563 : i32 to index
              %get3A_565 = arith.index_cast %mul3A_562 : i32 to index
              %get3A_566 = tpu.vector_load %arg12[%get3A_564, %get3A_565] {strides = array<i32>} : memref<16x1024xf32, #tpu.memory_space<vmem>>, vector<16xf32>,
              %sub3A_567 = arith.constant 2.240000e+01 : f32
              %sub3A_568 = vector.broadcast %sub3A_567 : f32 to vector<16xf32>
              %sub3A_569 = arith.subf %get3A_566, %sub3A_568 : vector<16xf32>
              %select_n3A_570 = arith.select %and3A_560, %sub3A_569, %get3A_566 : vector<16xi1>, vector<16xf32>
              %mul3A_571 = arith.constant 16 : i32
              %mul3A_572 = arith.muli %scan3A_212, %mul3A_571 : i32
              %swap3A_573 = arith.constant 15 : i32
              %swap3A_574 = arith.index_cast %swap3A_573 : i32 to index
              %swap3A_575 = arith.index_cast %mul3A_572 : i32 to index
              %swap3A_576 = tpu.vector_load %arg12[%swap3A_574, %swap3A_575] {strides = array<i32>} : memref<16x1024xf32, #tpu.memory_space<vmem>>, vector<16xf32>,
              tpu.vector_store %arg12[%swap3A_574, %swap3A_575], %select_n3A_570 {strides = array<i32>} : memref<16x1024xf32, #tpu.memory_space<vmem>>, vector<16xf32>,
            } else {
            }
          }
          %scan3A_211 = arith.constant 64 : i32
        } else {
        }
        %add3A_191 = arith.addi %select_n3A, %add3A_126 : i32
        %mul3A_192 = arith.constant 16 : i32
        %mul3A_193 = arith.muli %add3A_191, %mul3A_192 : i32
        %dma_start3A = arith.constant 0 : i32
        %dma_start3A_194 = tpu.memref_slice %arg4[%mul3A_193, %dma_start3A] : memref<100000x1024xf32, #tpu.memory_space<hbm>> -> memref<16x1024xf32, #tpu.memory_space<hbm>>
        %dma_start3A_195 = arith.constant 0 : i32
        %dma_start3A_196 = tpu.memref_slice %arg4[%mul3A_193, %dma_start3A_195] : memref<100000x1024xf32, #tpu.memory_space<hbm>> -> memref<16x1024xf32, #tpu.memory_space<hbm>>
        tpu.enqueue_dma source(%arg12 : memref<16x1024xf32, #tpu.memory_space<vmem>>) target(%dma_start3A_196 : memref<16x1024xf32, #tpu.memory_space<hbm>>) target_semaphore(%arg18 : memref<!tpu.dma_semaphore, #tpu.memory_space<semaphore_mem>>)
        %add3A_197 = arith.constant 3 : i32
        %add3A_198 = arith.addi %add3A_126, %add3A_197 : i32
        %lt3A_199 = arith.cmpi slt, %add3A_198, %sub3A_47 : i32
        %convert_element_type3A_200 = arith.extui %lt3A_199 : i1 to i32
        %cond3A_201 = arith.constant 0 : i32
        %cond3A_202 = arith.cmpi ne, %convert_element_type3A_200, %cond3A_201 : i32
        scf.if %cond3A_202 {
          %add3A_203 = arith.constant 3 : i32
          %add3A_204 = arith.addi %add3A_126, %add3A_203 : i32
          %add3A_205 = arith.addi %select_n3A, %add3A_204 : i32
          %mul3A_206 = arith.constant 16 : i32
          %mul3A_207 = arith.muli %add3A_205, %mul3A_206 : i32
          %dma_start3A_208 = arith.constant 0 : i32
          %dma_start3A_209 = tpu.memref_slice %arg2[%mul3A_207, %dma_start3A_208] : memref<100000x1024xf32, #tpu.memory_space<hbm>> -> memref<16x1024xf32, #tpu.memory_space<hbm>>
          %dma_start3A_210 = arith.constant 0 : i32
          %dma_start3A_211 = tpu.memref_slice %arg2[%mul3A_207, %dma_start3A_210] : memref<100000x1024xf32, #tpu.memory_space<hbm>> -> memref<16x1024xf32, #tpu.memory_space<hbm>>
          tpu.enqueue_dma source(%dma_start3A_211 : memref<16x1024xf32, #tpu.memory_space<hbm>>) target(%arg9 : memref<16x1024xf32, #tpu.memory_space<vmem>>) target_semaphore(%arg15 : memref<!tpu.dma_semaphore, #tpu.memory_space<semaphore_mem>>)
        } else {
        }
      } else {
      }
    }
    %scan3A_77 = arith.constant 66 : i32
    %sub3A_78 = arith.constant 3 : i32
    %sub3A_79 = arith.subi %sub3A_47, %sub3A_78 : i32
    %max3A = arith.constant 0 : i32
    %max3A_80 = arith.maxsi %sub3A_79, %max3A : i32
    %add3A_81 = arith.constant 0 : i32
    %add3A_82 = arith.addi %max3A_80, %add3A_81 : i32
    %lt3A = arith.cmpi slt, %add3A_82, %sub3A_47 : i32
    %convert_element_type3A_83 = arith.extui %lt3A : i1 to i32
    %cond3A_84 = arith.constant 0 : i32
    %cond3A_85 = arith.cmpi ne, %convert_element_type3A_83, %cond3A_84 : i32
    scf.if %cond3A_85 {
      %add3A_106 = arith.constant 0 : i32
      %add3A_107 = arith.addi %select_n3A, %add3A_106 : i32
      %mul3A_108 = arith.constant 16 : i32
      %mul3A_109 = arith.muli %add3A_107, %mul3A_108 : i32
      %dma_wait3A = arith.constant 0 : i32
      %dma_wait3A_110 = tpu.memref_slice %arg4[%mul3A_109, %dma_wait3A] : memref<100000x1024xf32, #tpu.memory_space<hbm>> -> memref<16x1024xf32, #tpu.memory_space<hbm>>
      %dma_wait3A_111 = arith.constant 0 : i32
      %dma_wait3A_112 = tpu.memref_slice %arg4[%mul3A_109, %dma_wait3A_111] : memref<100000x1024xf32, #tpu.memory_space<hbm>> -> memref<16x1024xf32, #tpu.memory_space<hbm>>
      tpu.wait_dma2 semaphore(%arg16 : memref<!tpu.dma_semaphore, #tpu.memory_space<semaphore_mem>>) src(%arg10 : memref<16x1024xf32, #tpu.memory_space<vmem>>) dst(%dma_wait3A_112 : memref<16x1024xf32, #tpu.memory_space<hbm>>)
    } else {
    }
    %sub3A_86 = arith.constant 3 : i32
    %sub3A_87 = arith.subi %sub3A_47, %sub3A_86 : i32
    %max3A_88 = arith.constant 0 : i32
    %max3A_89 = arith.maxsi %sub3A_87, %max3A_88 : i32
    %add3A_90 = arith.constant 1 : i32
    %add3A_91 = arith.addi %max3A_89, %add3A_90 : i32
    %lt3A_92 = arith.cmpi slt, %add3A_91, %sub3A_47 : i32
    %convert_element_type3A_93 = arith.extui %lt3A_92 : i1 to i32
    %cond3A_94 = arith.constant 0 : i32
    %cond3A_95 = arith.cmpi ne, %convert_element_type3A_93, %cond3A_94 : i32
    scf.if %cond3A_95 {
      %add3A_106 = arith.constant 0 : i32
      %add3A_107 = arith.addi %select_n3A, %add3A_106 : i32
      %mul3A_108 = arith.constant 16 : i32
      %mul3A_109 = arith.muli %add3A_107, %mul3A_108 : i32
      %dma_wait3A = arith.constant 0 : i32
      %dma_wait3A_110 = tpu.memref_slice %arg4[%mul3A_109, %dma_wait3A] : memref<100000x1024xf32, #tpu.memory_space<hbm>> -> memref<16x1024xf32, #tpu.memory_space<hbm>>
      %dma_wait3A_111 = arith.constant 0 : i32
      %dma_wait3A_112 = tpu.memref_slice %arg4[%mul3A_109, %dma_wait3A_111] : memref<100000x1024xf32, #tpu.memory_space<hbm>> -> memref<16x1024xf32, #tpu.memory_space<hbm>>
      tpu.wait_dma2 semaphore(%arg17 : memref<!tpu.dma_semaphore, #tpu.memory_space<semaphore_mem>>) src(%arg11 : memref<16x1024xf32, #tpu.memory_space<vmem>>) dst(%dma_wait3A_112 : memref<16x1024xf32, #tpu.memory_space<hbm>>)
    } else {
    }
    %sub3A_96 = arith.constant 3 : i32
    %sub3A_97 = arith.subi %sub3A_47, %sub3A_96 : i32
    %max3A_98 = arith.constant 0 : i32
    %max3A_99 = arith.maxsi %sub3A_97, %max3A_98 : i32
    %add3A_100 = arith.constant 2 : i32
    %add3A_101 = arith.addi %max3A_99, %add3A_100 : i32
    %lt3A_102 = arith.cmpi slt, %add3A_101, %sub3A_47 : i32
    %convert_element_type3A_103 = arith.extui %lt3A_102 : i1 to i32
    %cond3A_104 = arith.constant 0 : i32
    %cond3A_105 = arith.cmpi ne, %convert_element_type3A_103, %cond3A_104 : i32
    scf.if %cond3A_105 {
      %add3A_106 = arith.constant 0 : i32
      %add3A_107 = arith.addi %select_n3A, %add3A_106 : i32
      %mul3A_108 = arith.constant 16 : i32
      %mul3A_109 = arith.muli %add3A_107, %mul3A_108 : i32
      %dma_wait3A = arith.constant 0 : i32
      %dma_wait3A_110 = tpu.memref_slice %arg4[%mul3A_109, %dma_wait3A] : memref<100000x1024xf32, #tpu.memory_space<hbm>> -> memref<16x1024xf32, #tpu.memory_space<hbm>>
      %dma_wait3A_111 = arith.constant 0 : i32
      %dma_wait3A_112 = tpu.memref_slice %arg4[%mul3A_109, %dma_wait3A_111] : memref<100000x1024xf32, #tpu.memory_space<hbm>> -> memref<16x1024xf32, #tpu.memory_space<hbm>>
      tpu.wait_dma2 semaphore(%arg18 : memref<!tpu.dma_semaphore, #tpu.memory_space<semaphore_mem>>) src(%arg12 : memref<16x1024xf32, #tpu.memory_space<vmem>>) dst(%dma_wait3A_112 : memref<16x1024xf32, #tpu.memory_space<hbm>>)
    } else {
    }
    return
  }
}

</mosaic_0001>

<sc_bundles>
// kernel: kernel.3.cloned.1.call-start
scs
__scs_entry_jumppad:
0x0: {  	(pc) =	sbr.rel $0x88, $3  }
0x1: {  	(tag) =	ssettag $0x0;
	lr =	simm.s32 $0x1  }
0x2: {  	[smem:$0x3F9F] =	sst lr;
	_ =	strace $0xD0000000  }
0x3: {  	_ = 	snop  }
0x4: {  	_ = 	snop  }
0x5: {  	_ = 	snop  }
0x6: {  	_ = 	snop  }
0x7: {  	_ = 	snop  }
__scs_overlays_trampoline_lowered:
0x8: {  	[smem:$0x3FAE] =	sst s0  }
0x9: {  	[smem:$0x3FAF] =	sst s1  }
0xa: {  	[smem:$0x3FB0] =	sst s2  }
0xb: {  	[smem:$0x3FB1] =	sst s3  }
0xc: {  	[smem:$0x3FB2] =	sst s4  }
0xd: {  	[smem:$0x3FB3] =	sst s5  }
0xe: {  	[smem:$0x3FB4] =	sst s6  }
0xf: {  	[smem:$0x3FB5] =	sst s7  }
0x10: {  	[smem:$0x3FB6] =	sst s8  }
0x11: {  	[smem:$0x3FB7] =	sst s9;
	s0 =	simm.s32 @!p0 $0x0  }
0x12: {  	s1 =	sld [smem:$0x3F9D];
	s0 =	simm.s32 @p0 $0x1  }
0x13: {  	[smem:$0x3FB8] =	sst s0;
	s0 =	simm.s32 @!p1 $0x0  }
0x14: {  	s2 =	sld [smem:$0x3F9C];
	s0 =	simm.s32 @p1 $0x1  }
0x15: {  	[smem:$0x3FB9] =	sst s0;
	s0 =	simm.s32 @!p2 $0x0  }
0x16: {  	s3 =	sld [smem:$0x3FDB];
	s0 =	simm.s32 @p2 $0x1  }
0x17: {  	s4 =	simm.s32 $0x1BF5;
	[smem:$0x3FBB] =	sst s0  }
0x18: {  	s0 =	sld [smem:$0x3F9E];
	_ =	swait.ge [sflag:s4], $0x0  }
0x19: {  	s7 =	sld [smem:$0x3F9F]  }
0x1a: {  	s8 =	sadd.s32 $0xFFFFE003, lr  }
0x1b: {  	s9 =	sadd.s32 $0xFFFFFEF7, lr;
	s5 =	simm.s32 $0xFFFFFFFF;
	p2 =	slt.u32 s8, $0xFFFFF086  }
0x1c: {  	p1 =	slt.u32 s9, $0xF7A;
	s5 =	simm.s32 @!p2 $0x0  }
0x1d: {  	s5 =	simm.s32 @p1 $0x1;
	p0 =	seq.s32 s7, s2  }
0x1e: {  	s7 =	smul.u32 @!p0 $0xF7A, s2;
	p2 =	seq.s32 @!p0 s5, $0x0  }
0x1f: {  	s9 =	smul.u32 $0xF7A, s1;
	s8 =	simm.s32 @!p0 $0x1BF5;
	p2 =	por !p2, p0  }
0x20: {  	[sflag:s8] =	ssyncset.s32 @!p0 $0xFFFFF086;
	s6 =	sadd.s32 @!p0 s3, s7;
	s7 =	simm.s32 @!p0 $0x108  }
0x21: {  	s3 =	sadd.s32 s3, s9;
	s6 =	sadd.s32 @!p0 $0x88, s6;
	s7 =	simm.s32 @p2 $0x1082  }
0x22: {  	[simem:s7], [sflag:s8] =	dma.local @!p0 [hbm:s6], $0xF7A  }
0x23: {  	s9 =	sor.u32 $0xD0000000, s2;
	s6 =	simm.s32 $0x108;
	_ =	swait.ge @!p0 [sflag:s8], $0x0  }
0x24: {  	s3 =	sadd.s32 $0x88, s3;
	s6 =	simm.s32 @!p1 $0x1082;
	[sflag:s4] =	ssyncset.s32 $0xFFFFF086  }
0x25: {  	[simem:s6], [sflag:s4] =	dma.local [hbm:s3], $0xF7A  }
0x26: {  	[smem:$0x3F9F] =	sst s1;
	(tag) =	ssettag s2;
	_ =	strace s9  }
0x27: {  	s1 =	sld [smem:$0x3FAF]  }
0x28: {  	s2 =	sld [smem:$0x3FB0]  }
0x29: {  	s4 =	sld [smem:$0x3FB2]  }
0x2a: {  	p0 =	seq.s32 s5, $0x0;
	s5 =	sld [smem:$0x3FB3]  }
0x2b: {  	s6 =	sld [smem:$0x3FB4]  }
0x2c: {  	s7 =	sld [smem:$0x3FB5]  }
0x2d: {  	s3 =	simm.s32 $0x108;
	s8 =	sld [smem:$0x3FB6]  }
0x2e: {  	s3 =	simm.s32 @!p0 $0x1082;
	s9 =	sld [smem:$0x3FB7]  }
0x2f: {  	lr =	sadd.s32 s0, s3;
	s0 =	sld [smem:$0x3FAE]  }
0x30: {  	s3 =	sld [smem:$0x3FB1]  }
0x31: {  	[smem:$0x3FBA] =	sst s10  }
0x32: {  	s10 =	sld [smem:$0x3FB8];
	_ =	sdelay $0x3  }
0x33: {  	p0 =	seq.s32 s10, $0x1;
	s10 =	sld [smem:$0x3FBA];
	_ =	sdelay $0x3  }
0x34: {  	[smem:$0x3FBA] =	sst s10  }
0x35: {  	s10 =	sld [smem:$0x3FB9];
	_ =	sdelay $0x3  }
0x36: {  	p1 =	seq.s32 s10, $0x1;
	s10 =	sld [smem:$0x3FBA];
	_ =	sdelay $0x3  }
0x37: {  	[smem:$0x3FBA] =	sst s10  }
0x38: {  	s10 =	sld [smem:$0x3FBB]  }
0x39: {  	_ = 	snop;
	(pc) =	sbr.ind lr, $3  }
0x3a: {  	_ = 	snop  }
0x3b: {  	_ = 	snop  }
0x3c: {  	p2 =	seq.s32 s10, $0x1;
	s10 =	sld [smem:$0x3FBA]  }
0x3d: {  	_ =	shalt  }
0x3e: {  	_ =	shalt  }
0x3f: {  	_ =	shalt  }
0x40: {  	_ =	shalt  }
0x41: {  	_ =	shalt  }
0x42: {  	_ =	shalt  }
0x43: {  	_ =	shalt  }
0x44: {  	_ =	shalt  }
0x45: {  	_ =	shalt  }
0x46: {  	_ =	shalt  }
0x47: {  	_ =	shalt  }
0x48: {  	_ =	shalt  }
0x49: {  	_ =	shalt  }
0x4a: {  	_ =	shalt  }
0x4b: {  	_ =	shalt  }
0x4c: {  	_ =	shalt  }
0x4d: {  	_ =	shalt  }
0x4e: {  	_ =	shalt  }
0x4f: {  	_ =	shalt  }
0x50: {  	_ =	shalt  }
0x51: {  	_ =	shalt  }
0x52: {  	_ =	shalt  }
0x53: {  	_ =	shalt  }
0x54: {  	_ =	shalt  }
0x55: {  	_ =	shalt  }
0x56: {  	_ =	shalt  }
0x57: {  	_ =	shalt  }
0x58: {  	_ =	shalt  }
0x59: {  	_ =	shalt  }
0x5a: {  	_ =	shalt  }
0x5b: {  	_ =	shalt  }
0x5c: {  	_ =	shalt  }
0x5d: {  	_ =	shalt  }
0x5e: {  	_ =	shalt  }
0x5f: {  	_ =	shalt  }
0x60: {  	_ =	shalt  }
0x61: {  	_ =	shalt  }
0x62: {  	_ =	shalt  }
0x63: {  	_ =	shalt  }
0x64: {  	_ =	shalt  }
0x65: {  	_ =	shalt  }
0x66: {  	_ =	shalt  }
0x67: {  	_ =	shalt  }
0x68: {  	_ =	shalt  }
0x69: {  	_ =	shalt  }
0x6a: {  	_ =	shalt  }
0x6b: {  	_ =	shalt  }
0x6c: {  	_ =	shalt  }
0x6d: {  	_ =	shalt  }
0x6e: {  	_ =	shalt  }
0x6f: {  	_ =	shalt  }
0x70: {  	_ =	shalt  }
0x71: {  	_ =	shalt  }
0x72: {  	_ =	shalt  }
0x73: {  	_ =	shalt  }
0x74: {  	_ =	shalt  }
0x75: {  	_ =	shalt  }
0x76: {  	_ =	shalt  }
0x77: {  	_ =	shalt  }
0x78: {  	_ =	shalt  }
0x79: {  	_ =	shalt  }
0x7a: {  	_ =	shalt  }
0x7b: {  	_ =	shalt  }
0x7c: {  	_ =	shalt  }
0x7d: {  	_ =	shalt  }
0x7e: {  	_ =	shalt  }
0x7f: {  	_ =	shalt  }
0x80: {  	_ =	shalt  }
0x81: {  	_ =	shalt  }
0x82: {  	_ =	shalt  }
0x83: {  	_ =	shalt  }
0x84: {  	_ =	shalt  }
0x85: {  	_ =	shalt  }
0x86: {  	_ =	shalt  }
0x87: {  	_ =	shalt  }
.Lfunc_end0:
.L_simem_size_0:
called_computation_lowered:
.L_overlay_start_0:
0x88: {  	s2 =	sld [smem:$0x3FD9]  }
0x89: {  	s3 =	sld [smem:$0x3FFE];
	_ =	sdelay $0x1  }
0x8a: {  	s1 =	srdreg.scid  }
0x8b: {  	s0 =	sand.u32 $0x1, s1  }
0x8c: {  	s18 =	sshll.u32 s0, $0xA;
	s2 =	sadd.s32 s3, s2  }
0x8d: {  	s2 =	sadd.s32 s2, s18  }
0x8e: {  	[smem:$0x3FC6] =	sst s2  }
0x8f: {  	_ = 	snop  }
0x90: {  	s2 =	sld [smem:$0x3FC9]  }
0x91: {  	s19 =	sld [smem:$0x3FC8]  }
0x92: {  	s4 =	sld [smem:$0x3FD0];
	(tm) =	ssettm $0x1  }
0x93: {  	s5 =	sld [smem:$0x3FFB];
	_ =	sdelay $0x3  }
0x94: {  	_ =	strace s5  }
0x95: {  	s5 =	sld [smem:$0x3FFC];
	_ =	sdelay $0x3  }
0x96: {  	_ =	strace s5  }
0x97: {  	s5 =	sld [smem:$0x3FFD];
	_ =	sdelay $0x3  }
0x98: {  	_ =	strace s5  }
0x99: {  	_ =	strace $0x8FFFFFFF  }
0x9a: {  	s20 =	sld [smem:$0x3FDB];
	_ =	sdelay $0x1  }
0x9b: {  	s6 =	simm.s32 $_scs_section_size  }
0x9c: {  	s7 =	simm.s32 $_size__tile_overlayer_lowered;
	s8 =	simm.s32 $_tile_overlayer_lowered  }
0x9d: {  	s23 =	simm.s32 $0x1BFF;
	s22 =	sshll.u32 s8, $0x1;
	s5 =	sadd.s32 s6, s20  }
0x9e: {  	s9 =	simm.s32 $0x0;
	s21 =	sshll.u32 s7, $0x1;
	s7 =	sadd.s32 s22, s5  }
0x9f: {  	[timem:s9], [sflag:s23] =	dma.local [hbm:s7], s21  }
0xa0: {  	_ =	swait.ge [sflag:s23], s21  }
0xa1: {  	s6 =	ssub.s32 $0x0, s21;
	[sflag:s23] =	ssyncset.done $0x0  }
0xa2: {  	[sflag:s23] =	ssyncadd.s32 s6;
	_ =	sdelay $0x1  }
0xa3: {  	s24 =	simm.s32 $0x1B8B  }
0xa4: {  	_ =	swait.ge [sflag:s24], $0x1  }
0xa5: {  	[sflag:s24] =	ssyncset.done $0x0  }
0xa6: {  	s25 =	simm.s32 $0x1B8E;
	[sflag:s24] =	ssyncadd.s32 $0xFFFFFFFF  }
0xa7: {  	s26 =	simm.s32 $execute0_lowered;
	[smem:$0x3FD2] =	sst s25  }
0xa8: {  	s6 =	sshll.u32 s26, $0x1;
	_ =	strace $0x80000046;
	[dreg:$0x1] =	wrdreg $0xFFFFFFFF  }
0xa9: {  	s28 =	simm.s32 $_size_execute0_lowered;
	s5 =	sadd.s32 s5, s6;
	[dreg:$0x0] =	wrdreg $0x0  }
0xaa: {  	s6 =	sshll.u32 s28, $0x1;
	[dreg:$0x2] =	wrdreg s5  }
0xab: {  	[dreg:$0x3] =	wrdreg s6  }
0xac: {  	[dreg:$0x4] =	wrdreg $0xC0  }
0xad: {  	_ =	task [dreg:s9], $0x5FFFF  }
0xae: {  	[dreg:$0x1] =	wrdreg $0xFFFFFFFF  }
0xaf: {  	[dreg:$0x0] =	wrdreg $0x60  }
0xb0: {  	[dreg:$0x2] =	wrdreg s2  }
0xb1: {  	[dreg:$0x3] =	wrdreg s19  }
0xb2: {  	[dreg:$0x4] =	wrdreg s4  }
0xb3: {  	[dreg:$0x5] =	wrdreg $0x9  }
0xb4: {  	_ =	task.clear_ibuf [dreg:s9], $0x6FFFF;
	_ =	strace $0x90000046  }
0xb5: {  	s29 =	simm.s32 $0x9;
	_ =	strace $0x80000048  }
0xb6: {  	_ =	swait.ge [sflag:s29], $0x1  }
0xb7: {  	[sflag:s29] =	ssyncadd.s32 $0xFFFFFFFF  }
0xb8: {  	_ =	strace $0x90000048  }
0xb9: {  	_ =	sfence  }
0xba: {  	s30 =	sld [smem:$0x0];
	_ =	sdelay $0x2  }
0xbb: {  	s31 =	sshll.u32 s1, $0xD;
	s1 =	sshrl.u32 s1, $0x2  }
0xbc: {  	s3 =	sand.u32 $0x4000, s31;
	s1 =	sadd.s32 s1, s30  }
0xbd: {  	s0 =	sor.u32 s3, s0;
	s1 =	sshll.u32 s1, $0x11  }
0xbe: {  	s0 =	sor.u32 s1, s0  }
0xbf: {  	s0 =	sadd.s32 $0x8F2B, s0  }
0xc0: {  	[sflag:s0] =	ssyncadd.remote.s32 $0x1  }
0xc1: {  	_ =	sfence.sel $0xFFFF  }
0xc2: {  	[dreg:$0x0] =	wrdreg $0xFFFFFFFF;
	(pc) =	sbr.abs _section_cstart, $3  }
0xc3: {  	[dreg:$0x1] =	wrdreg $0xFFFFFFFF  }
0xc4: {  	_ =	task.clear_ibuf [dreg:s9], $0x2FFFF;
	_ =	strace $0x9FFFFFFF  }
0xc5: {  	(tm) =	ssettm $0x7FFFFFFF  }
tec
execute0_lowered:
.L_overlay_start_1:
0x0: {  	(tag) =	ssettag $0x1  }
0x1: {  	s1 =	rddreg [dreg:$0x0]  }
0x2: {  	s2 =	srdreg.scid;
	s3 =	rddreg [dreg:$0x1]  }
0x3: {  	s0 =	stileid.u32;
	s4 =	rddreg [dreg:$0x2]  }
0x4: {  	s5 =	simm.s32 $0x0;
	s6 =	sand.u32 $0x1, s2;
	s29 =	sshll.u32 s0, $0x1  }
0x5: {  	s13 =	simm.s32 $0x400;
	s14 =	simm.s32 $0x1;
	s7 =	sor.u32 s6, s29  }
0x6: {  	s15 =	simm.s32 $0xC500;
	s16 =	simm.s32 $0x2;
	s7 =	smul.u32 $0x186A, s7  }
0x7: {  	s17 =	simm.s32 $0x10500;
	[smem:$0x7FF] =	sst s5;
	s6 =	ssub.s32 $0x2, s6  }
0x8: {  	_ =	strace $0x80000047;
	s8 =	sshrl.u32 s6, $0x1;
	s9 =	sadd.s32 $0x186A, s7  }
0x9: {  	s11 =	ssub.s32 s6, s8;
	s6 =	sshrl.u32 s7, $0x5;
	s30 =	sshrl.u32 s9, $0x5  }
0xa: {  	s11 =	smax.u32 s11, $0x1;
	s18 =	sshll.u32 s6, $0x4;
	s7 =	ssub.s32 s30, s6  }
0xb: {  	s31 =	sshll.u32 s6, $0xB;
	s19 =	sshll.u32 s30, $0x4;
	p0 =	slt.s32 s7, $0x1  }
0xc: {  	p1 =	sgt.s32 s7, $0x3;
	s12 =	smov.u32 s7;
	p2 =	seq.s32 @!p0 s7, $0x1  }
0xd: {  	s8 =	sadd.s32 s1, s31;
	s12 =	simm.s32 @!p1 $0x3;
	p1 =	por p2, p0  }
0xe: {  	v1 =	vmov s18;
	s18 =	simm.s32 $0x3;
	s9 =	sadd.s32 $0x800, s8;
	p3 =	slt.u32 @!p1 s7, $0x3  }
.Ltmp0:
0xf: {  	s10 =	sadd.s32 $0x1000, s8;
	p2 =	por @!p0 p3, p2;
	(pc) =	sbr.rel .LBB2_1-.Ltmp0, $4  }
0x10: {  	v2 =	vmov s19;
	s19 =	simm.s32 $0x14500;
	p5 =	slt.s32 s7, $0x3;
	p2 =	por p2, p0  }
0x11: {  	s20 =	sadd.s32 $0xFFFFFFFD, s12;
	s21 =	sadd.s32 $0xFFFFFFFE, s12;
	s2 =	simm.s32 @!p2 $0x0  }
0x12: {  	v3 =	vimm.s32 $0x0;
	s12 =	simm.s32 $0x7;
	p4 =	sge.s32 s21, s7;
	s2 =	simm.s32 @p2 $0x1  }
0x13: {  	v4 =	vimm.s32 $0x1;
	v5 =	vlaneseq.u32;
	v0 =	vmov s6;
	p3 =	sge.s32 s20, s7;
	s20 =	simm.s32 $0x0;
	[smem:$0x7FD] =	sst s2  }
.LBB2_32:
0x14: {  	s2 =	simm.s32 @!p3 $0x4  }
0x15: {  	_ =	swait.ge @!p3 [sflag:s2], $0x4000  }
0x16: {  	[sflag:s2] =	ssyncset.done @!p3 $0x0  }
0x17: {  	s20 =	sadd.s32 $0x1, s20;
	[sflag:s2] =	ssyncadd.s32 @!p3 $0xFFFFC000;
	s2 =	simm.s32 @!p4 $0x5  }
0x18: {  	p2 =	sne.s32 s20, s11;
	_ =	swait.ge @!p4 [sflag:s2], $0x4000  }
.Ltmp1:
0x19: {  	[sflag:s2] =	ssyncset.done @!p4 $0x0;
	(pc) =	sbr.rel @!p2 .LBB2_33-.Ltmp1, $4  }
0x1a: {  	[sflag:s2] =	ssyncadd.s32 @!p4 $0xFFFFC000;
	s2 =	simm.s32 @!p5 $0x6  }
0x1b: {  	_ =	swait.ge @!p5 [sflag:s2], $0x4000  }
0x1c: {  	[sflag:s2] =	ssyncset.done @!p5 $0x0  }
0x1d: {  	[sflag:s2] =	ssyncadd.s32 @!p5 $0xFFFFC000  }
.LBB2_1:
0x1e: {  	[tilespmem:s5], [sflag:$0x7] =	stream.linear.gather [hbm4b:s3+s5], $0x400, $0x38;
	[tilespmem:$0x18500] =	vst v63  }
0x1f: {  	_ =	swait.ge [sflag:s12], $0x400  }
0x20: {  	[sflag:s12] =	ssyncset.done $0x0  }
0x21: {  	[sflag:s12] =	ssyncadd.s32 $0xFFFFFC00  }
0x22: {  	[tilespmem:$0x400] =	vst v3  }
0x23: {  	[tilespmem:$0x410] =	vst v3  }
0x24: {  	[tilespmem:$0x420] =	vst v3  }
0x25: {  	[tilespmem:$0x430] =	vst v3  }
0x26: {  	[tilespmem:$0x440] =	vst v3  }
0x27: {  	[tilespmem:$0x450] =	vst v3  }
0x28: {  	[tilespmem:$0x460] =	vst v3  }
0x29: {  	[tilespmem:$0x470] =	vst v3  }
0x2a: {  	[tilespmem:$0x480] =	vst v3  }
0x2b: {  	[tilespmem:$0x490] =	vst v3  }
0x2c: {  	[tilespmem:$0x4A0] =	vst v3  }
0x2d: {  	[tilespmem:$0x4B0] =	vst v3  }
0x2e: {  	[tilespmem:$0x4C0] =	vst v3  }
0x2f: {  	s22 =	simm.s32 $0x0;
	s21 =	simm.s32 $0x40;
	[tilespmem:$0x4D0] =	vst v3  }
.LBB2_2:
0x30: {  	p2 =	sne.s32 s21, $0xFC0;
	v6 =	vld [tilespmem:s22+$0x0];
	_ =	sdelay $0x4  }
0x31: {  	v7 =	vshra.s32 v6, $0x1F  }
0x32: {  	v7 =	vshrl.u32 v7, $0x1C  }
0x33: {  	v7 =	vadd.s32 v7, v6  }
0x34: {  	vm0 =	vge.s32 v6, v1;
	vm1 =	vlt.s32 v6, v2;
	v7 =	vshra.s32 v7, $0x4  }
0x35: {  	vm0 =	vmand vm0, vm1;
	v6 =	vsub.s32 v7, v0  }
0x36: {  	v6 =	vnsel vm0, $0x0, v6  }
.Ltmp2:
0x37: {  	(pc) =	sbr.rel @p2 .LBB2_2-.Ltmp2, $2  }
0x38: {  	_ =	sdelay $0x2  }
0x39: {  	s22 =	sshra.s32 s21, $0x2;
	s21 =	sadd.s32 $0x40, s21;
	[tilespmem:v6+s13+$0x0] =	vst.idx.msk vm0, v4  }
0x3a: {  	v6 =	vld [tilespmem:s22+$0x0];
	_ =	sdelay $0x4  }
0x3b: {  	v7 =	vshra.s32 v6, $0x1F  }
0x3c: {  	v7 =	vshrl.u32 v7, $0x1C  }
0x3d: {  	v7 =	vadd.s32 v7, v6  }
0x3e: {  	vm0 =	vge.s32 v6, v1;
	vm1 =	vlt.s32 v6, v2;
	v7 =	vshra.s32 v7, $0x4  }
0x3f: {  	vm0 =	vmand vm0, vm1;
	v6 =	vsub.s32 v7, v0  }
0x40: {  	v6 =	vnsel vm0, $0x0, v6;
	_ =	sdelay $0x1  }
0x41: {  	s2 =	sld [smem:$0x7FD];
	_ =	sdelay $0x2  }
0x42: {  	s21 =	simm.s32 @!p0 $0x0;
	s22 =	simm.s32 @!p0 $0x500;
	p2 =	seq.s32 s2, $0x1;
	[tilespmem:v6+s13+$0x0] =	vst.idx.msk vm0, v4  }
0x43: {  	[tilespmem:s22], [sflag:$0x1] =	stream.linear.gather @!p0 [hbm4b:s8+s21], $0x4000, $0x38;
	[tilespmem:$0x18500] =	vst v63  }
.Ltmp3:
0x44: {  	s21 =	simm.s32 @!p1 $0x0;
	s22 =	simm.s32 @!p1 $0x4500;
	(pc) =	sbr.rel .LBB2_4-.Ltmp3, $4  }
0x45: {  	[tilespmem:s22], [sflag:$0x2] =	stream.linear.gather @!p1 [hbm4b:s9+s21], $0x4000, $0x38;
	[tilespmem:$0x18500] =	vst v63  }
0x46: {  	s21 =	simm.s32 @!p2 $0x0;
	s22 =	simm.s32 @!p2 $0x8500  }
0x47: {  	[tilespmem:s22], [sflag:$0x3] =	stream.linear.gather @!p2 [hbm4b:s10+s21], $0x4000, $0x38;
	[tilespmem:$0x18500] =	vst v63  }
0x48: {  	s21 =	simm.s32 $0x0  }
.LBB2_30:
0x49: {  	s2 =	sshll.u32 s23, $0xB  }
0x4a: {  	s2 =	sadd.s32 s4, s2  }
0x4b: {  	[hbm4b:s2+s5] =	stream.linear.scatter [tilespmem:s19], [sflag:$0x6], $0x4000, $0x38;
	[tilespmem:$0x18500] =	vst v63  }
0x4c: {  	s2 =	sadd.s32 $0x5, s22  }
0x4d: {  	p2 =	sge.s32 s2, s7  }
0x4e: {  	s2 =	sadd.s32 @!p2 s6, s2  }
0x4f: {  	s2 =	sshll.u32 @!p2 s2, $0xB  }
0x50: {  	s22 =	simm.s32 @!p2 $0x0;
	s23 =	simm.s32 @!p2 $0x8500;
	s2 =	sadd.s32 @!p2 s1, s2  }
0x51: {  	[tilespmem:s23], [sflag:$0x3] =	stream.linear.gather @!p2 [hbm4b:s2+s22], $0x4000, $0x38;
	[tilespmem:$0x18500] =	vst v63  }
.LBB2_31:
0x52: {  	s21 =	sadd.s32 $0x1, s21  }
0x53: {  	p2 =	sne.s32 s21, $0x42  }
.Ltmp4:
0x54: {  	_ = 	snop;
	(pc) =	sbr.rel @!p2 .LBB2_32-.Ltmp4, $1  }
0x55: {  	_ =	sdelay $0x3  }
.LBB2_4:
0x56: {  	s22 =	smul.u32 $0x3, s21;
	_ =	sdelay $0x1  }
0x57: {  	p2 =	sge.s32 s22, s7  }
.Ltmp5:
0x58: {  	_ = 	snop;
	(pc) =	sbr.rel @p2 .LBB2_13-.Ltmp5, $2  }
0x59: {  	_ =	sdelay $0x2  }
0x5a: {  	p6 =	seq.s32 s21, $0x0  }
0x5b: {  	s23 =	simm.s32 @!p6 $0x4  }
0x5c: {  	_ =	swait.ge @!p6 [sflag:s23], $0x4000  }
0x5d: {  	[sflag:s23] =	ssyncset.done @!p6 $0x0  }
0x5e: {  	[sflag:s23] =	ssyncadd.s32 @!p6 $0xFFFFC000  }
0x5f: {  	s25 =	simm.s32 $0x0;
	_ =	swait.ge [sflag:s14], $0x4000  }
0x60: {  	s31 =	sand.u32 $0x70, s25;
	s24 =	sand.u32 $0x1C00, s25;
	[sflag:s14] =	ssyncset.done $0x0  }
0x61: {  	s23 =	sor.u32 s31, s24;
	[sflag:s14] =	ssyncadd.s32 $0xFFFFC000  }
0x62: {  	v9 =	vld [tilespmem:s23+$0x800]  }
0x63: {  	v6 =	vld [tilespmem:s23+$0x780]  }
0x64: {  	v7 =	vld [tilespmem:s23+$0x700]  }
0x65: {  	s26 =	simm.s32 $0x10;
	s24 =	sor.u32 s25, s25;
	v8 =	vld [tilespmem:s23+$0x680]  }
.LBB2_6:
0x66: {  	p2 =	sne.s32 s26, $0x3F0  }
0x67: {  	v10 =	vld [tilespmem:s23+$0x600];
	s25 =	sadd.s32 $0x80, s25;
	s29 =	smov.u32 s26;
	s26 =	sadd.s32 $0x10, s26  }
0x68: {  	s28 =	sor.u32 s29, s25;
	v11 =	vld [tilespmem:s23+$0x580];
	v9 =	vmul.f32 $6.400000000e+01, v9  }
0x69: {  	v12 =	vld [tilespmem:s23+$0x500];
	v6 =	vmul.f32 $6.400000000e+01, v6  }
0x6a: {  	v7 =	vmul.f32 $6.400000000e+01, v7;
	[tilespmem:s23+$0xC800] =	vst v9  }
0x6b: {  	v8 =	vmul.f32 $6.400000000e+01, v8;
	[tilespmem:s23+$0xC780] =	vst v6  }
0x6c: {  	v6 =	vmul.f32 $6.400000000e+01, v10;
	[tilespmem:s23+$0xC700] =	vst v7  }
0x6d: {  	v7 =	vmul.f32 $6.400000000e+01, v11;
	[tilespmem:s23+$0xC680] =	vst v8  }
0x6e: {  	v8 =	vmul.f32 $6.400000000e+01, v12;
	[tilespmem:s23+$0xC600] =	vst v6  }
0x6f: {  	[tilespmem:s23+$0xC580] =	vst v7  }
0x70: {  	s30 =	sor.u32 $0x380, s24;
	[tilespmem:s23+$0xC500] =	vst v8  }
0x71: {  	v6 =	vld [tilespmem:s30+$0x500]  }
0x72: {  	s29 =	sand.u32 $0x70, s29;
	s31 =	sand.u32 $0x1C00, s25  }
0x73: {  	s29 =	sor.u32 s29, s31;
	_ =	sdelay $0x2  }
0x74: {  	v6 =	vmul.f32 $6.400000000e+01, v6;
	_ =	sdelay $0x1  }
0x75: {  	[tilespmem:s30+$0xC500] =	vst v6  }
0x76: {  	v6 =	vld [tilespmem:s23+$0x2800]  }
0x77: {  	v7 =	vld [tilespmem:s23+$0x2600]  }
0x78: {  	v8 =	vld [tilespmem:s23+$0x2680]  }
0x79: {  	v9 =	vld [tilespmem:s23+$0x2780]  }
0x7a: {  	v10 =	vld [tilespmem:s23+$0x2580]  }
0x7b: {  	v11 =	vld [tilespmem:s23+$0x2700];
	v6 =	vmul.f32 $6.400000000e+01, v6  }
0x7c: {  	v12 =	vld [tilespmem:s23+$0x2500];
	v7 =	vmul.f32 $6.400000000e+01, v7  }
0x7d: {  	v8 =	vmul.f32 $6.400000000e+01, v8;
	[tilespmem:s23+$0xE800] =	vst v6  }
0x7e: {  	[tilespmem:s23+$0xE600] =	vst v7;
	v6 =	vmul.f32 $6.400000000e+01, v9  }
0x7f: {  	v7 =	vmul.f32 $6.400000000e+01, v10;
	[tilespmem:s23+$0xE680] =	vst v8  }
0x80: {  	v8 =	vmul.f32 $6.400000000e+01, v11;
	[tilespmem:s23+$0xE780] =	vst v6  }
0x81: {  	v6 =	vmul.f32 $6.400000000e+01, v12;
	[tilespmem:s23+$0xE580] =	vst v7  }
0x82: {  	[tilespmem:s23+$0xE700] =	vst v8  }
0x83: {  	s30 =	sor.u32 $0x2380, s24;
	s24 =	smov.u32 s28;
	[tilespmem:s23+$0xE500] =	vst v6;
	s23 =	smov.u32 s29  }
0x84: {  	v6 =	vld [tilespmem:s30+$0x500];
	_ =	sdelay $0x4  }
0x85: {  	v6 =	vmul.f32 $6.400000000e+01, v6;
	_ =	sdelay $0x1  }
.Ltmp6:
0x86: {  	[tilespmem:s30+$0xC500] =	vst v6;
	(pc) =	sbr.rel @p2 .LBB2_6-.Ltmp6, $4  }
0x87: {  	v9 =	vld [tilespmem:s23+$0x800]  }
0x88: {  	v6 =	vld [tilespmem:s23+$0x780]  }
0x89: {  	v7 =	vld [tilespmem:s23+$0x700]  }
0x8a: {  	v8 =	vld [tilespmem:s23+$0x680]  }
0x8b: {  	v10 =	vld [tilespmem:s23+$0x600]  }
0x8c: {  	v11 =	vld [tilespmem:s23+$0x580];
	v9 =	vmul.f32 $6.400000000e+01, v9  }
0x8d: {  	v12 =	vld [tilespmem:s23+$0x500];
	v6 =	vmul.f32 $6.400000000e+01, v6  }
0x8e: {  	v7 =	vmul.f32 $6.400000000e+01, v7;
	[tilespmem:s23+$0xC800] =	vst v9  }
0x8f: {  	v8 =	vmul.f32 $6.400000000e+01, v8;
	[tilespmem:s23+$0xC780] =	vst v6  }
0x90: {  	v6 =	vmul.f32 $6.400000000e+01, v10;
	[tilespmem:s23+$0xC700] =	vst v7  }
0x91: {  	v7 =	vmul.f32 $6.400000000e+01, v11;
	[tilespmem:s23+$0xC680] =	vst v8  }
0x92: {  	v57 =	vmul.f32 $6.400000000e+01, v12;
	[tilespmem:s23+$0xC600] =	vst v6  }
0x93: {  	[tilespmem:s23+$0xC580] =	vst v7  }
0x94: {  	s25 =	sor.u32 $0x380, s24;
	[tilespmem:s23+$0xC500] =	vst v57  }
0x95: {  	v6 =	vld [tilespmem:s25+$0x500];
	_ =	sdelay $0x4  }
0x96: {  	v6 =	vmul.f32 $6.400000000e+01, v6;
	_ =	sdelay $0x1  }
0x97: {  	[tilespmem:s25+$0xC500] =	vst v6  }
0x98: {  	v6 =	vld [tilespmem:s23+$0x2800]  }
0x99: {  	v7 =	vld [tilespmem:s23+$0x2600]  }
0x9a: {  	v58 =	vld [tilespmem:s23+$0x2680]  }
0x9b: {  	v61 =	vld [tilespmem:s23+$0x2700]  }
0x9c: {  	v59 =	vld [tilespmem:s23+$0x2780]  }
0x9d: {  	v60 =	vld [tilespmem:s23+$0x2580];
	v6 =	vmul.f32 $6.400000000e+01, v6  }
0x9e: {  	v62 =	vld [tilespmem:s23+$0x2500];
	v7 =	vmul.f32 $6.400000000e+01, v7  }
0x9f: {  	v8 =	vmul.f32 $6.400000000e+01, v58;
	[tilespmem:s23+$0xE800] =	vst v6  }
0xa0: {  	v63 =	vmul.f32 $6.400000000e+01, v61;
	[tilespmem:s23+$0xE600] =	vst v7  }
0xa1: {  	v6 =	vmul.f32 $6.400000000e+01, v59;
	[tilespmem:s23+$0xE680] =	vst v8  }
0xa2: {  	v7 =	vmul.f32 $6.400000000e+01, v60;
	[tilespmem:s23+$0xE700] =	vst v63  }
0xa3: {  	[tilespmem:s23+$0xE780] =	vst v6;
	v6 =	vmul.f32 $6.400000000e+01, v62  }
0xa4: {  	[tilespmem:s23+$0xE580] =	vst v7  }
0xa5: {  	s28 =	sor.u32 $0x2380, s24;
	[tilespmem:s23+$0xE500] =	vst v6  }
0xa6: {  	v6 =	vld [tilespmem:s28+$0x500];
	_ =	sdelay $0x4  }
0xa7: {  	v6 =	vmul.f32 $6.400000000e+01, v6;
	_ =	sdelay $0x1  }
0xa8: {  	s29 =	sand.u32 $0x1F0, s22;
	[tilespmem:s28+$0xC500] =	vst v6  }
0xa9: {  	v6 =	vld [tilespmem:s29+$0x400];
	_ =	sdelay $0x2  }
0xaa: {  	s30 =	sand.u32 $0xF, s22  }
0xab: {  	v7 =	vmov s30  }
0xac: {  	vm0 =	veq.s32 v7, v5;
	v6 =	vxor.u32 $0x80000000, v6  }
0xad: {  	v6 =	vnsel vm0, $0x80000000, v6  }
0xae: {  	(xrf0) =	vmax.scan.msk.u32 $0xffff, v6;
	_ =	sdelay $0x5  }
0xaf: {  	v6, _, _ =	vpop (xrf0)  }
0xb0: {  	(v2sf) =	vpush v6, $0xF;
	_ =	sdelay $0xe  }
0xb1: {  	s31 =	spop (v2sf)  }
0xb2: {  	p2 =	slt.u32 s31, $0x80000001  }
.Ltmp7:
0xb3: {  	_ = 	snop;
	(pc) =	sbr.rel @p2 .LBB2_12-.Ltmp7, $2  }
0xb4: {  	_ =	sdelay $0x2  }
0xb5: {  	s23 =	sadd.s32 s6, s22  }
0xb6: {  	s24 =	sshll.u32 s23, $0x4  }
0xb7: {  	s25 =	sadd.s32 $0x10, s24;
	s26 =	sor.u32 $0x1, s24  }
0xb8: {  	s29 =	sor.u32 $0x2, s24;
	s30 =	sor.u32 $0x3, s24;
	s28 =	sor.u32 $0x4, s24;
	v17 =	vmov s24;
	v6 =	vmov s25  }
.Ltmp8:
0xb9: {  	s31 =	sor.u32 $0x5, s24;
	s2 =	sor.u32 $0x6, s24;
	v7 =	vmov s26;
	v8 =	vmov s29;
	v9 =	vmov s30;
	(pc) =	sbr.rel .LBB2_9-.Ltmp8, $4  }
0xba: {  	v10 =	vmov s28;
	s29 =	sor.u32 $0x7, s24;
	v11 =	vmov s31;
	v12 =	vmov s2;
	s30 =	sor.u32 $0x8, s24;
	s31 =	sor.u32 $0x9, s24  }
0xbb: {  	s2 =	sor.u32 $0xA, s24;
	s28 =	sor.u32 $0xB, s24;
	v13 =	vmov s29;
	v14 =	vmov s30;
	v15 =	vmov s31;
	s29 =	sor.u32 $0xC, s24  }
0xbc: {  	v16 =	vmov s2;
	v18 =	vmov s28;
	s30 =	sor.u32 $0xD, s24;
	s24 =	sor.u32 $0xE, s24;
	s31 =	sshllo.u32 s23, $0x4;
	v19 =	vmov s29  }
0xbd: {  	s25 =	simm.s32 $0x0;
	s26 =	simm.s32 $0x0;
	v20 =	vmov s30;
	v21 =	vmov s24;
	v22 =	vmov s31;
	s24 =	simm.s32 $0x0  }
.LBB2_11:
0xbe: {  	s26 =	sadd.s32 $0x10, s26  }
0xbf: {  	p2 =	sne.s32 s26, $0x400  }
.Ltmp9:
0xc0: {  	_ = 	snop;
	(pc) =	sbr.rel @!p2 .LBB2_12-.Ltmp9, $2  }
0xc1: {  	_ =	sdelay $0x2  }
0xc2: {  	s25 =	sadd.s32 $0x80, s25;
	s24 =	sadd.s32 $0x10, s24  }
.LBB2_9:
0xc3: {  	v23 =	vld [tilespmem:s24+$0x0];
	_ =	sdelay $0x4  }
0xc4: {  	vm0 =	vge.s32 v23, v17;
	vm1 =	vlt.s32 v23, v6  }
0xc5: {  	vm0 =	vmand vm0, vm1  }
0xc6: {  	v24 =	vsel vm0, $0x1, v3  }
0xc7: {  	v24 =	vor.u32 $0x80000000, v24  }
0xc8: {  	(xrf0) =	vmax.scan.msk.u32 $0xffff, v24;
	_ =	sdelay $0x5  }
0xc9: {  	v24, _, _ =	vpop (xrf0)  }
0xca: {  	(v2sf) =	vpush v24, $0xF;
	_ =	sdelay $0xe  }
0xcb: {  	s28 =	spop (v2sf)  }
0xcc: {  	p2 =	slt.u32 s28, $0x80000001  }
.Ltmp10:
0xcd: {  	_ = 	snop;
	(pc) =	sbr.rel @p2 .LBB2_11-.Ltmp10, $1  }
0xce: {  	_ =	sdelay $0x3  }
0xcf: {  	s28 =	sand.u32 $0x70, s26;
	s29 =	sand.u32 $0x1C00, s25  }
0xd0: {  	s28 =	sor.u32 s28, s29  }
0xd1: {  	v24 =	vld [tilespmem:s28+$0xC500]  }
0xd2: {  	v25 =	vld [tilespmem:s28+$0xC580]  }
0xd3: {  	v26 =	vld [tilespmem:s28+$0xC600]  }
0xd4: {  	vm2 =	veq.s32 v23, v17;
	v27 =	vld [tilespmem:s28+$0xC680]  }
0xd5: {  	vm3 =	veq.s32 v23, v7;
	vm8 =	veq.s32 v23, v8;
	vm10 =	veq.s32 v23, v9;
	v37 =	vld [tilespmem:s28+$0xC800]  }
0xd6: {  	vm11 =	veq.s32 v23, v10;
	vm13 =	veq.s32 v23, v11;
	v28 =	vld [tilespmem:s28+$0xC700];
	v29 =	vadd.f32 $-2.239999960e+01, v24  }
0xd7: {  	vm14 =	veq.s32 v23, v12;
	vm1 =	vmand vm2, vm1;
	v31 =	vld [tilespmem:s28+$0xC780];
	v30 =	vadd.f32 $-2.239999960e+01, v25  }
0xd8: {  	vm7 =	vmand vm3, vm0;
	v38 =	vadd.f32 $-2.239999960e+01, v26;
	v24 =	vsel vm1, v29, v24  }
0xd9: {  	vm9 =	vmand vm8, vm0;
	v32 =	vadd.f32 $-2.239999960e+01, v27;
	v25 =	vsel vm7, v30, v25;
	[tilespmem:s28+$0xC500] =	vst v24  }
0xda: {  	vm2 =	vmand vm10, vm0;
	v43 =	vadd.f32 $-2.239999960e+01, v37;
	v40 =	vsel vm9, v38, v26;
	[tilespmem:s28+$0xC580] =	vst v25  }
0xdb: {  	vm15 =	vmand vm14, vm0;
	v39 =	vadd.f32 $-2.239999960e+01, v28;
	v41 =	vsel vm2, v32, v27;
	[tilespmem:s28+$0xC600] =	vst v40  }
0xdc: {  	vm12 =	vmand vm11, vm0;
	v42 =	vadd.f32 $-2.239999960e+01, v31;
	v45 =	vsel vm15, v43, v37;
	[tilespmem:s28+$0xC680] =	vst v41  }
0xdd: {  	vm1 =	vmand vm13, vm0;
	v24 =	vsel vm12, v39, v28;
	[tilespmem:s28+$0xC800] =	vst v45  }
0xde: {  	s31 =	sor.u32 s25, s26;
	v44 =	vsel vm1, v42, v31;
	[tilespmem:s28+$0xC700] =	vst v24  }
0xdf: {  	s29 =	sor.u32 $0x380, s31;
	[tilespmem:s28+$0xC780] =	vst v44  }
0xe0: {  	v24 =	vld [tilespmem:s29+$0xC500];
	_ =	sdelay $0x4  }
0xe1: {  	vm4 =	veq.s32 v23, v13;
	v46 =	vadd.f32 $-2.239999960e+01, v24  }
0xe2: {  	vm1 =	vmand vm4, vm0  }
0xe3: {  	v24 =	vsel vm1, v46, v24  }
0xe4: {  	[tilespmem:s29+$0xC500] =	vst v24  }
0xe5: {  	v24 =	vld [tilespmem:s28+$0xE500]  }
0xe6: {  	v48 =	vld [tilespmem:s28+$0xE600]  }
0xe7: {  	v52 =	vld [tilespmem:s28+$0xE780]  }
0xe8: {  	vm5 =	veq.s32 v23, v14;
	vm6 =	veq.s32 v23, v15;
	v56 =	vld [tilespmem:s28+$0xE880]  }
0xe9: {  	vm8 =	veq.s32 v23, v18;
	vm10 =	veq.s32 v23, v19;
	vm11 =	veq.s32 v23, v20;
	v47 =	vld [tilespmem:s28+$0xE580]  }
0xea: {  	vm14 =	veq.s32 v23, v22;
	vm7 =	veq.s32 v23, v16;
	v50 =	vld [tilespmem:s28+$0xE680];
	v49 =	vadd.f32 $-2.239999960e+01, v24  }
0xeb: {  	vm13 =	veq.s32 v23, v21;
	vm1 =	vmand vm5, vm0;
	v51 =	vld [tilespmem:s28+$0xE700];
	v54 =	vadd.f32 $-2.239999960e+01, v48  }
0xec: {  	vm2 =	vmand vm7, vm0;
	v55 =	vld [tilespmem:s28+$0xE800];
	v59 =	vadd.f32 $-2.239999960e+01, v52;
	v24 =	vsel vm1, v49, v24  }
0xed: {  	vm12 =	vmand vm11, vm0;
	v23 =	vadd.f32 $-2.239999960e+01, v56;
	v26 =	vsel vm2, v54, v48;
	[tilespmem:s28+$0xE500] =	vst v24  }
0xee: {  	vm15 =	vmand vm14, vm0;
	v53 =	vadd.f32 $-2.239999960e+01, v47;
	v61 =	vsel vm12, v59, v52;
	[tilespmem:s28+$0xE600] =	vst v26  }
0xef: {  	v57 =	vadd.f32 $-2.239999960e+01, v50;
	vm1 =	vmand vm6, vm0;
	v23 =	vsel vm15, v23, v56;
	[tilespmem:s28+$0xE780] =	vst v61  }
.Ltmp11:
0xf0: {  	vm9 =	vmand vm8, vm0;
	v58 =	vadd.f32 $-2.239999960e+01, v51;
	v25 =	vsel vm1, v53, v47;
	[tilespmem:s28+$0xE880] =	vst v23;
	(pc) =	sbr.rel .LBB2_11-.Ltmp11, $4  }
0xf1: {  	v62 =	vadd.f32 $-2.239999960e+01, v55;
	vm2 =	vmand vm10, vm0;
	v24 =	vsel vm9, v57, v50;
	[tilespmem:s28+$0xE580] =	vst v25  }
0xf2: {  	v60 =	vsel vm2, v58, v51;
	vm1 =	vmand vm13, vm0;
	[tilespmem:s28+$0xE680] =	vst v24  }
0xf3: {  	[tilespmem:s28+$0xE700] =	vst v60;
	v63 =	vsel vm1, v62, v55  }
0xf4: {  	[tilespmem:s28+$0xE800] =	vst v63  }
.LBB2_12:
0xf5: {  	s23 =	sshll.u32 s23, $0xB  }
0xf6: {  	s23 =	sadd.s32 s4, s23  }
0xf7: {  	[hbm4b:s23+s5] =	stream.linear.scatter [tilespmem:s15], [sflag:$0x4], $0x4000, $0x38;
	[tilespmem:$0x18500] =	vst v63  }
0xf8: {  	s23 =	sadd.s32 $0x3, s22  }
0xf9: {  	p2 =	sge.s32 s23, s7  }
0xfa: {  	s23 =	sadd.s32 @!p2 s6, s23  }
0xfb: {  	s23 =	sshll.u32 @!p2 s23, $0xB  }
0xfc: {  	s24 =	simm.s32 @!p2 $0x0;
	s25 =	simm.s32 @!p2 $0x500;
	s23 =	sadd.s32 @!p2 s1, s23  }
0xfd: {  	[tilespmem:s25], [sflag:$0x1] =	stream.linear.gather @!p2 [hbm4b:s23+s24], $0x4000, $0x38;
	[tilespmem:$0x18500] =	vst v63  }
.LBB2_13:
0xfe: {  	s23 =	sadd.s32 $0x1, s22  }
0xff: {  	p2 =	sge.s32 s23, s7  }
.Ltmp12:
0x100: {  	_ = 	snop;
	(pc) =	sbr.rel @p2 .LBB2_22-.Ltmp12, $1  }
0x101: {  	_ =	sdelay $0x3  }
0x102: {  	s24 =	simm.s32 @!p6 $0x5  }
0x103: {  	_ =	swait.ge @!p6 [sflag:s24], $0x4000  }
0x104: {  	[sflag:s24] =	ssyncset.done @!p6 $0x0  }
0x105: {  	[sflag:s24] =	ssyncadd.s32 @!p6 $0xFFFFC000  }
0x106: {  	s26 =	simm.s32 $0x0;
	_ =	swait.ge [sflag:s16], $0x4000  }
0x107: {  	s31 =	sand.u32 $0x70, s26;
	s25 =	sand.u32 $0x1C00, s26;
	[sflag:s16] =	ssyncset.done $0x0  }
0x108: {  	s24 =	sor.u32 s31, s25;
	[sflag:s16] =	ssyncadd.s32 $0xFFFFC000  }
0x109: {  	v9 =	vld [tilespmem:s24+$0x4800]  }
0x10a: {  	v6 =	vld [tilespmem:s24+$0x4780]  }
0x10b: {  	v7 =	vld [tilespmem:s24+$0x4700]  }
0x10c: {  	s28 =	simm.s32 $0x10;
	s25 =	sor.u32 s26, s26;
	v8 =	vld [tilespmem:s24+$0x4680]  }
.LBB2_15:
0x10d: {  	p2 =	sne.s32 s28, $0x3F0  }
0x10e: {  	v10 =	vld [tilespmem:s24+$0x4600];
	s26 =	sadd.s32 $0x80, s26;
	s30 =	smov.u32 s28;
	s28 =	sadd.s32 $0x10, s28  }
0x10f: {  	s29 =	sor.u32 s30, s26;
	v11 =	vld [tilespmem:s24+$0x4580];
	v9 =	vmul.f32 $6.400000000e+01, v9  }
0x110: {  	v12 =	vld [tilespmem:s24+$0x4500];
	v6 =	vmul.f32 $6.400000000e+01, v6  }
0x111: {  	v7 =	vmul.f32 $6.400000000e+01, v7;
	[tilespmem:s24+$0x10800] =	vst v9  }
0x112: {  	v8 =	vmul.f32 $6.400000000e+01, v8;
	[tilespmem:s24+$0x10780] =	vst v6  }
0x113: {  	v6 =	vmul.f32 $6.400000000e+01, v10;
	[tilespmem:s24+$0x10700] =	vst v7  }
0x114: {  	v7 =	vmul.f32 $6.400000000e+01, v11;
	[tilespmem:s24+$0x10680] =	vst v8  }
0x115: {  	v8 =	vmul.f32 $6.400000000e+01, v12;
	[tilespmem:s24+$0x10600] =	vst v6  }
0x116: {  	[tilespmem:s24+$0x10580] =	vst v7  }
0x117: {  	s31 =	sor.u32 $0x380, s25;
	[tilespmem:s24+$0x10500] =	vst v8  }
0x118: {  	v6 =	vld [tilespmem:s31+$0x4500]  }
0x119: {  	s30 =	sand.u32 $0x70, s30;
	s2 =	sand.u32 $0x1C00, s26  }
0x11a: {  	s2 =	sor.u32 s30, s2;
	_ =	sdelay $0x2  }
0x11b: {  	v6 =	vmul.f32 $6.400000000e+01, v6;
	_ =	sdelay $0x1  }
0x11c: {  	[tilespmem:s31+$0x10500] =	vst v6  }
0x11d: {  	v6 =	vld [tilespmem:s24+$0x6800]  }
0x11e: {  	v7 =	vld [tilespmem:s24+$0x6600]  }
0x11f: {  	v8 =	vld [tilespmem:s24+$0x6680]  }
0x120: {  	v9 =	vld [tilespmem:s24+$0x6780]  }
0x121: {  	v10 =	vld [tilespmem:s24+$0x6580]  }
0x122: {  	v11 =	vld [tilespmem:s24+$0x6700];
	v6 =	vmul.f32 $6.400000000e+01, v6  }
0x123: {  	v12 =	vld [tilespmem:s24+$0x6500];
	v7 =	vmul.f32 $6.400000000e+01, v7  }
0x124: {  	v8 =	vmul.f32 $6.400000000e+01, v8;
	[tilespmem:s24+$0x12800] =	vst v6  }
0x125: {  	[tilespmem:s24+$0x12600] =	vst v7;
	v6 =	vmul.f32 $6.400000000e+01, v9  }
0x126: {  	v7 =	vmul.f32 $6.400000000e+01, v10;
	[tilespmem:s24+$0x12680] =	vst v8  }
0x127: {  	v8 =	vmul.f32 $6.400000000e+01, v11;
	[tilespmem:s24+$0x12780] =	vst v6  }
0x128: {  	v6 =	vmul.f32 $6.400000000e+01, v12;
	[tilespmem:s24+$0x12580] =	vst v7  }
0x129: {  	[tilespmem:s24+$0x12700] =	vst v8  }
0x12a: {  	s30 =	sor.u32 $0x2380, s25;
	s25 =	smov.u32 s29;
	[tilespmem:s24+$0x12500] =	vst v6;
	s24 =	smov.u32 s2  }
0x12b: {  	v6 =	vld [tilespmem:s30+$0x4500];
	_ =	sdelay $0x4  }
0x12c: {  	v6 =	vmul.f32 $6.400000000e+01, v6;
	_ =	sdelay $0x1  }
.Ltmp13:
0x12d: {  	[tilespmem:s30+$0x10500] =	vst v6;
	(pc) =	sbr.rel @p2 .LBB2_15-.Ltmp13, $4  }
0x12e: {  	v9 =	vld [tilespmem:s24+$0x4800]  }
0x12f: {  	v6 =	vld [tilespmem:s24+$0x4780]  }
0x130: {  	v7 =	vld [tilespmem:s24+$0x4700]  }
0x131: {  	v8 =	vld [tilespmem:s24+$0x4680]  }
0x132: {  	v10 =	vld [tilespmem:s24+$0x4600]  }
0x133: {  	v11 =	vld [tilespmem:s24+$0x4580];
	v9 =	vmul.f32 $6.400000000e+01, v9  }
0x134: {  	v12 =	vld [tilespmem:s24+$0x4500];
	v6 =	vmul.f32 $6.400000000e+01, v6  }
0x135: {  	v7 =	vmul.f32 $6.400000000e+01, v7;
	[tilespmem:s24+$0x10800] =	vst v9  }
0x136: {  	v8 =	vmul.f32 $6.400000000e+01, v8;
	[tilespmem:s24+$0x10780] =	vst v6  }
0x137: {  	v6 =	vmul.f32 $6.400000000e+01, v10;
	[tilespmem:s24+$0x10700] =	vst v7  }
0x138: {  	v7 =	vmul.f32 $6.400000000e+01, v11;
	[tilespmem:s24+$0x10680] =	vst v8  }
0x139: {  	v57 =	vmul.f32 $6.400000000e+01, v12;
	[tilespmem:s24+$0x10600] =	vst v6  }
0x13a: {  	[tilespmem:s24+$0x10580] =	vst v7  }
0x13b: {  	s2 =	sor.u32 $0x380, s25;
	[tilespmem:s24+$0x10500] =	vst v57  }
0x13c: {  	v6 =	vld [tilespmem:s2+$0x4500];
	_ =	sdelay $0x4  }
0x13d: {  	v6 =	vmul.f32 $6.400000000e+01, v6;
	_ =	sdelay $0x1  }
0x13e: {  	[tilespmem:s2+$0x10500] =	vst v6  }
0x13f: {  	v6 =	vld [tilespmem:s24+$0x6800]  }
0x140: {  	v7 =	vld [tilespmem:s24+$0x6600]  }
0x141: {  	v58 =	vld [tilespmem:s24+$0x6680]  }
0x142: {  	v61 =	vld [tilespmem:s24+$0x6700]  }
0x143: {  	v59 =	vld [tilespmem:s24+$0x6780]  }
0x144: {  	v60 =	vld [tilespmem:s24+$0x6580];
	v6 =	vmul.f32 $6.400000000e+01, v6  }
0x145: {  	v62 =	vld [tilespmem:s24+$0x6500];
	v7 =	vmul.f32 $6.400000000e+01, v7  }
0x146: {  	v8 =	vmul.f32 $6.400000000e+01, v58;
	[tilespmem:s24+$0x12800] =	vst v6  }
0x147: {  	v63 =	vmul.f32 $6.400000000e+01, v61;
	[tilespmem:s24+$0x12600] =	vst v7  }
0x148: {  	v6 =	vmul.f32 $6.400000000e+01, v59;
	[tilespmem:s24+$0x12680] =	vst v8  }
0x149: {  	v7 =	vmul.f32 $6.400000000e+01, v60;
	[tilespmem:s24+$0x12700] =	vst v63  }
0x14a: {  	[tilespmem:s24+$0x12780] =	vst v6;
	v6 =	vmul.f32 $6.400000000e+01, v62  }
0x14b: {  	[tilespmem:s24+$0x12580] =	vst v7  }
0x14c: {  	s28 =	sor.u32 $0x2380, s25;
	[tilespmem:s24+$0x12500] =	vst v6  }
0x14d: {  	v6 =	vld [tilespmem:s28+$0x4500];
	_ =	sdelay $0x4  }
0x14e: {  	v6 =	vmul.f32 $6.400000000e+01, v6;
	_ =	sdelay $0x1  }
0x14f: {  	s29 =	sand.u32 $0x3F0, s23;
	[tilespmem:s28+$0x10500] =	vst v6  }
0x150: {  	v6 =	vld [tilespmem:s29+$0x400];
	_ =	sdelay $0x2  }
0x151: {  	s30 =	sand.u32 $0xF, s23  }
0x152: {  	v7 =	vmov s30  }
0x153: {  	vm0 =	veq.s32 v7, v5;
	v6 =	vxor.u32 $0x80000000, v6  }
0x154: {  	v6 =	vnsel vm0, $0x80000000, v6  }
0x155: {  	(xrf0) =	vmax.scan.msk.u32 $0xffff, v6;
	_ =	sdelay $0x5  }
0x156: {  	v6, _, _ =	vpop (xrf0)  }
0x157: {  	(v2sf) =	vpush v6, $0xF;
	_ =	sdelay $0xe  }
0x158: {  	s31 =	spop (v2sf)  }
0x159: {  	p2 =	slt.u32 s31, $0x80000001  }
.Ltmp14:
0x15a: {  	_ = 	snop;
	(pc) =	sbr.rel @p2 .LBB2_21-.Ltmp14, $2  }
0x15b: {  	_ =	sdelay $0x2  }
0x15c: {  	s23 =	sadd.s32 s6, s23  }
0x15d: {  	s2 =	sshll.u32 s23, $0x4  }
0x15e: {  	s24 =	sadd.s32 $0x10, s2;
	s25 =	sor.u32 $0x1, s2  }
0x15f: {  	s30 =	sor.u32 $0x2, s2;
	s31 =	sor.u32 $0x3, s2;
	s26 =	sor.u32 $0x4, s2;
	v17 =	vmov s2;
	v6 =	vmov s24  }
.Ltmp15:
0x160: {  	s28 =	sor.u32 $0x7, s2;
	s29 =	sor.u32 $0x8, s2;
	v7 =	vmov s25;
	v8 =	vmov s30;
	v9 =	vmov s31;
	(pc) =	sbr.rel .LBB2_18-.Ltmp15, $4  }
0x161: {  	v10 =	vmov s26;
	s25 =	sor.u32 $0x5, s2;
	s26 =	sor.u32 $0x6, s2;
	v13 =	vmov s28;
	s30 =	sor.u32 $0x9, s2;
	v14 =	vmov s29  }
0x162: {  	s31 =	sor.u32 $0xA, s2;
	s28 =	sor.u32 $0xB, s2;
	s29 =	sor.u32 $0xC, s2;
	v11 =	vmov s25;
	v12 =	vmov s26;
	v15 =	vmov s30  }
0x163: {  	v16 =	vmov s31;
	v18 =	vmov s28;
	v19 =	vmov s29;
	s30 =	sor.u32 $0xD, s2;
	s2 =	sor.u32 $0xE, s2;
	s31 =	sshllo.u32 s23, $0x4  }
0x164: {  	s24 =	simm.s32 $0x0;
	s25 =	simm.s32 $0x0;
	s26 =	simm.s32 $0x0;
	v20 =	vmov s30;
	v21 =	vmov s2;
	v22 =	vmov s31  }
.LBB2_20:
0x165: {  	s26 =	sadd.s32 $0x10, s26  }
0x166: {  	p2 =	sne.s32 s26, $0x400  }
.Ltmp16:
0x167: {  	_ = 	snop;
	(pc) =	sbr.rel @!p2 .LBB2_21-.Ltmp16, $2  }
0x168: {  	_ =	sdelay $0x2  }
0x169: {  	s25 =	sadd.s32 $0x80, s25;
	s24 =	sadd.s32 $0x10, s24  }
.LBB2_18:
0x16a: {  	v23 =	vld [tilespmem:s24+$0x0];
	_ =	sdelay $0x4  }
0x16b: {  	vm0 =	vge.s32 v23, v17;
	vm1 =	vlt.s32 v23, v6  }
0x16c: {  	vm0 =	vmand vm0, vm1  }
0x16d: {  	v24 =	vsel vm0, $0x1, v3  }
0x16e: {  	v24 =	vor.u32 $0x80000000, v24  }
0x16f: {  	(xrf0) =	vmax.scan.msk.u32 $0xffff, v24;
	_ =	sdelay $0x5  }
0x170: {  	v24, _, _ =	vpop (xrf0)  }
0x171: {  	(v2sf) =	vpush v24, $0xF;
	_ =	sdelay $0xe  }
0x172: {  	s2 =	spop (v2sf)  }
0x173: {  	p2 =	slt.u32 s2, $0x80000001  }
.Ltmp17:
0x174: {  	_ = 	snop;
	(pc) =	sbr.rel @p2 .LBB2_20-.Ltmp17, $1  }
0x175: {  	_ =	sdelay $0x3  }
0x176: {  	s2 =	sand.u32 $0x70, s26;
	s28 =	sand.u32 $0x1C00, s25  }
0x177: {  	s28 =	sor.u32 s2, s28  }
0x178: {  	s2 =	sadd.s32 $0x10500, s28;
	v32 =	vld [tilespmem:s28+$0x10500]  }
0x179: {  	v24 =	vld [tilespmem:s2+$0x80]  }
0x17a: {  	v25 =	vld [tilespmem:s2+$0x100]  }
0x17b: {  	vm2 =	veq.s32 v23, v7;
	v26 =	vld [tilespmem:s2+$0x180]  }
0x17c: {  	vm3 =	veq.s32 v23, v8;
	vm4 =	veq.s32 v23, v9;
	vm11 =	veq.s32 v23, v10;
	v27 =	vld [tilespmem:s2+$0x200]  }
0x17d: {  	vm12 =	veq.s32 v23, v11;
	vm15 =	veq.s32 v23, v17;
	v28 =	vld [tilespmem:s2+$0x280];
	v43 =	vadd.f32 $-2.239999960e+01, v32  }
0x17e: {  	vm14 =	veq.s32 v23, v12;
	vm1 =	vmand vm15, vm1;
	v31 =	vld [tilespmem:s2+$0x300];
	v29 =	vadd.f32 $-2.239999960e+01, v24  }
0x17f: {  	vm2 =	vmand vm2, vm0;
	v30 =	vadd.f32 $-2.239999960e+01, v25;
	v45 =	vsel vm1, v43, v32  }
0x180: {  	vm3 =	vmand vm3, vm0;
	v38 =	vadd.f32 $-2.239999960e+01, v26;
	v24 =	vsel vm2, v29, v24;
	[tilespmem:s28+$0x10500] =	vst v45  }
0x181: {  	vm10 =	vmand vm4, vm0;
	v39 =	vadd.f32 $-2.239999960e+01, v27;
	v25 =	vsel vm3, v30, v25;
	[tilespmem:s2+$0x80] =	vst v24  }
0x182: {  	v40 =	vadd.f32 $-2.239999960e+01, v28;
	vm3 =	vmand vm11, vm0;
	v26 =	vsel vm10, v38, v26;
	[tilespmem:s2+$0x100] =	vst v25  }
0x183: {  	vm13 =	vmand vm12, vm0;
	v42 =	vadd.f32 $-2.239999960e+01, v31;
	v41 =	vsel vm3, v39, v27;
	[tilespmem:s2+$0x180] =	vst v26  }
0x184: {  	vm2 =	vmand vm14, vm0;
	v24 =	vsel vm13, v40, v28;
	[tilespmem:s2+$0x200] =	vst v41  }
0x185: {  	s31 =	sor.u32 s25, s26;
	v44 =	vsel vm2, v42, v31;
	[tilespmem:s2+$0x280] =	vst v24  }
0x186: {  	[tilespmem:s2+$0x300] =	vst v44;
	s2 =	sor.u32 $0x380, s31  }
0x187: {  	v24 =	vld [tilespmem:s2+$0x10500];
	_ =	sdelay $0x4  }
0x188: {  	vm4 =	veq.s32 v23, v13;
	v46 =	vadd.f32 $-2.239999960e+01, v24  }
0x189: {  	vm1 =	vmand vm4, vm0  }
0x18a: {  	v24 =	vsel vm1, v46, v24  }
0x18b: {  	[tilespmem:s2+$0x10500] =	vst v24  }
0x18c: {  	v24 =	vld [tilespmem:s28+$0x12500]  }
0x18d: {  	v48 =	vld [tilespmem:s28+$0x12600]  }
0x18e: {  	v52 =	vld [tilespmem:s28+$0x12780]  }
0x18f: {  	vm5 =	veq.s32 v23, v14;
	vm6 =	veq.s32 v23, v15;
	v56 =	vld [tilespmem:s28+$0x12880]  }
0x190: {  	vm7 =	veq.s32 v23, v16;
	vm8 =	veq.s32 v23, v18;
	vm10 =	veq.s32 v23, v19;
	v47 =	vld [tilespmem:s28+$0x12580]  }
0x191: {  	vm11 =	veq.s32 v23, v20;
	vm14 =	veq.s32 v23, v22;
	v50 =	vld [tilespmem:s28+$0x12680];
	v49 =	vadd.f32 $-2.239999960e+01, v24  }
0x192: {  	vm2 =	vmand vm7, vm0;
	vm1 =	vmand vm5, vm0;
	v51 =	vld [tilespmem:s28+$0x12700];
	v54 =	vadd.f32 $-2.239999960e+01, v48  }
0x193: {  	vm12 =	vmand vm11, vm0;
	v55 =	vld [tilespmem:s28+$0x12800];
	v59 =	vadd.f32 $-2.239999960e+01, v52;
	v24 =	vsel vm1, v49, v24  }
0x194: {  	vm13 =	veq.s32 v23, v21;
	v23 =	vadd.f32 $-2.239999960e+01, v56;
	v26 =	vsel vm2, v54, v48;
	[tilespmem:s28+$0x12500] =	vst v24  }
0x195: {  	vm15 =	vmand vm14, vm0;
	v53 =	vadd.f32 $-2.239999960e+01, v47;
	v61 =	vsel vm12, v59, v52;
	[tilespmem:s28+$0x12600] =	vst v26  }
0x196: {  	v57 =	vadd.f32 $-2.239999960e+01, v50;
	vm1 =	vmand vm6, vm0;
	v23 =	vsel vm15, v23, v56;
	[tilespmem:s28+$0x12780] =	vst v61  }
.Ltmp18:
0x197: {  	vm9 =	vmand vm8, vm0;
	v58 =	vadd.f32 $-2.239999960e+01, v51;
	v25 =	vsel vm1, v53, v47;
	[tilespmem:s28+$0x12880] =	vst v23;
	(pc) =	sbr.rel .LBB2_20-.Ltmp18, $4  }
0x198: {  	v62 =	vadd.f32 $-2.239999960e+01, v55;
	vm2 =	vmand vm10, vm0;
	v24 =	vsel vm9, v57, v50;
	[tilespmem:s28+$0x12580] =	vst v25  }
0x199: {  	v60 =	vsel vm2, v58, v51;
	vm1 =	vmand vm13, vm0;
	[tilespmem:s28+$0x12680] =	vst v24  }
0x19a: {  	[tilespmem:s28+$0x12700] =	vst v60;
	v63 =	vsel vm1, v62, v55  }
0x19b: {  	[tilespmem:s28+$0x12800] =	vst v63  }
.LBB2_21:
0x19c: {  	s2 =	sshll.u32 s23, $0xB  }
0x19d: {  	s2 =	sadd.s32 s4, s2  }
0x19e: {  	[hbm4b:s2+s5] =	stream.linear.scatter [tilespmem:s17], [sflag:$0x5], $0x4000, $0x38;
	[tilespmem:$0x18500] =	vst v63  }
0x19f: {  	s2 =	sadd.s32 $0x4, s22  }
0x1a0: {  	p2 =	sge.s32 s2, s7  }
0x1a1: {  	s2 =	sadd.s32 @!p2 s6, s2  }
0x1a2: {  	s2 =	sshll.u32 @!p2 s2, $0xB  }
0x1a3: {  	s23 =	simm.s32 @!p2 $0x0;
	s24 =	simm.s32 @!p2 $0x4500;
	s2 =	sadd.s32 @!p2 s1, s2  }
0x1a4: {  	[tilespmem:s24], [sflag:$0x2] =	stream.linear.gather @!p2 [hbm4b:s2+s23], $0x4000, $0x38;
	[tilespmem:$0x18500] =	vst v63  }
.LBB2_22:
0x1a5: {  	s23 =	sadd.s32 $0x2, s22  }
0x1a6: {  	p2 =	sge.s32 s23, s7  }
.Ltmp19:
0x1a7: {  	_ = 	snop;
	(pc) =	sbr.rel @p2 .LBB2_31-.Ltmp19, $1  }
0x1a8: {  	_ =	sdelay $0x3  }
0x1a9: {  	s2 =	simm.s32 @!p6 $0x6  }
0x1aa: {  	_ =	swait.ge @!p6 [sflag:s2], $0x4000  }
0x1ab: {  	[sflag:s2] =	ssyncset.done @!p6 $0x0  }
0x1ac: {  	[sflag:s2] =	ssyncadd.s32 @!p6 $0xFFFFC000  }
0x1ad: {  	s26 =	simm.s32 $0x0;
	_ =	swait.ge [sflag:s18], $0x4000  }
0x1ae: {  	s31 =	sand.u32 $0x70, s26;
	s24 =	sand.u32 $0x1C00, s26;
	[sflag:s18] =	ssyncset.done $0x0  }
0x1af: {  	s24 =	sor.u32 s31, s24;
	[sflag:s18] =	ssyncadd.s32 $0xFFFFC000  }
0x1b0: {  	v9 =	vld [tilespmem:s24+$0x8800]  }
0x1b1: {  	v6 =	vld [tilespmem:s24+$0x8780]  }
0x1b2: {  	v7 =	vld [tilespmem:s24+$0x8700]  }
0x1b3: {  	s28 =	simm.s32 $0x10;
	s25 =	sor.u32 s26, s26;
	v8 =	vld [tilespmem:s24+$0x8680]  }
.LBB2_24:
0x1b4: {  	p2 =	sne.s32 s28, $0x3F0  }
0x1b5: {  	v10 =	vld [tilespmem:s24+$0x8600];
	s26 =	sadd.s32 $0x80, s26;
	s2 =	smov.u32 s28;
	s28 =	sadd.s32 $0x10, s28  }
0x1b6: {  	s29 =	sor.u32 s2, s26;
	v11 =	vld [tilespmem:s24+$0x8580];
	v9 =	vmul.f32 $6.400000000e+01, v9  }
0x1b7: {  	v12 =	vld [tilespmem:s24+$0x8500];
	v6 =	vmul.f32 $6.400000000e+01, v6  }
0x1b8: {  	v7 =	vmul.f32 $6.400000000e+01, v7;
	[tilespmem:s24+$0x14800] =	vst v9  }
0x1b9: {  	v8 =	vmul.f32 $6.400000000e+01, v8;
	[tilespmem:s24+$0x14780] =	vst v6  }
0x1ba: {  	v6 =	vmul.f32 $6.400000000e+01, v10;
	[tilespmem:s24+$0x14700] =	vst v7  }
0x1bb: {  	v7 =	vmul.f32 $6.400000000e+01, v11;
	[tilespmem:s24+$0x14680] =	vst v8  }
0x1bc: {  	v8 =	vmul.f32 $6.400000000e+01, v12;
	[tilespmem:s24+$0x14600] =	vst v6  }
0x1bd: {  	[tilespmem:s24+$0x14580] =	vst v7  }
0x1be: {  	s30 =	sor.u32 $0x380, s25;
	[tilespmem:s24+$0x14500] =	vst v8  }
0x1bf: {  	v6 =	vld [tilespmem:s30+$0x8500]  }
0x1c0: {  	s2 =	sand.u32 $0x70, s2;
	s31 =	sand.u32 $0x1C00, s26  }
0x1c1: {  	s2 =	sor.u32 s2, s31;
	_ =	sdelay $0x2  }
0x1c2: {  	v6 =	vmul.f32 $6.400000000e+01, v6;
	_ =	sdelay $0x1  }
0x1c3: {  	[tilespmem:s30+$0x14500] =	vst v6  }
0x1c4: {  	v6 =	vld [tilespmem:s24+$0xA800]  }
0x1c5: {  	v7 =	vld [tilespmem:s24+$0xA600]  }
0x1c6: {  	v8 =	vld [tilespmem:s24+$0xA680]  }
0x1c7: {  	v9 =	vld [tilespmem:s24+$0xA780]  }
0x1c8: {  	v10 =	vld [tilespmem:s24+$0xA580]  }
0x1c9: {  	v11 =	vld [tilespmem:s24+$0xA700];
	v6 =	vmul.f32 $6.400000000e+01, v6  }
0x1ca: {  	v12 =	vld [tilespmem:s24+$0xA500];
	v7 =	vmul.f32 $6.400000000e+01, v7  }
0x1cb: {  	v8 =	vmul.f32 $6.400000000e+01, v8;
	[tilespmem:s24+$0x16800] =	vst v6  }
0x1cc: {  	[tilespmem:s24+$0x16600] =	vst v7;
	v6 =	vmul.f32 $6.400000000e+01, v9  }
0x1cd: {  	v7 =	vmul.f32 $6.400000000e+01, v10;
	[tilespmem:s24+$0x16680] =	vst v8  }
0x1ce: {  	v8 =	vmul.f32 $6.400000000e+01, v11;
	[tilespmem:s24+$0x16780] =	vst v6  }
0x1cf: {  	v6 =	vmul.f32 $6.400000000e+01, v12;
	[tilespmem:s24+$0x16580] =	vst v7  }
0x1d0: {  	[tilespmem:s24+$0x16700] =	vst v8  }
0x1d1: {  	s30 =	sor.u32 $0x2380, s25;
	s25 =	smov.u32 s29;
	[tilespmem:s24+$0x16500] =	vst v6;
	s24 =	smov.u32 s2  }
0x1d2: {  	v6 =	vld [tilespmem:s30+$0x8500];
	_ =	sdelay $0x4  }
0x1d3: {  	v6 =	vmul.f32 $6.400000000e+01, v6;
	_ =	sdelay $0x1  }
.Ltmp20:
0x1d4: {  	[tilespmem:s30+$0x14500] =	vst v6;
	(pc) =	sbr.rel @p2 .LBB2_24-.Ltmp20, $4  }
0x1d5: {  	v9 =	vld [tilespmem:s24+$0x8800]  }
0x1d6: {  	v6 =	vld [tilespmem:s24+$0x8780]  }
0x1d7: {  	v7 =	vld [tilespmem:s24+$0x8700]  }
0x1d8: {  	v8 =	vld [tilespmem:s24+$0x8680]  }
0x1d9: {  	v10 =	vld [tilespmem:s24+$0x8600]  }
0x1da: {  	v11 =	vld [tilespmem:s24+$0x8580];
	v9 =	vmul.f32 $6.400000000e+01, v9  }
0x1db: {  	v12 =	vld [tilespmem:s24+$0x8500];
	v6 =	vmul.f32 $6.400000000e+01, v6  }
0x1dc: {  	v7 =	vmul.f32 $6.400000000e+01, v7;
	[tilespmem:s24+$0x14800] =	vst v9  }
0x1dd: {  	v8 =	vmul.f32 $6.400000000e+01, v8;
	[tilespmem:s24+$0x14780] =	vst v6  }
0x1de: {  	v6 =	vmul.f32 $6.400000000e+01, v10;
	[tilespmem:s24+$0x14700] =	vst v7  }
0x1df: {  	v7 =	vmul.f32 $6.400000000e+01, v11;
	[tilespmem:s24+$0x14680] =	vst v8  }
0x1e0: {  	v57 =	vmul.f32 $6.400000000e+01, v12;
	[tilespmem:s24+$0x14600] =	vst v6  }
0x1e1: {  	[tilespmem:s24+$0x14580] =	vst v7  }
0x1e2: {  	s2 =	sor.u32 $0x380, s25;
	[tilespmem:s24+$0x14500] =	vst v57  }
0x1e3: {  	v6 =	vld [tilespmem:s2+$0x8500];
	_ =	sdelay $0x4  }
0x1e4: {  	v6 =	vmul.f32 $6.400000000e+01, v6;
	_ =	sdelay $0x1  }
0x1e5: {  	[tilespmem:s2+$0x14500] =	vst v6  }
0x1e6: {  	v6 =	vld [tilespmem:s24+$0xA800]  }
0x1e7: {  	v7 =	vld [tilespmem:s24+$0xA600]  }
0x1e8: {  	v58 =	vld [tilespmem:s24+$0xA680]  }
0x1e9: {  	v61 =	vld [tilespmem:s24+$0xA700]  }
0x1ea: {  	v59 =	vld [tilespmem:s24+$0xA780]  }
0x1eb: {  	v60 =	vld [tilespmem:s24+$0xA580];
	v6 =	vmul.f32 $6.400000000e+01, v6  }
0x1ec: {  	v62 =	vld [tilespmem:s24+$0xA500];
	v7 =	vmul.f32 $6.400000000e+01, v7  }
0x1ed: {  	v8 =	vmul.f32 $6.400000000e+01, v58;
	[tilespmem:s24+$0x16800] =	vst v6  }
0x1ee: {  	v63 =	vmul.f32 $6.400000000e+01, v61;
	[tilespmem:s24+$0x16600] =	vst v7  }
0x1ef: {  	v6 =	vmul.f32 $6.400000000e+01, v59;
	[tilespmem:s24+$0x16680] =	vst v8  }
0x1f0: {  	v7 =	vmul.f32 $6.400000000e+01, v60;
	[tilespmem:s24+$0x16700] =	vst v63  }
0x1f1: {  	[tilespmem:s24+$0x16780] =	vst v6;
	v6 =	vmul.f32 $6.400000000e+01, v62  }
0x1f2: {  	[tilespmem:s24+$0x16580] =	vst v7  }
0x1f3: {  	s28 =	sor.u32 $0x2380, s25;
	[tilespmem:s24+$0x16500] =	vst v6  }
0x1f4: {  	v6 =	vld [tilespmem:s28+$0x8500];
	_ =	sdelay $0x4  }
0x1f5: {  	v6 =	vmul.f32 $6.400000000e+01, v6;
	_ =	sdelay $0x1  }
0x1f6: {  	s29 =	sand.u32 $0x3F0, s23;
	[tilespmem:s28+$0x14500] =	vst v6  }
0x1f7: {  	v6 =	vld [tilespmem:s29+$0x400];
	_ =	sdelay $0x2  }
0x1f8: {  	s30 =	sand.u32 $0xF, s23  }
0x1f9: {  	v7 =	vmov s30  }
0x1fa: {  	vm0 =	veq.s32 v7, v5;
	v6 =	vxor.u32 $0x80000000, v6  }
0x1fb: {  	v6 =	vnsel vm0, $0x80000000, v6  }
0x1fc: {  	(xrf0) =	vmax.scan.msk.u32 $0xffff, v6;
	_ =	sdelay $0x5  }
0x1fd: {  	v6, _, _ =	vpop (xrf0)  }
0x1fe: {  	(v2sf) =	vpush v6, $0xF;
	_ =	sdelay $0xe  }
0x1ff: {  	s31 =	spop (v2sf)  }
0x200: {  	p2 =	slt.u32 s31, $0x80000001  }
.Ltmp21:
0x201: {  	_ = 	snop;
	(pc) =	sbr.rel @p2 .LBB2_30-.Ltmp21, $2  }
0x202: {  	_ =	sdelay $0x2  }
0x203: {  	s23 =	sadd.s32 s6, s23  }
0x204: {  	s2 =	sshll.u32 s23, $0x4  }
0x205: {  	s24 =	sadd.s32 $0x10, s2;
	s25 =	sor.u32 $0x1, s2  }
0x206: {  	s30 =	sor.u32 $0x2, s2;
	s31 =	sor.u32 $0x3, s2;
	s26 =	sor.u32 $0x4, s2;
	v17 =	vmov s2;
	v6 =	vmov s24  }
.Ltmp22:
0x207: {  	s28 =	sor.u32 $0x7, s2;
	s29 =	sor.u32 $0x8, s2;
	v7 =	vmov s25;
	v8 =	vmov s30;
	v9 =	vmov s31;
	(pc) =	sbr.rel .LBB2_27-.Ltmp22, $4  }
0x208: {  	v10 =	vmov s26;
	s25 =	sor.u32 $0x5, s2;
	s26 =	sor.u32 $0x6, s2;
	v13 =	vmov s28;
	s30 =	sor.u32 $0x9, s2;
	v14 =	vmov s29  }
0x209: {  	s31 =	sor.u32 $0xA, s2;
	s28 =	sor.u32 $0xB, s2;
	s29 =	sor.u32 $0xC, s2;
	v11 =	vmov s25;
	v12 =	vmov s26;
	v15 =	vmov s30  }
0x20a: {  	v16 =	vmov s31;
	v18 =	vmov s28;
	v19 =	vmov s29;
	s30 =	sor.u32 $0xD, s2;
	s2 =	sor.u32 $0xE, s2;
	s31 =	sshllo.u32 s23, $0x4  }
0x20b: {  	s24 =	simm.s32 $0x0;
	s25 =	simm.s32 $0x0;
	s26 =	simm.s32 $0x0;
	v20 =	vmov s30;
	v21 =	vmov s2;
	v22 =	vmov s31  }
.LBB2_29:
0x20c: {  	s26 =	sadd.s32 $0x10, s26  }
0x20d: {  	p2 =	sne.s32 s26, $0x400  }
.Ltmp23:
0x20e: {  	_ = 	snop;
	(pc) =	sbr.rel @!p2 .LBB2_30-.Ltmp23, $2  }
0x20f: {  	_ =	sdelay $0x2  }
0x210: {  	s25 =	sadd.s32 $0x80, s25;
	s24 =	sadd.s32 $0x10, s24  }
.LBB2_27:
0x211: {  	v23 =	vld [tilespmem:s24+$0x0];
	_ =	sdelay $0x4  }
0x212: {  	vm0 =	vge.s32 v23, v17;
	vm1 =	vlt.s32 v23, v6  }
0x213: {  	vm0 =	vmand vm0, vm1  }
0x214: {  	v24 =	vsel vm0, $0x1, v3  }
0x215: {  	v24 =	vor.u32 $0x80000000, v24  }
0x216: {  	(xrf0) =	vmax.scan.msk.u32 $0xffff, v24;
	_ =	sdelay $0x5  }
0x217: {  	v24, _, _ =	vpop (xrf0)  }
0x218: {  	(v2sf) =	vpush v24, $0xF;
	_ =	sdelay $0xe  }
0x219: {  	s2 =	spop (v2sf)  }
0x21a: {  	p2 =	slt.u32 s2, $0x80000001  }
.Ltmp24:
0x21b: {  	_ = 	snop;
	(pc) =	sbr.rel @p2 .LBB2_29-.Ltmp24, $1  }
0x21c: {  	_ =	sdelay $0x3  }
0x21d: {  	s2 =	sand.u32 $0x70, s26;
	s28 =	sand.u32 $0x1C00, s25  }
0x21e: {  	s28 =	sor.u32 s2, s28  }
0x21f: {  	s2 =	sadd.s32 $0x14500, s28;
	v32 =	vld [tilespmem:s28+$0x14500]  }
0x220: {  	v24 =	vld [tilespmem:s2+$0x80]  }
0x221: {  	v25 =	vld [tilespmem:s2+$0x100]  }
0x222: {  	vm2 =	veq.s32 v23, v7;
	v26 =	vld [tilespmem:s2+$0x180]  }
0x223: {  	vm3 =	veq.s32 v23, v8;
	vm4 =	veq.s32 v23, v9;
	vm11 =	veq.s32 v23, v10;
	v27 =	vld [tilespmem:s2+$0x200]  }
0x224: {  	vm12 =	veq.s32 v23, v11;
	vm15 =	veq.s32 v23, v17;
	v28 =	vld [tilespmem:s2+$0x280];
	v43 =	vadd.f32 $-2.239999960e+01, v32  }
0x225: {  	vm14 =	veq.s32 v23, v12;
	vm1 =	vmand vm15, vm1;
	v31 =	vld [tilespmem:s2+$0x300];
	v29 =	vadd.f32 $-2.239999960e+01, v24  }
0x226: {  	vm2 =	vmand vm2, vm0;
	v30 =	vadd.f32 $-2.239999960e+01, v25;
	v45 =	vsel vm1, v43, v32  }
0x227: {  	vm3 =	vmand vm3, vm0;
	v38 =	vadd.f32 $-2.239999960e+01, v26;
	v24 =	vsel vm2, v29, v24;
	[tilespmem:s28+$0x14500] =	vst v45  }
0x228: {  	vm10 =	vmand vm4, vm0;
	v39 =	vadd.f32 $-2.239999960e+01, v27;
	v25 =	vsel vm3, v30, v25;
	[tilespmem:s2+$0x80] =	vst v24  }
0x229: {  	v40 =	vadd.f32 $-2.239999960e+01, v28;
	vm3 =	vmand vm11, vm0;
	v26 =	vsel vm10, v38, v26;
	[tilespmem:s2+$0x100] =	vst v25  }
0x22a: {  	vm13 =	vmand vm12, vm0;
	v42 =	vadd.f32 $-2.239999960e+01, v31;
	v41 =	vsel vm3, v39, v27;
	[tilespmem:s2+$0x180] =	vst v26  }
0x22b: {  	vm2 =	vmand vm14, vm0;
	v24 =	vsel vm13, v40, v28;
	[tilespmem:s2+$0x200] =	vst v41  }
0x22c: {  	s31 =	sor.u32 s25, s26;
	v44 =	vsel vm2, v42, v31;
	[tilespmem:s2+$0x280] =	vst v24  }
0x22d: {  	[tilespmem:s2+$0x300] =	vst v44;
	s2 =	sor.u32 $0x380, s31  }
0x22e: {  	v24 =	vld [tilespmem:s2+$0x14500];
	_ =	sdelay $0x4  }
0x22f: {  	vm4 =	veq.s32 v23, v13;
	v46 =	vadd.f32 $-2.239999960e+01, v24  }
0x230: {  	vm1 =	vmand vm4, vm0  }
0x231: {  	v24 =	vsel vm1, v46, v24  }
0x232: {  	[tilespmem:s2+$0x14500] =	vst v24  }
0x233: {  	v24 =	vld [tilespmem:s28+$0x16500]  }
0x234: {  	v48 =	vld [tilespmem:s28+$0x16600]  }
0x235: {  	v52 =	vld [tilespmem:s28+$0x16780]  }
0x236: {  	vm5 =	veq.s32 v23, v14;
	vm6 =	veq.s32 v23, v15;
	v56 =	vld [tilespmem:s28+$0x16880]  }
0x237: {  	vm7 =	veq.s32 v23, v16;
	vm8 =	veq.s32 v23, v18;
	vm10 =	veq.s32 v23, v19;
	v47 =	vld [tilespmem:s28+$0x16580]  }
0x238: {  	vm11 =	veq.s32 v23, v20;
	vm14 =	veq.s32 v23, v22;
	v50 =	vld [tilespmem:s28+$0x16680];
	v49 =	vadd.f32 $-2.239999960e+01, v24  }
0x239: {  	vm2 =	vmand vm7, vm0;
	vm1 =	vmand vm5, vm0;
	v51 =	vld [tilespmem:s28+$0x16700];
	v54 =	vadd.f32 $-2.239999960e+01, v48  }
0x23a: {  	vm12 =	vmand vm11, vm0;
	v55 =	vld [tilespmem:s28+$0x16800];
	v59 =	vadd.f32 $-2.239999960e+01, v52;
	v24 =	vsel vm1, v49, v24  }
0x23b: {  	vm13 =	veq.s32 v23, v21;
	v23 =	vadd.f32 $-2.239999960e+01, v56;
	v26 =	vsel vm2, v54, v48;
	[tilespmem:s28+$0x16500] =	vst v24  }
0x23c: {  	vm15 =	vmand vm14, vm0;
	v53 =	vadd.f32 $-2.239999960e+01, v47;
	v61 =	vsel vm12, v59, v52;
	[tilespmem:s28+$0x16600] =	vst v26  }
0x23d: {  	v57 =	vadd.f32 $-2.239999960e+01, v50;
	vm1 =	vmand vm6, vm0;
	v23 =	vsel vm15, v23, v56;
	[tilespmem:s28+$0x16780] =	vst v61  }
.Ltmp25:
0x23e: {  	vm9 =	vmand vm8, vm0;
	v58 =	vadd.f32 $-2.239999960e+01, v51;
	v25 =	vsel vm1, v53, v47;
	[tilespmem:s28+$0x16880] =	vst v23;
	(pc) =	sbr.rel .LBB2_29-.Ltmp25, $4  }
0x23f: {  	v62 =	vadd.f32 $-2.239999960e+01, v55;
	vm2 =	vmand vm10, vm0;
	v24 =	vsel vm9, v57, v50;
	[tilespmem:s28+$0x16580] =	vst v25  }
0x240: {  	v60 =	vsel vm2, v58, v51;
	vm1 =	vmand vm13, vm0;
	[tilespmem:s28+$0x16680] =	vst v24  }
0x241: {  	[tilespmem:s28+$0x16700] =	vst v60;
	v63 =	vsel vm1, v62, v55  }
0x242: {  	[tilespmem:s28+$0x16800] =	vst v63  }
.LBB2_33:
0x243: {  	_ =	sfence.sel $0x180000  }
0x244: {  	[bflag:$0x0] =	sbarrier.arrive $0xFFFF  }
0x245: {  	_ =	strace $0x90000047  }
0x246: {  	[bflag:$0x2] =	sbarrier.arrive $0xFFFF  }
0x247: {  	p0 =	sne.s32 s0, $0x0;
	s0 =	rddreg [dreg:$0x3]  }
0x248: {  	s0 =	sadd.s32 @!p0 $0x100000, s0  }
0x249: {  	[sflag:s0] =	ssyncadd.tile.s32 @!p0 $0x1;
	_ =	shalt  }
.Lfunc_end2:
_tile_overlayer_lowered:
.L_overlay_start_2:
0x24a: {  	(tag) =	ssettag $0x2  }
0x24b: {  	s0 =	rddreg [dreg:$0x0];
	s2 =	stileid.u32  }
0x24c: {  	s1 =	rddreg [dreg:$0x1];
	p0 =	sne.s32 s2, $0x0  }
0x24d: {  	s3 =	rddreg [dreg:$0x2];
	[bflag:$0x3] =	sbarrier.arrive $0xFFFF;
	s2 =	simm.s32 @!p0 $0x1C07  }
0x24e: {  	[timem:s3], [sflag:s2] =	dma.local @!p0 [hbm:s0], s1  }
0x24f: {  	s0 =	simm.s32 @!p0 $0x7  }
0x250: {  	_ =	swait.ge @!p0 [sflag:s0], s1  }
0x251: {  	s1 =	ssub.s32 @!p0 $0x0, s1;
	[sflag:s0] =	ssyncset.done @!p0 $0x0  }
0x252: {  	[sflag:s0] =	ssyncadd.s32 @!p0 s1  }
0x253: {  	[bflag:$0x3] =	sbarrier.arrive $0xFFFF  }
0x254: {  	_ =	shalt  }

</sc_bundles>
